<compile_context>
chip_gen: v7x
topology: tpu7x:2x2x1
jax: 0.10.2.dev20260603
libtpu: 0.0.44.dev20260713+nightly
codegen_flags: <defaults>
</compile_context>

<pallas_src>
import functools

import jax
import jax.numpy as jnp
from jax import lax
from jax.experimental import pallas as pl
from jax.experimental.pallas import tpu as pltpu
from jax.experimental.pallas import tpu_sc as plsc

VOCAB = 100000
D = 128
B = 1024
S = 200

NC = 2
NS = 16
NBG = 8
NSG = 4
BCH = B // NBG
SW = S // NSG
SAL = 48
PW = 56
NBUF = 3
NV = D // 16
IDRAIN = 8


def _worker_body(inp_hbm, emb_hbm, pos_hbm, out_hbm,
                 aff_v, idx_v, pos_idx_v, pos_v, gbufs, obufs, oaffs, isem_a,
                 isem_b, gsems, ssems, psem):
    wid = lax.axis_index("s") * NC + lax.axis_index("c")
    bg = wid // NSG
    sg = wid - bg * NSG
    b0 = bg * BCH
    s0 = sg * SW
    align = sg * SAL

    lanes_s = lax.iota(jnp.int32, 16) * S
    base = b0 * S + s0

    @plsc.parallel_loop(0, SW, unroll=2)
    def _(j):
        for g in range(NV):
            aff_v[pl.ds(pl.multiple_of(j * BCH + g * 16, 16), 16)] = (
                lanes_s + (base + g * 16 * S + j))
        src = inp_hbm.at[aff_v.at[pl.ds(pl.multiple_of(j * BCH, BCH), BCH)]]
        dst = idx_v.at[pl.ds(pl.multiple_of(j * BCH, BCH), BCH)]

        @pl.when(j < IDRAIN)
        def _():
            pltpu.async_copy(src, dst, isem_a)

        @pl.when(j >= IDRAIN)
        def _():
            pltpu.async_copy(src, dst, isem_b)

    pltpu.sync_copy(inp_hbm.at[pl.ds(0, S)], pos_idx_v)
    pltpu.async_copy(
        pos_hbm.at[pos_idx_v.at[pl.ds(pl.multiple_of(align, 8), PW)]],
        pos_v, psem)

    pltpu.make_async_copy(inp_hbm.at[pl.ds(0, IDRAIN * BCH)],
                          idx_v.at[pl.ds(0, IDRAIN * BCH)], isem_a).wait()

    def start_gather(j, b):
        idx_slice = idx_v.at[pl.ds(pl.multiple_of(j * BCH, BCH), BCH)]
        pltpu.async_copy(emb_hbm.at[idx_slice], gbufs[b], gsems[b])

    for b in range(NBUF):
        start_gather(b, b)

    pltpu.make_async_copy(pos_hbm.at[pl.ds(0, PW)], pos_v, psem).wait()

    def do_chunk(j, b):
        @pl.when(j == IDRAIN - NBUF)
        def _():
            pltpu.make_async_copy(
                inp_hbm.at[pl.ds(0, (SW - IDRAIN) * BCH)],
                idx_v.at[pl.ds(0, (SW - IDRAIN) * BCH)], isem_b).wait()

        pltpu.make_async_copy(emb_hbm.at[pl.ds(0, BCH)], gbufs[b],
                              gsems[b]).wait()

        @pl.when(j >= NBUF)
        def _():
            pltpu.make_async_copy(
                obufs[b], out_hbm.at[pl.ds(0, BCH)], ssems[b]).wait()

        prow = (s0 + j) - align
        pvecs = [pos_v[prow, pl.ds(db * 16, 16)] for db in range(NV)]

        @plsc.parallel_loop(0, BCH, unroll=8)
        def _(bb, b=b, pvecs=pvecs):
            for db in range(NV):
                dsl = pl.ds(db * 16, 16)
                obufs[b][bb, dsl] = gbufs[b][bb, dsl] + pvecs[db]

        for g in range(NV):
            oaffs[b][pl.ds(g * 16, 16)] = (
                lanes_s + (base + g * 16 * S + j))
        pltpu.async_copy(obufs[b], out_hbm.at[oaffs[b]], ssems[b])

        @pl.when(j + NBUF < SW)
        def _():
            start_gather(j + NBUF, b)

    def outer(i, _):
        jo = i * NBUF
        for b in range(NBUF):
            do_chunk(jo + b, b)
        return 0

    nfull = SW // NBUF
    lax.fori_loop(0, nfull, outer, 0)
    for j in range(nfull * NBUF, SW):
        do_chunk(j, j % NBUF)

    for b in range(NBUF):
        pltpu.make_async_copy(obufs[b], out_hbm.at[pl.ds(0, BCH)],
                              ssems[b]).wait()


@functools.partial(jax.jit, static_argnums=())
def kernel(inp, embed_table, pos_table):
    mesh = plsc.VectorSubcoreMesh(core_axis_name="c", subcore_axis_name="s")
    scratch = (
        [pltpu.VMEM((SW * BCH,), jnp.int32),
         pltpu.VMEM((SW * BCH,), jnp.int32),
         pltpu.VMEM((S,), jnp.int32),
         pltpu.VMEM((PW, D), jnp.float32)]
        + [[pltpu.VMEM((BCH, D), jnp.float32) for _ in range(NBUF)]]
        + [[pltpu.VMEM((BCH, D), jnp.float32) for _ in range(NBUF)]]
        + [[pltpu.VMEM((BCH,), jnp.int32) for _ in range(NBUF)]]
        + [pltpu.SemaphoreType.DMA]
        + [pltpu.SemaphoreType.DMA]
        + [[pltpu.SemaphoreType.DMA for _ in range(NBUF)]]
        + [[pltpu.SemaphoreType.DMA for _ in range(NBUF)]]
        + [pltpu.SemaphoreType.DMA]
    )
    run = pl.kernel(
        _worker_body,
        out_type=jax.ShapeDtypeStruct((B * S, D), jnp.float32),
        mesh=mesh,
        scratch_types=scratch,
    )
    inp = inp.astype(jnp.int32)
    out = run(inp.reshape(B * S), embed_table, pos_table)
    return out.reshape(B, S, D)

# --- scband reference (transcript-rebuilt; emitter-appended) ---
"""Pipeline reference for scband-embed-wrapper-3762391351347 (READ-ONLY COPY).

The authoritative reference and input builder live on the scoring server;
editing this copy changes nothing except your own understanding.
"""

import jax, jax.numpy as jnp
import numpy as np

VOCAB = 100000
EMBED_DIM = 128
BATCH = 1024
SEQ = 200


def setup_inputs(seed: int = 0) -> dict:
    key = jax.random.key(seed)
    k_inp, k_emb, k_pos = jax.random.split(key, 3)
    inp = jax.random.randint(k_inp, (BATCH, SEQ), 0, VOCAB, dtype=jnp.int64 if jax.config.read('jax_enable_x64') else jnp.int32)
    embed_table = jax.random.normal(k_emb, (VOCAB, EMBED_DIM), dtype=jnp.float32) * 0.02
    pos_table = jax.random.normal(k_pos, (VOCAB, EMBED_DIM), dtype=jnp.float32) * 0.02
    return {"inp": inp, "embed_table": embed_table, "pos_table": pos_table}


def reference(inp, embed_table, pos_table):
    # Faithful translation of EmbedWrapper.forward for the 2-D input case.
    if inp.ndim == 1:
        inp2 = inp[None, :]
        x = jnp.take(embed_table, inp2, axis=0)
        pos_x = jnp.take(pos_table, inp2, axis=0)
    else:
        x = jnp.take(embed_table, inp, axis=0)
        # pos_embed is applied to the first row of inp, unsqueezed to [1, seq]
        pos_x = jnp.take(pos_table, inp[0][None, :], axis=0)
    # x += pos_x (broadcast over batch)
    x = x + pos_x
    return x


if False:  # reference __main__ guard neutralized (emitter)
    out = reference(**setup_inputs())
    print(out.shape, out.dtype)

if __name__ == "__main__":
    import jax
    _d = setup_inputs()
    print(jax.jit(kernel)(*tuple(_d.values())))

</pallas_src>

<mosaic_0001>
#map = affine_map<(d0, d1) -> (0)>
#map1 = affine_map<(d0, d1) -> (0, 0)>
module attributes {stable_mosaic.version = 14 : i64} {
  func.func @_worker_body(%arg0: i32, %arg1: i32, %arg2: memref<204800xi32, #tpu.memory_space<hbm>>, %arg3: memref<100000x128xf32, #tpu.memory_space<hbm>>, %arg4: memref<100000x128xf32, #tpu.memory_space<hbm>>, %arg5: memref<204800x128xf32, #tpu.memory_space<hbm>>, %arg6: memref<6400xi32, #tpu.memory_space<vmem>>, %arg7: memref<6400xi32, #tpu.memory_space<vmem>>, %arg8: memref<200xi32, #tpu.memory_space<vmem>>, %arg9: memref<56x128xf32, #tpu.memory_space<vmem>>, %arg10: memref<128x128xf32, #tpu.memory_space<vmem>>, %arg11: memref<128x128xf32, #tpu.memory_space<vmem>>, %arg12: memref<128x128xf32, #tpu.memory_space<vmem>>, %arg13: memref<128x128xf32, #tpu.memory_space<vmem>>, %arg14: memref<128x128xf32, #tpu.memory_space<vmem>>, %arg15: memref<128x128xf32, #tpu.memory_space<vmem>>, %arg16: memref<128xi32, #tpu.memory_space<vmem>>, %arg17: memref<128xi32, #tpu.memory_space<vmem>>, %arg18: memref<128xi32, #tpu.memory_space<vmem>>, %arg19: memref<!tpu.dma_semaphore, #tpu.memory_space<semaphore_mem>>, %arg20: memref<!tpu.dma_semaphore, #tpu.memory_space<semaphore_mem>>, %arg21: memref<!tpu.dma_semaphore, #tpu.memory_space<semaphore_mem>>, %arg22: memref<!tpu.dma_semaphore, #tpu.memory_space<semaphore_mem>>, %arg23: memref<!tpu.dma_semaphore, #tpu.memory_space<semaphore_mem>>, %arg24: memref<!tpu.dma_semaphore, #tpu.memory_space<semaphore_mem>>, %arg25: memref<!tpu.dma_semaphore, #tpu.memory_space<semaphore_mem>>, %arg26: memref<!tpu.dma_semaphore, #tpu.memory_space<semaphore_mem>>, %arg27: memref<!tpu.dma_semaphore, #tpu.memory_space<semaphore_mem>>) attributes {dimension_semantics = [#tpu.dimension_semantics<core_parallel>, #tpu.dimension_semantics<subcore_parallel>], iteration_bounds = array<i64: 2, 16>, scalar_prefetch = 0 : i64, scratch_operands = 22 : i64, tpu.core_type = #tpu.core_type<sc_vector_subcore>, window_params = [{transform_indices = #map}, {transform_indices = #map1}, {transform_indices = #map1}, {transform_indices = #map1}]} {
    %mul3A = arith.constant 2 : i32
    %mul3A_0 = arith.muli %arg1, %mul3A : i32
    %add3A = arith.addi %mul3A_0, %arg0 : i32
    %jit3A = arith.constant 4 : i32
    %div3A = arith.divsi %add3A, %jit3A : i32
    %sign3A = arith.constant 0 : i32
    %sign3A_1 = arith.cmpi sgt, %add3A, %sign3A : i32
    %sign3A_2 = arith.extui %sign3A_1 : i1 to i32
    %sign3A_3 = arith.constant 0 : i32
    %sign3A_4 = arith.cmpi slt, %add3A, %sign3A_3 : i32
    %sign3A_5 = arith.extui %sign3A_4 : i1 to i32
    %sign3A_6 = arith.subi %sign3A_2, %sign3A_5 : i32
    %sign3A_7 = arith.constant 0 : i32
    %sign3A_8 = arith.cmpi sgt, %jit3A, %sign3A_7 : i32
    %sign3A_9 = arith.extui %sign3A_8 : i1 to i32
    %sign3A_10 = arith.constant 0 : i32
    %sign3A_11 = arith.cmpi slt, %jit3A, %sign3A_10 : i32
    %sign3A_12 = arith.extui %sign3A_11 : i1 to i32
    %sign3A_13 = arith.subi %sign3A_9, %sign3A_12 : i32
    %ne3A = arith.cmpi ne, %sign3A_6, %sign3A_13 : i32
    %rem3A = arith.remsi %add3A, %jit3A : i32
    %ne3A_14 = arith.constant 0 : i32
    %ne3A_15 = arith.cmpi ne, %rem3A, %ne3A_14 : i32
    %and3A = arith.andi %ne3A, %ne3A_15 : i1
    %sub3A = arith.constant 1 : i32
    %sub3A_16 = arith.subi %div3A, %sub3A : i32
    %select_n3A = arith.select %and3A, %sub3A_16, %div3A : i32
    %mul3A_17 = arith.constant 4 : i32
    %mul3A_18 = arith.muli %select_n3A, %mul3A_17 : i32
    %sub3A_19 = arith.subi %add3A, %mul3A_18 : i32
    %mul3A_20 = arith.constant 128 : i32
    %mul3A_21 = arith.muli %select_n3A, %mul3A_20 : i32
    %mul3A_22 = arith.constant 50 : i32
    %mul3A_23 = arith.muli %sub3A_19, %mul3A_22 : i32
    %mul3A_24 = arith.constant 48 : i32
    %mul3A_25 = arith.muli %sub3A_19, %mul3A_24 : i32
    %iota3A = tpu.iota {dimensions = array<i32: 0>} : vector<16xi32>
    %mul3A_26 = arith.constant 200 : i32
    %mul3A_27 = vector.broadcast %mul3A_26 : i32 to vector<16xi32>
    %mul3A_28 = arith.muli %iota3A, %mul3A_27 : vector<16xi32>
    %mul3A_29 = arith.constant 200 : i32
    %mul3A_30 = arith.muli %mul3A_21, %mul3A_29 : i32
    %add3A_31 = arith.addi %mul3A_30, %mul3A_23 : i32
    %parallel_loop3A = arith.constant 0 : i32
    %parallel_loop3A_32 = arith.constant 50 : i32
    %parallel_loop3A_33 = arith.constant 1 : i32
    scf.for %parallel_loop3A_356 = %parallel_loop3A to %parallel_loop3A_32 step %parallel_loop3A_33  : i32 {
      %parallel_loop3A_357 = arith.constant 0 : i32
      %parallel_loop3A_358 = arith.addi %add3A_31, %parallel_loop3A_357 : i32
      %parallel_loop3A_359 = arith.addi %parallel_loop3A_358, %parallel_loop3A_356 : i32
      %parallel_loop3A_360 = vector.broadcast %parallel_loop3A_359 : i32 to vector<16xi32>
      %parallel_loop3A_361 = arith.addi %mul3A_28, %parallel_loop3A_360 : vector<16xi32>
      %parallel_loop3A_362 = arith.constant 128 : i32
      %parallel_loop3A_363 = arith.muli %parallel_loop3A_356, %parallel_loop3A_362 : i32
      %parallel_loop3A_364 = arith.constant 0 : i32
      %parallel_loop3A_365 = arith.addi %parallel_loop3A_363, %parallel_loop3A_364 : i32
      %parallel_loop3A_366 = tpu.assume_multiple %parallel_loop3A_365, 16 : i32
      %parallel_loop3A_367 = arith.index_cast %parallel_loop3A_366 : i32 to index
      %parallel_loop3A_368 = tpu.vector_load %arg6[%parallel_loop3A_367] {strides = array<i32>} : memref<6400xi32, #tpu.memory_space<vmem>>, vector<16xi32>,
      %parallel_loop3A_369 = vector.shape_cast %parallel_loop3A_368 : vector<16xi32> to vector<16xi32>
      %parallel_loop3A_370 = vector.shape_cast %parallel_loop3A_361 : vector<16xi32> to vector<16xi32>
      tpu.vector_store %arg6[%parallel_loop3A_367], %parallel_loop3A_370 {strides = array<i32>} : memref<6400xi32, #tpu.memory_space<vmem>>, vector<16xi32>,
      %parallel_loop3A_371 = arith.constant 3200 : i32
      %parallel_loop3A_372 = arith.addi %add3A_31, %parallel_loop3A_371 : i32
      %parallel_loop3A_373 = arith.addi %parallel_loop3A_372, %parallel_loop3A_356 : i32
      %parallel_loop3A_374 = vector.broadcast %parallel_loop3A_373 : i32 to vector<16xi32>
      %parallel_loop3A_375 = arith.addi %mul3A_28, %parallel_loop3A_374 : vector<16xi32>
      %parallel_loop3A_376 = arith.constant 128 : i32
      %parallel_loop3A_377 = arith.muli %parallel_loop3A_356, %parallel_loop3A_376 : i32
      %parallel_loop3A_378 = arith.constant 16 : i32
      %parallel_loop3A_379 = arith.addi %parallel_loop3A_377, %parallel_loop3A_378 : i32
      %parallel_loop3A_380 = tpu.assume_multiple %parallel_loop3A_379, 16 : i32
      %parallel_loop3A_381 = arith.index_cast %parallel_loop3A_380 : i32 to index
      %parallel_loop3A_382 = tpu.vector_load %arg6[%parallel_loop3A_381] {strides = array<i32>} : memref<6400xi32, #tpu.memory_space<vmem>>, vector<16xi32>,
      %parallel_loop3A_383 = vector.shape_cast %parallel_loop3A_382 : vector<16xi32> to vector<16xi32>
      %parallel_loop3A_384 = vector.shape_cast %parallel_loop3A_375 : vector<16xi32> to vector<16xi32>
      tpu.vector_store %arg6[%parallel_loop3A_381], %parallel_loop3A_384 {strides = array<i32>} : memref<6400xi32, #tpu.memory_space<vmem>>, vector<16xi32>,
      %parallel_loop3A_385 = arith.constant 6400 : i32
      %parallel_loop3A_386 = arith.addi %add3A_31, %parallel_loop3A_385 : i32
      %parallel_loop3A_387 = arith.addi %parallel_loop3A_386, %parallel_loop3A_356 : i32
      %parallel_loop3A_388 = vector.broadcast %parallel_loop3A_387 : i32 to vector<16xi32>
      %parallel_loop3A_389 = arith.addi %mul3A_28, %parallel_loop3A_388 : vector<16xi32>
      %parallel_loop3A_390 = arith.constant 128 : i32
      %parallel_loop3A_391 = arith.muli %parallel_loop3A_356, %parallel_loop3A_390 : i32
      %parallel_loop3A_392 = arith.constant 32 : i32
      %parallel_loop3A_393 = arith.addi %parallel_loop3A_391, %parallel_loop3A_392 : i32
      %parallel_loop3A_394 = tpu.assume_multiple %parallel_loop3A_393, 16 : i32
      %parallel_loop3A_395 = arith.index_cast %parallel_loop3A_394 : i32 to index
      %parallel_loop3A_396 = tpu.vector_load %arg6[%parallel_loop3A_395] {strides = array<i32>} : memref<6400xi32, #tpu.memory_space<vmem>>, vector<16xi32>,
      %parallel_loop3A_397 = vector.shape_cast %parallel_loop3A_396 : vector<16xi32> to vector<16xi32>
      %parallel_loop3A_398 = vector.shape_cast %parallel_loop3A_389 : vector<16xi32> to vector<16xi32>
      tpu.vector_store %arg6[%parallel_loop3A_395], %parallel_loop3A_398 {strides = array<i32>} : memref<6400xi32, #tpu.memory_space<vmem>>, vector<16xi32>,
      %parallel_loop3A_399 = arith.constant 9600 : i32
      %parallel_loop3A_400 = arith.addi %add3A_31, %parallel_loop3A_399 : i32
      %parallel_loop3A_401 = arith.addi %parallel_loop3A_400, %parallel_loop3A_356 : i32
      %parallel_loop3A_402 = vector.broadcast %parallel_loop3A_401 : i32 to vector<16xi32>
      %parallel_loop3A_403 = arith.addi %mul3A_28, %parallel_loop3A_402 : vector<16xi32>
      %parallel_loop3A_404 = arith.constant 128 : i32
      %parallel_loop3A_405 = arith.muli %parallel_loop3A_356, %parallel_loop3A_404 : i32
      %parallel_loop3A_406 = arith.constant 48 : i32
      %parallel_loop3A_407 = arith.addi %parallel_loop3A_405, %parallel_loop3A_406 : i32
      %parallel_loop3A_408 = tpu.assume_multiple %parallel_loop3A_407, 16 : i32
      %parallel_loop3A_409 = arith.index_cast %parallel_loop3A_408 : i32 to index
      %parallel_loop3A_410 = tpu.vector_load %arg6[%parallel_loop3A_409] {strides = array<i32>} : memref<6400xi32, #tpu.memory_space<vmem>>, vector<16xi32>,
      %parallel_loop3A_411 = vector.shape_cast %parallel_loop3A_410 : vector<16xi32> to vector<16xi32>
      %parallel_loop3A_412 = vector.shape_cast %parallel_loop3A_403 : vector<16xi32> to vector<16xi32>
      tpu.vector_store %arg6[%parallel_loop3A_409], %parallel_loop3A_412 {strides = array<i32>} : memref<6400xi32, #tpu.memory_space<vmem>>, vector<16xi32>,
      %parallel_loop3A_413 = arith.constant 12800 : i32
      %parallel_loop3A_414 = arith.addi %add3A_31, %parallel_loop3A_413 : i32
      %parallel_loop3A_415 = arith.addi %parallel_loop3A_414, %parallel_loop3A_356 : i32
      %parallel_loop3A_416 = vector.broadcast %parallel_loop3A_415 : i32 to vector<16xi32>
      %parallel_loop3A_417 = arith.addi %mul3A_28, %parallel_loop3A_416 : vector<16xi32>
      %parallel_loop3A_418 = arith.constant 128 : i32
      %parallel_loop3A_419 = arith.muli %parallel_loop3A_356, %parallel_loop3A_418 : i32
      %parallel_loop3A_420 = arith.constant 64 : i32
      %parallel_loop3A_421 = arith.addi %parallel_loop3A_419, %parallel_loop3A_420 : i32
      %parallel_loop3A_422 = tpu.assume_multiple %parallel_loop3A_421, 16 : i32
      %parallel_loop3A_423 = arith.index_cast %parallel_loop3A_422 : i32 to index
      %parallel_loop3A_424 = tpu.vector_load %arg6[%parallel_loop3A_423] {strides = array<i32>} : memref<6400xi32, #tpu.memory_space<vmem>>, vector<16xi32>,
      %parallel_loop3A_425 = vector.shape_cast %parallel_loop3A_424 : vector<16xi32> to vector<16xi32>
      %parallel_loop3A_426 = vector.shape_cast %parallel_loop3A_417 : vector<16xi32> to vector<16xi32>
      tpu.vector_store %arg6[%parallel_loop3A_423], %parallel_loop3A_426 {strides = array<i32>} : memref<6400xi32, #tpu.memory_space<vmem>>, vector<16xi32>,
      %parallel_loop3A_427 = arith.constant 16000 : i32
      %parallel_loop3A_428 = arith.addi %add3A_31, %parallel_loop3A_427 : i32
      %parallel_loop3A_429 = arith.addi %parallel_loop3A_428, %parallel_loop3A_356 : i32
      %parallel_loop3A_430 = vector.broadcast %parallel_loop3A_429 : i32 to vector<16xi32>
      %parallel_loop3A_431 = arith.addi %mul3A_28, %parallel_loop3A_430 : vector<16xi32>
      %parallel_loop3A_432 = arith.constant 128 : i32
      %parallel_loop3A_433 = arith.muli %parallel_loop3A_356, %parallel_loop3A_432 : i32
      %parallel_loop3A_434 = arith.constant 80 : i32
      %parallel_loop3A_435 = arith.addi %parallel_loop3A_433, %parallel_loop3A_434 : i32
      %parallel_loop3A_436 = tpu.assume_multiple %parallel_loop3A_435, 16 : i32
      %parallel_loop3A_437 = arith.index_cast %parallel_loop3A_436 : i32 to index
      %parallel_loop3A_438 = tpu.vector_load %arg6[%parallel_loop3A_437] {strides = array<i32>} : memref<6400xi32, #tpu.memory_space<vmem>>, vector<16xi32>,
      %parallel_loop3A_439 = vector.shape_cast %parallel_loop3A_438 : vector<16xi32> to vector<16xi32>
      %parallel_loop3A_440 = vector.shape_cast %parallel_loop3A_431 : vector<16xi32> to vector<16xi32>
      tpu.vector_store %arg6[%parallel_loop3A_437], %parallel_loop3A_440 {strides = array<i32>} : memref<6400xi32, #tpu.memory_space<vmem>>, vector<16xi32>,
      %parallel_loop3A_441 = arith.constant 19200 : i32
      %parallel_loop3A_442 = arith.addi %add3A_31, %parallel_loop3A_441 : i32
      %parallel_loop3A_443 = arith.addi %parallel_loop3A_442, %parallel_loop3A_356 : i32
      %parallel_loop3A_444 = vector.broadcast %parallel_loop3A_443 : i32 to vector<16xi32>
      %parallel_loop3A_445 = arith.addi %mul3A_28, %parallel_loop3A_444 : vector<16xi32>
      %parallel_loop3A_446 = arith.constant 128 : i32
      %parallel_loop3A_447 = arith.muli %parallel_loop3A_356, %parallel_loop3A_446 : i32
      %parallel_loop3A_448 = arith.constant 96 : i32
      %parallel_loop3A_449 = arith.addi %parallel_loop3A_447, %parallel_loop3A_448 : i32
      %parallel_loop3A_450 = tpu.assume_multiple %parallel_loop3A_449, 16 : i32
      %parallel_loop3A_451 = arith.index_cast %parallel_loop3A_450 : i32 to index
      %parallel_loop3A_452 = tpu.vector_load %arg6[%parallel_loop3A_451] {strides = array<i32>} : memref<6400xi32, #tpu.memory_space<vmem>>, vector<16xi32>,
      %parallel_loop3A_453 = vector.shape_cast %parallel_loop3A_452 : vector<16xi32> to vector<16xi32>
      %parallel_loop3A_454 = vector.shape_cast %parallel_loop3A_445 : vector<16xi32> to vector<16xi32>
      tpu.vector_store %arg6[%parallel_loop3A_451], %parallel_loop3A_454 {strides = array<i32>} : memref<6400xi32, #tpu.memory_space<vmem>>, vector<16xi32>,
      %parallel_loop3A_455 = arith.constant 22400 : i32
      %parallel_loop3A_456 = arith.addi %add3A_31, %parallel_loop3A_455 : i32
      %parallel_loop3A_457 = arith.addi %parallel_loop3A_456, %parallel_loop3A_356 : i32
      %parallel_loop3A_458 = vector.broadcast %parallel_loop3A_457 : i32 to vector<16xi32>
      %parallel_loop3A_459 = arith.addi %mul3A_28, %parallel_loop3A_458 : vector<16xi32>
      %parallel_loop3A_460 = arith.constant 128 : i32
      %parallel_loop3A_461 = arith.muli %parallel_loop3A_356, %parallel_loop3A_460 : i32
      %parallel_loop3A_462 = arith.constant 112 : i32
      %parallel_loop3A_463 = arith.addi %parallel_loop3A_461, %parallel_loop3A_462 : i32
      %parallel_loop3A_464 = tpu.assume_multiple %parallel_loop3A_463, 16 : i32
      %parallel_loop3A_465 = arith.index_cast %parallel_loop3A_464 : i32 to index
      %parallel_loop3A_466 = tpu.vector_load %arg6[%parallel_loop3A_465] {strides = array<i32>} : memref<6400xi32, #tpu.memory_space<vmem>>, vector<16xi32>,
      %parallel_loop3A_467 = vector.shape_cast %parallel_loop3A_466 : vector<16xi32> to vector<16xi32>
      %parallel_loop3A_468 = vector.shape_cast %parallel_loop3A_459 : vector<16xi32> to vector<16xi32>
      tpu.vector_store %arg6[%parallel_loop3A_465], %parallel_loop3A_468 {strides = array<i32>} : memref<6400xi32, #tpu.memory_space<vmem>>, vector<16xi32>,
      %parallel_loop3A_469 = arith.constant 128 : i32
      %parallel_loop3A_470 = arith.muli %parallel_loop3A_356, %parallel_loop3A_469 : i32
      %parallel_loop3A_471 = tpu.assume_multiple %parallel_loop3A_470, 128 : i32
      %parallel_loop3A_472 = arith.constant 128 : i32
      %parallel_loop3A_473 = arith.muli %parallel_loop3A_356, %parallel_loop3A_472 : i32
      %parallel_loop3A_474 = tpu.assume_multiple %parallel_loop3A_473, 128 : i32
      %parallel_loop3A_475 = arith.constant 8 : i32
      %parallel_loop3A_476 = arith.cmpi slt, %parallel_loop3A_356, %parallel_loop3A_475 : i32
      %parallel_loop3A_477 = arith.extui %parallel_loop3A_476 : i1 to i32
      %parallel_loop3A_478 = arith.constant 0 : i32
      %parallel_loop3A_479 = arith.cmpi ne, %parallel_loop3A_477, %parallel_loop3A_478 : i32
      scf.if %parallel_loop3A_479 {
        %parallel_loop3A_485 = tpu.memref_slice %arg7[%parallel_loop3A_474] : memref<6400xi32, #tpu.memory_space<vmem>> -> memref<128xi32, #tpu.memory_space<vmem>>
        %parallel_loop3A_486 = tpu.memref_slice %arg6[%parallel_loop3A_471] : memref<6400xi32, #tpu.memory_space<vmem>> -> memref<128xi32, #tpu.memory_space<vmem>>
        %parallel_loop3A_487 = arith.constant 0 : i32
        %parallel_loop3A_488 = tpu.memref_slice %arg2[%parallel_loop3A_487] : memref<204800xi32, #tpu.memory_space<hbm>> -> memref<204800xi32, #tpu.memory_space<hbm>>
        tpu.enqueue_indirect_dma source(%parallel_loop3A_488 : memref<204800xi32, #tpu.memory_space<hbm>>) target(%parallel_loop3A_485 : memref<128xi32, #tpu.memory_space<vmem>>) offsets(%parallel_loop3A_486 : memref<128xi32, #tpu.memory_space<vmem>>) semaphore(%arg19 : memref<!tpu.dma_semaphore, #tpu.memory_space<semaphore_mem>>)
      } else {
      }
      %parallel_loop3A_480 = arith.constant 8 : i32
      %parallel_loop3A_481 = arith.cmpi sge, %parallel_loop3A_356, %parallel_loop3A_480 : i32
      %parallel_loop3A_482 = arith.extui %parallel_loop3A_481 : i1 to i32
      %parallel_loop3A_483 = arith.constant 0 : i32
      %parallel_loop3A_484 = arith.cmpi ne, %parallel_loop3A_482, %parallel_loop3A_483 : i32
      scf.if %parallel_loop3A_484 {
        %parallel_loop3A_485 = tpu.memref_slice %arg7[%parallel_loop3A_474] : memref<6400xi32, #tpu.memory_space<vmem>> -> memref<128xi32, #tpu.memory_space<vmem>>
        %parallel_loop3A_486 = tpu.memref_slice %arg6[%parallel_loop3A_471] : memref<6400xi32, #tpu.memory_space<vmem>> -> memref<128xi32, #tpu.memory_space<vmem>>
        %parallel_loop3A_487 = arith.constant 0 : i32
        %parallel_loop3A_488 = tpu.memref_slice %arg2[%parallel_loop3A_487] : memref<204800xi32, #tpu.memory_space<hbm>> -> memref<204800xi32, #tpu.memory_space<hbm>>
        tpu.enqueue_indirect_dma source(%parallel_loop3A_488 : memref<204800xi32, #tpu.memory_space<hbm>>) target(%parallel_loop3A_485 : memref<128xi32, #tpu.memory_space<vmem>>) offsets(%parallel_loop3A_486 : memref<128xi32, #tpu.memory_space<vmem>>) semaphore(%arg20 : memref<!tpu.dma_semaphore, #tpu.memory_space<semaphore_mem>>)
      } else {
      }
    } {sc.loop_unroll_factor = 2 : i64, sc.parallel_access}
    "tpu.region"() ({
      %run_scoped3A = tpu.sem_alloc : memref<!tpu.dma_semaphore, #tpu.memory_space<semaphore_mem>>
      %dma_start3A_356 = arith.constant 0 : i32
      %dma_start3A_357 = tpu.memref_slice %arg2[%dma_start3A_356] : memref<204800xi32, #tpu.memory_space<hbm>> -> memref<200xi32, #tpu.memory_space<hbm>>
      %dma_start3A_358 = arith.constant 0 : i32
      %dma_start3A_359 = tpu.memref_slice %arg2[%dma_start3A_358] : memref<204800xi32, #tpu.memory_space<hbm>> -> memref<200xi32, #tpu.memory_space<hbm>>
      tpu.enqueue_dma source(%dma_start3A_359 : memref<200xi32, #tpu.memory_space<hbm>>) target(%arg8 : memref<200xi32, #tpu.memory_space<vmem>>) target_semaphore(%run_scoped3A : memref<!tpu.dma_semaphore, #tpu.memory_space<semaphore_mem>>)
      %dma_wait3A_360 = arith.constant 0 : i32
      %dma_wait3A_361 = tpu.memref_slice %arg2[%dma_wait3A_360] : memref<204800xi32, #tpu.memory_space<hbm>> -> memref<200xi32, #tpu.memory_space<hbm>>
      %dma_wait3A_362 = arith.constant 0 : i32
      %dma_wait3A_363 = tpu.memref_slice %arg2[%dma_wait3A_362] : memref<204800xi32, #tpu.memory_space<hbm>> -> memref<200xi32, #tpu.memory_space<hbm>>
      tpu.wait_dma2 semaphore(%run_scoped3A : memref<!tpu.dma_semaphore, #tpu.memory_space<semaphore_mem>>) src(%dma_wait3A_363 : memref<200xi32, #tpu.memory_space<hbm>>) dst(%arg8 : memref<200xi32, #tpu.memory_space<vmem>>)
      tpu.yield
    }) : () -> ()
    %multiple_of3A = tpu.assume_multiple %mul3A_25, 8 : i32
    %dma_start3A = tpu.memref_slice %arg8[%multiple_of3A] : memref<200xi32, #tpu.memory_space<vmem>> -> memref<56xi32, #tpu.memory_space<vmem>>
    %dma_start3A_34 = arith.constant 0 : i32
    %dma_start3A_35 = arith.constant 0 : i32
    %dma_start3A_36 = tpu.memref_slice %arg4[%dma_start3A_34, %dma_start3A_35] : memref<100000x128xf32, #tpu.memory_space<hbm>> -> memref<100000x128xf32, #tpu.memory_space<hbm>>
    tpu.enqueue_indirect_dma source(%dma_start3A_36 : memref<100000x128xf32, #tpu.memory_space<hbm>>) target(%arg9 : memref<56x128xf32, #tpu.memory_space<vmem>>) offsets(%dma_start3A : memref<56xi32, #tpu.memory_space<vmem>>) semaphore(%arg27 : memref<!tpu.dma_semaphore, #tpu.memory_space<semaphore_mem>>)
    %dma_wait3A = arith.constant 0 : i32
    %dma_wait3A_37 = tpu.memref_slice %arg7[%dma_wait3A] : memref<6400xi32, #tpu.memory_space<vmem>> -> memref<1024xi32, #tpu.memory_space<vmem>>
    %dma_wait3A_38 = arith.constant 0 : i32
    %dma_wait3A_39 = tpu.memref_slice %arg2[%dma_wait3A_38] : memref<204800xi32, #tpu.memory_space<hbm>> -> memref<1024xi32, #tpu.memory_space<hbm>>
    %dma_wait3A_40 = arith.constant 0 : i32
    %dma_wait3A_41 = tpu.memref_slice %arg7[%dma_wait3A_40] : memref<6400xi32, #tpu.memory_space<vmem>> -> memref<1024xi32, #tpu.memory_space<vmem>>
    %dma_wait3A_42 = arith.constant 0 : i32
    %dma_wait3A_43 = tpu.memref_slice %arg2[%dma_wait3A_42] : memref<204800xi32, #tpu.memory_space<hbm>> -> memref<1024xi32, #tpu.memory_space<hbm>>
    tpu.wait_dma2 semaphore(%arg19 : memref<!tpu.dma_semaphore, #tpu.memory_space<semaphore_mem>>) src(%dma_wait3A_43 : memref<1024xi32, #tpu.memory_space<hbm>>) dst(%dma_wait3A_41 : memref<1024xi32, #tpu.memory_space<vmem>>)
    %multiple_of3A_44 = arith.constant 0 : i32
    %multiple_of3A_45 = tpu.assume_multiple %multiple_of3A_44, 128 : i32
    %dma_start3A_46 = tpu.memref_slice %arg7[%multiple_of3A_45] : memref<6400xi32, #tpu.memory_space<vmem>> -> memref<128xi32, #tpu.memory_space<vmem>>
    %dma_start3A_47 = arith.constant 0 : i32
    %dma_start3A_48 = arith.constant 0 : i32
    %dma_start3A_49 = tpu.memref_slice %arg3[%dma_start3A_47, %dma_start3A_48] : memref<100000x128xf32, #tpu.memory_space<hbm>> -> memref<100000x128xf32, #tpu.memory_space<hbm>>
    tpu.enqueue_indirect_dma source(%dma_start3A_49 : memref<100000x128xf32, #tpu.memory_space<hbm>>) target(%arg10 : memref<128x128xf32, #tpu.memory_space<vmem>>) offsets(%dma_start3A_46 : memref<128xi32, #tpu.memory_space<vmem>>) semaphore(%arg21 : memref<!tpu.dma_semaphore, #tpu.memory_space<semaphore_mem>>)
    %multiple_of3A_50 = arith.constant 128 : i32
    %multiple_of3A_51 = tpu.assume_multiple %multiple_of3A_50, 128 : i32
    %dma_start3A_52 = tpu.memref_slice %arg7[%multiple_of3A_51] : memref<6400xi32, #tpu.memory_space<vmem>> -> memref<128xi32, #tpu.memory_space<vmem>>
    %dma_start3A_53 = arith.constant 0 : i32
    %dma_start3A_54 = arith.constant 0 : i32
    %dma_start3A_55 = tpu.memref_slice %arg3[%dma_start3A_53, %dma_start3A_54] : memref<100000x128xf32, #tpu.memory_space<hbm>> -> memref<100000x128xf32, #tpu.memory_space<hbm>>
    tpu.enqueue_indirect_dma source(%dma_start3A_55 : memref<100000x128xf32, #tpu.memory_space<hbm>>) target(%arg11 : memref<128x128xf32, #tpu.memory_space<vmem>>) offsets(%dma_start3A_52 : memref<128xi32, #tpu.memory_space<vmem>>) semaphore(%arg22 : memref<!tpu.dma_semaphore, #tpu.memory_space<semaphore_mem>>)
    %multiple_of3A_56 = arith.constant 256 : i32
    %multiple_of3A_57 = tpu.assume_multiple %multiple_of3A_56, 128 : i32
    %dma_start3A_58 = tpu.memref_slice %arg7[%multiple_of3A_57] : memref<6400xi32, #tpu.memory_space<vmem>> -> memref<128xi32, #tpu.memory_space<vmem>>
    %dma_start3A_59 = arith.constant 0 : i32
    %dma_start3A_60 = arith.constant 0 : i32
    %dma_start3A_61 = tpu.memref_slice %arg3[%dma_start3A_59, %dma_start3A_60] : memref<100000x128xf32, #tpu.memory_space<hbm>> -> memref<100000x128xf32, #tpu.memory_space<hbm>>
    tpu.enqueue_indirect_dma source(%dma_start3A_61 : memref<100000x128xf32, #tpu.memory_space<hbm>>) target(%arg12 : memref<128x128xf32, #tpu.memory_space<vmem>>) offsets(%dma_start3A_58 : memref<128xi32, #tpu.memory_space<vmem>>) semaphore(%arg23 : memref<!tpu.dma_semaphore, #tpu.memory_space<semaphore_mem>>)
    %dma_wait3A_62 = arith.constant 0 : i32
    %dma_wait3A_63 = arith.constant 0 : i32
    %dma_wait3A_64 = tpu.memref_slice %arg4[%dma_wait3A_62, %dma_wait3A_63] : memref<100000x128xf32, #tpu.memory_space<hbm>> -> memref<56x128xf32, #tpu.memory_space<hbm>>
    %dma_wait3A_65 = arith.constant 0 : i32
    %dma_wait3A_66 = arith.constant 0 : i32
    %dma_wait3A_67 = tpu.memref_slice %arg4[%dma_wait3A_65, %dma_wait3A_66] : memref<100000x128xf32, #tpu.memory_space<hbm>> -> memref<56x128xf32, #tpu.memory_space<hbm>>
    tpu.wait_dma2 semaphore(%arg27 : memref<!tpu.dma_semaphore, #tpu.memory_space<semaphore_mem>>) src(%dma_wait3A_67 : memref<56x128xf32, #tpu.memory_space<hbm>>) dst(%arg9 : memref<56x128xf32, #tpu.memory_space<vmem>>)
    %scan3A = arith.constant 0 : i32
    %scan3A_68 = arith.constant 0 : i32
    %scan3A_69 = arith.constant 16 : i32
    %scan3A_70 = arith.addi %scan3A_68, %scan3A_69 : i32
    %scan3A_71 = arith.constant 1 : i32
    %scan3A_72 = scf.for %scan3A_356 = %scan3A_68 to %scan3A_70 step %scan3A_71 iter_args(%scan3A_357 = %scan3A) -> (i32)  : i32 {
      %mul3A_358 = arith.constant 3 : i32
      %mul3A_359 = arith.muli %scan3A_356, %mul3A_358 : i32
      %add3A_360 = arith.constant 0 : i32
      %add3A_361 = arith.addi %mul3A_359, %add3A_360 : i32
      %eq3A = arith.constant 5 : i32
      %eq3A_362 = arith.cmpi eq, %add3A_361, %eq3A : i32
      %convert_element_type3A = arith.extui %eq3A_362 : i1 to i32
      %cond3A = arith.constant 0 : i32
      %cond3A_363 = arith.cmpi ne, %convert_element_type3A, %cond3A : i32
      scf.if %cond3A_363 {
        %dma_wait3A_767 = arith.constant 0 : i32
        %dma_wait3A_768 = tpu.memref_slice %arg7[%dma_wait3A_767] : memref<6400xi32, #tpu.memory_space<vmem>> -> memref<5376xi32, #tpu.memory_space<vmem>>
        %dma_wait3A_769 = arith.constant 0 : i32
        %dma_wait3A_770 = tpu.memref_slice %arg2[%dma_wait3A_769] : memref<204800xi32, #tpu.memory_space<hbm>> -> memref<5376xi32, #tpu.memory_space<hbm>>
        %dma_wait3A_771 = arith.constant 0 : i32
        %dma_wait3A_772 = tpu.memref_slice %arg7[%dma_wait3A_771] : memref<6400xi32, #tpu.memory_space<vmem>> -> memref<5376xi32, #tpu.memory_space<vmem>>
        %dma_wait3A_773 = arith.constant 0 : i32
        %dma_wait3A_774 = tpu.memref_slice %arg2[%dma_wait3A_773] : memref<204800xi32, #tpu.memory_space<hbm>> -> memref<5376xi32, #tpu.memory_space<hbm>>
        tpu.wait_dma2 semaphore(%arg20 : memref<!tpu.dma_semaphore, #tpu.memory_space<semaphore_mem>>) src(%dma_wait3A_774 : memref<5376xi32, #tpu.memory_space<hbm>>) dst(%dma_wait3A_772 : memref<5376xi32, #tpu.memory_space<vmem>>)
      } else {
      }
      %dma_wait3A_364 = arith.constant 0 : i32
      %dma_wait3A_365 = arith.constant 0 : i32
      %dma_wait3A_366 = tpu.memref_slice %arg3[%dma_wait3A_364, %dma_wait3A_365] : memref<100000x128xf32, #tpu.memory_space<hbm>> -> memref<128x128xf32, #tpu.memory_space<hbm>>
      %dma_wait3A_367 = arith.constant 0 : i32
      %dma_wait3A_368 = arith.constant 0 : i32
      %dma_wait3A_369 = tpu.memref_slice %arg3[%dma_wait3A_367, %dma_wait3A_368] : memref<100000x128xf32, #tpu.memory_space<hbm>> -> memref<128x128xf32, #tpu.memory_space<hbm>>
      tpu.wait_dma2 semaphore(%arg21 : memref<!tpu.dma_semaphore, #tpu.memory_space<semaphore_mem>>) src(%dma_wait3A_369 : memref<128x128xf32, #tpu.memory_space<hbm>>) dst(%arg10 : memref<128x128xf32, #tpu.memory_space<vmem>>)
      %ge3A = arith.constant 3 : i32
      %ge3A_370 = arith.cmpi sge, %add3A_361, %ge3A : i32
      %convert_element_type3A_371 = arith.extui %ge3A_370 : i1 to i32
      %cond3A_372 = arith.constant 0 : i32
      %cond3A_373 = arith.cmpi ne, %convert_element_type3A_371, %cond3A_372 : i32
      scf.if %cond3A_373 {
        %dma_wait3A_767 = arith.constant 0 : i32
        %dma_wait3A_768 = arith.constant 0 : i32
        %dma_wait3A_769 = tpu.memref_slice %arg5[%dma_wait3A_767, %dma_wait3A_768] : memref<204800x128xf32, #tpu.memory_space<hbm>> -> memref<128x128xf32, #tpu.memory_space<hbm>>
        %dma_wait3A_770 = arith.constant 0 : i32
        %dma_wait3A_771 = arith.constant 0 : i32
        %dma_wait3A_772 = tpu.memref_slice %arg5[%dma_wait3A_770, %dma_wait3A_771] : memref<204800x128xf32, #tpu.memory_space<hbm>> -> memref<128x128xf32, #tpu.memory_space<hbm>>
        tpu.wait_dma2 semaphore(%arg24 : memref<!tpu.dma_semaphore, #tpu.memory_space<semaphore_mem>>) src(%arg13 : memref<128x128xf32, #tpu.memory_space<vmem>>) dst(%dma_wait3A_772 : memref<128x128xf32, #tpu.memory_space<hbm>>)
      } else {
      }
      %add3A_374 = arith.addi %mul3A_23, %add3A_361 : i32
      %sub3A_375 = arith.subi %add3A_374, %mul3A_25 : i32
      %get3A_376 = arith.index_cast %sub3A_375 : i32 to index
      %get3A_377 = arith.constant 0 : index
      %get3A_378 = tpu.vector_load %arg9[%get3A_376, %get3A_377] {strides = array<i32>} : memref<56x128xf32, #tpu.memory_space<vmem>>, vector<1x16xf32>,
      %get3A_379 = vector.shape_cast %get3A_378 : vector<1x16xf32> to vector<16xf32>
      %get3A_380 = arith.index_cast %sub3A_375 : i32 to index
      %get3A_381 = arith.constant 16 : index
      %get3A_382 = tpu.vector_load %arg9[%get3A_380, %get3A_381] {strides = array<i32>} : memref<56x128xf32, #tpu.memory_space<vmem>>, vector<1x16xf32>,
      %get3A_383 = vector.shape_cast %get3A_382 : vector<1x16xf32> to vector<16xf32>
      %get3A_384 = arith.index_cast %sub3A_375 : i32 to index
      %get3A_385 = arith.constant 32 : index
      %get3A_386 = tpu.vector_load %arg9[%get3A_384, %get3A_385] {strides = array<i32>} : memref<56x128xf32, #tpu.memory_space<vmem>>, vector<1x16xf32>,
      %get3A_387 = vector.shape_cast %get3A_386 : vector<1x16xf32> to vector<16xf32>
      %get3A_388 = arith.index_cast %sub3A_375 : i32 to index
      %get3A_389 = arith.constant 48 : index
      %get3A_390 = tpu.vector_load %arg9[%get3A_388, %get3A_389] {strides = array<i32>} : memref<56x128xf32, #tpu.memory_space<vmem>>, vector<1x16xf32>,
      %get3A_391 = vector.shape_cast %get3A_390 : vector<1x16xf32> to vector<16xf32>
      %get3A_392 = arith.index_cast %sub3A_375 : i32 to index
      %get3A_393 = arith.constant 64 : index
      %get3A_394 = tpu.vector_load %arg9[%get3A_392, %get3A_393] {strides = array<i32>} : memref<56x128xf32, #tpu.memory_space<vmem>>, vector<1x16xf32>,
      %get3A_395 = vector.shape_cast %get3A_394 : vector<1x16xf32> to vector<16xf32>
      %get3A_396 = arith.index_cast %sub3A_375 : i32 to index
      %get3A_397 = arith.constant 80 : index
      %get3A_398 = tpu.vector_load %arg9[%get3A_396, %get3A_397] {strides = array<i32>} : memref<56x128xf32, #tpu.memory_space<vmem>>, vector<1x16xf32>,
      %get3A_399 = vector.shape_cast %get3A_398 : vector<1x16xf32> to vector<16xf32>
      %get3A_400 = arith.index_cast %sub3A_375 : i32 to index
      %get3A_401 = arith.constant 96 : index
      %get3A_402 = tpu.vector_load %arg9[%get3A_400, %get3A_401] {strides = array<i32>} : memref<56x128xf32, #tpu.memory_space<vmem>>, vector<1x16xf32>,
      %get3A_403 = vector.shape_cast %get3A_402 : vector<1x16xf32> to vector<16xf32>
      %get3A_404 = arith.index_cast %sub3A_375 : i32 to index
      %get3A_405 = arith.constant 112 : index
      %get3A_406 = tpu.vector_load %arg9[%get3A_404, %get3A_405] {strides = array<i32>} : memref<56x128xf32, #tpu.memory_space<vmem>>, vector<1x16xf32>,
      %get3A_407 = vector.shape_cast %get3A_406 : vector<1x16xf32> to vector<16xf32>
      %parallel_loop3A_408 = arith.constant 0 : i32
      %parallel_loop3A_409 = arith.constant 128 : i32
      %parallel_loop3A_410 = arith.constant 1 : i32
      scf.for %parallel_loop3A_767 = %parallel_loop3A_408 to %parallel_loop3A_409 step %parallel_loop3A_410  : i32 {
        %parallel_loop3A_768 = arith.index_cast %parallel_loop3A_767 : i32 to index
        %parallel_loop3A_769 = arith.constant 0 : index
        %parallel_loop3A_770 = tpu.vector_load %arg10[%parallel_loop3A_768, %parallel_loop3A_769] {strides = array<i32>} : memref<128x128xf32, #tpu.memory_space<vmem>>, vector<1x16xf32>,
        %parallel_loop3A_771 = vector.shape_cast %parallel_loop3A_770 : vector<1x16xf32> to vector<16xf32>
        %parallel_loop3A_772 = arith.addf %parallel_loop3A_771, %get3A_379 : vector<16xf32>
        %parallel_loop3A_773 = arith.index_cast %parallel_loop3A_767 : i32 to index
        %parallel_loop3A_774 = arith.constant 0 : index
        %parallel_loop3A_775 = tpu.vector_load %arg13[%parallel_loop3A_773, %parallel_loop3A_774] {strides = array<i32>} : memref<128x128xf32, #tpu.memory_space<vmem>>, vector<1x16xf32>,
        %parallel_loop3A_776 = vector.shape_cast %parallel_loop3A_775 : vector<1x16xf32> to vector<16xf32>
        %parallel_loop3A_777 = vector.shape_cast %parallel_loop3A_772 : vector<16xf32> to vector<1x16xf32>
        tpu.vector_store %arg13[%parallel_loop3A_773, %parallel_loop3A_774], %parallel_loop3A_777 {strides = array<i32>} : memref<128x128xf32, #tpu.memory_space<vmem>>, vector<1x16xf32>,
        %parallel_loop3A_778 = arith.index_cast %parallel_loop3A_767 : i32 to index
        %parallel_loop3A_779 = arith.constant 16 : index
        %parallel_loop3A_780 = tpu.vector_load %arg10[%parallel_loop3A_778, %parallel_loop3A_779] {strides = array<i32>} : memref<128x128xf32, #tpu.memory_space<vmem>>, vector<1x16xf32>,
        %parallel_loop3A_781 = vector.shape_cast %parallel_loop3A_780 : vector<1x16xf32> to vector<16xf32>
        %parallel_loop3A_782 = arith.addf %parallel_loop3A_781, %get3A_383 : vector<16xf32>
        %parallel_loop3A_783 = arith.index_cast %parallel_loop3A_767 : i32 to index
        %parallel_loop3A_784 = arith.constant 16 : index
        %parallel_loop3A_785 = tpu.vector_load %arg13[%parallel_loop3A_783, %parallel_loop3A_784] {strides = array<i32>} : memref<128x128xf32, #tpu.memory_space<vmem>>, vector<1x16xf32>,
        %parallel_loop3A_786 = vector.shape_cast %parallel_loop3A_785 : vector<1x16xf32> to vector<16xf32>
        %parallel_loop3A_787 = vector.shape_cast %parallel_loop3A_782 : vector<16xf32> to vector<1x16xf32>
        tpu.vector_store %arg13[%parallel_loop3A_783, %parallel_loop3A_784], %parallel_loop3A_787 {strides = array<i32>} : memref<128x128xf32, #tpu.memory_space<vmem>>, vector<1x16xf32>,
        %parallel_loop3A_788 = arith.index_cast %parallel_loop3A_767 : i32 to index
        %parallel_loop3A_789 = arith.constant 32 : index
        %parallel_loop3A_790 = tpu.vector_load %arg10[%parallel_loop3A_788, %parallel_loop3A_789] {strides = array<i32>} : memref<128x128xf32, #tpu.memory_space<vmem>>, vector<1x16xf32>,
        %parallel_loop3A_791 = vector.shape_cast %parallel_loop3A_790 : vector<1x16xf32> to vector<16xf32>
        %parallel_loop3A_792 = arith.addf %parallel_loop3A_791, %get3A_387 : vector<16xf32>
        %parallel_loop3A_793 = arith.index_cast %parallel_loop3A_767 : i32 to index
        %parallel_loop3A_794 = arith.constant 32 : index
        %parallel_loop3A_795 = tpu.vector_load %arg13[%parallel_loop3A_793, %parallel_loop3A_794] {strides = array<i32>} : memref<128x128xf32, #tpu.memory_space<vmem>>, vector<1x16xf32>,
        %parallel_loop3A_796 = vector.shape_cast %parallel_loop3A_795 : vector<1x16xf32> to vector<16xf32>
        %parallel_loop3A_797 = vector.shape_cast %parallel_loop3A_792 : vector<16xf32> to vector<1x16xf32>
        tpu.vector_store %arg13[%parallel_loop3A_793, %parallel_loop3A_794], %parallel_loop3A_797 {strides = array<i32>} : memref<128x128xf32, #tpu.memory_space<vmem>>, vector<1x16xf32>,
        %parallel_loop3A_798 = arith.index_cast %parallel_loop3A_767 : i32 to index
        %parallel_loop3A_799 = arith.constant 48 : index
        %parallel_loop3A_800 = tpu.vector_load %arg10[%parallel_loop3A_798, %parallel_loop3A_799] {strides = array<i32>} : memref<128x128xf32, #tpu.memory_space<vmem>>, vector<1x16xf32>,
        %parallel_loop3A_801 = vector.shape_cast %parallel_loop3A_800 : vector<1x16xf32> to vector<16xf32>
        %parallel_loop3A_802 = arith.addf %parallel_loop3A_801, %get3A_391 : vector<16xf32>
        %parallel_loop3A_803 = arith.index_cast %parallel_loop3A_767 : i32 to index
        %parallel_loop3A_804 = arith.constant 48 : index
        %parallel_loop3A_805 = tpu.vector_load %arg13[%parallel_loop3A_803, %parallel_loop3A_804] {strides = array<i32>} : memref<128x128xf32, #tpu.memory_space<vmem>>, vector<1x16xf32>,
        %parallel_loop3A_806 = vector.shape_cast %parallel_loop3A_805 : vector<1x16xf32> to vector<16xf32>
        %parallel_loop3A_807 = vector.shape_cast %parallel_loop3A_802 : vector<16xf32> to vector<1x16xf32>
        tpu.vector_store %arg13[%parallel_loop3A_803, %parallel_loop3A_804], %parallel_loop3A_807 {strides = array<i32>} : memref<128x128xf32, #tpu.memory_space<vmem>>, vector<1x16xf32>,
        %parallel_loop3A_808 = arith.index_cast %parallel_loop3A_767 : i32 to index
        %parallel_loop3A_809 = arith.constant 64 : index
        %parallel_loop3A_810 = tpu.vector_load %arg10[%parallel_loop3A_808, %parallel_loop3A_809] {strides = array<i32>} : memref<128x128xf32, #tpu.memory_space<vmem>>, vector<1x16xf32>,
        %parallel_loop3A_811 = vector.shape_cast %parallel_loop3A_810 : vector<1x16xf32> to vector<16xf32>
        %parallel_loop3A_812 = arith.addf %parallel_loop3A_811, %get3A_395 : vector<16xf32>
        %parallel_loop3A_813 = arith.index_cast %parallel_loop3A_767 : i32 to index
        %parallel_loop3A_814 = arith.constant 64 : index
        %parallel_loop3A_815 = tpu.vector_load %arg13[%parallel_loop3A_813, %parallel_loop3A_814] {strides = array<i32>} : memref<128x128xf32, #tpu.memory_space<vmem>>, vector<1x16xf32>,
        %parallel_loop3A_816 = vector.shape_cast %parallel_loop3A_815 : vector<1x16xf32> to vector<16xf32>
        %parallel_loop3A_817 = vector.shape_cast %parallel_loop3A_812 : vector<16xf32> to vector<1x16xf32>
        tpu.vector_store %arg13[%parallel_loop3A_813, %parallel_loop3A_814], %parallel_loop3A_817 {strides = array<i32>} : memref<128x128xf32, #tpu.memory_space<vmem>>, vector<1x16xf32>,
        %parallel_loop3A_818 = arith.index_cast %parallel_loop3A_767 : i32 to index
        %parallel_loop3A_819 = arith.constant 80 : index
        %parallel_loop3A_820 = tpu.vector_load %arg10[%parallel_loop3A_818, %parallel_loop3A_819] {strides = array<i32>} : memref<128x128xf32, #tpu.memory_space<vmem>>, vector<1x16xf32>,
        %parallel_loop3A_821 = vector.shape_cast %parallel_loop3A_820 : vector<1x16xf32> to vector<16xf32>
        %parallel_loop3A_822 = arith.addf %parallel_loop3A_821, %get3A_399 : vector<16xf32>
        %parallel_loop3A_823 = arith.index_cast %parallel_loop3A_767 : i32 to index
        %parallel_loop3A_824 = arith.constant 80 : index
        %parallel_loop3A_825 = tpu.vector_load %arg13[%parallel_loop3A_823, %parallel_loop3A_824] {strides = array<i32>} : memref<128x128xf32, #tpu.memory_space<vmem>>, vector<1x16xf32>,
        %parallel_loop3A_826 = vector.shape_cast %parallel_loop3A_825 : vector<1x16xf32> to vector<16xf32>
        %parallel_loop3A_827 = vector.shape_cast %parallel_loop3A_822 : vector<16xf32> to vector<1x16xf32>
        tpu.vector_store %arg13[%parallel_loop3A_823, %parallel_loop3A_824], %parallel_loop3A_827 {strides = array<i32>} : memref<128x128xf32, #tpu.memory_space<vmem>>, vector<1x16xf32>,
        %parallel_loop3A_828 = arith.index_cast %parallel_loop3A_767 : i32 to index
        %parallel_loop3A_829 = arith.constant 96 : index
        %parallel_loop3A_830 = tpu.vector_load %arg10[%parallel_loop3A_828, %parallel_loop3A_829] {strides = array<i32>} : memref<128x128xf32, #tpu.memory_space<vmem>>, vector<1x16xf32>,
        %parallel_loop3A_831 = vector.shape_cast %parallel_loop3A_830 : vector<1x16xf32> to vector<16xf32>
        %parallel_loop3A_832 = arith.addf %parallel_loop3A_831, %get3A_403 : vector<16xf32>
        %parallel_loop3A_833 = arith.index_cast %parallel_loop3A_767 : i32 to index
        %parallel_loop3A_834 = arith.constant 96 : index
        %parallel_loop3A_835 = tpu.vector_load %arg13[%parallel_loop3A_833, %parallel_loop3A_834] {strides = array<i32>} : memref<128x128xf32, #tpu.memory_space<vmem>>, vector<1x16xf32>,
        %parallel_loop3A_836 = vector.shape_cast %parallel_loop3A_835 : vector<1x16xf32> to vector<16xf32>
        %parallel_loop3A_837 = vector.shape_cast %parallel_loop3A_832 : vector<16xf32> to vector<1x16xf32>
        tpu.vector_store %arg13[%parallel_loop3A_833, %parallel_loop3A_834], %parallel_loop3A_837 {strides = array<i32>} : memref<128x128xf32, #tpu.memory_space<vmem>>, vector<1x16xf32>,
        %parallel_loop3A_838 = arith.index_cast %parallel_loop3A_767 : i32 to index
        %parallel_loop3A_839 = arith.constant 112 : index
        %parallel_loop3A_840 = tpu.vector_load %arg10[%parallel_loop3A_838, %parallel_loop3A_839] {strides = array<i32>} : memref<128x128xf32, #tpu.memory_space<vmem>>, vector<1x16xf32>,
        %parallel_loop3A_841 = vector.shape_cast %parallel_loop3A_840 : vector<1x16xf32> to vector<16xf32>
        %parallel_loop3A_842 = arith.addf %parallel_loop3A_841, %get3A_407 : vector<16xf32>
        %parallel_loop3A_843 = arith.index_cast %parallel_loop3A_767 : i32 to index
        %parallel_loop3A_844 = arith.constant 112 : index
        %parallel_loop3A_845 = tpu.vector_load %arg13[%parallel_loop3A_843, %parallel_loop3A_844] {strides = array<i32>} : memref<128x128xf32, #tpu.memory_space<vmem>>, vector<1x16xf32>,
        %parallel_loop3A_846 = vector.shape_cast %parallel_loop3A_845 : vector<1x16xf32> to vector<16xf32>
        %parallel_loop3A_847 = vector.shape_cast %parallel_loop3A_842 : vector<16xf32> to vector<1x16xf32>
        tpu.vector_store %arg13[%parallel_loop3A_843, %parallel_loop3A_844], %parallel_loop3A_847 {strides = array<i32>} : memref<128x128xf32, #tpu.memory_space<vmem>>, vector<1x16xf32>,
      } {sc.loop_unroll_factor = 8 : i64, sc.parallel_access}
      %add3A_411 = arith.constant 0 : i32
      %add3A_412 = arith.addi %add3A_31, %add3A_411 : i32
      %add3A_413 = arith.addi %add3A_412, %add3A_361 : i32
      %add3A_414 = vector.broadcast %add3A_413 : i32 to vector<16xi32>
      %add3A_415 = arith.addi %mul3A_28, %add3A_414 : vector<16xi32>
      %swap3A_416 = arith.constant 0 : index
      %swap3A_417 = tpu.vector_load %arg16[%swap3A_416] {strides = array<i32>} : memref<128xi32, #tpu.memory_space<vmem>>, vector<16xi32>,
      %swap3A_418 = vector.shape_cast %swap3A_417 : vector<16xi32> to vector<16xi32>
      %swap3A_419 = vector.shape_cast %add3A_415 : vector<16xi32> to vector<16xi32>
      tpu.vector_store %arg16[%swap3A_416], %swap3A_419 {strides = array<i32>} : memref<128xi32, #tpu.memory_space<vmem>>, vector<16xi32>,
      %add3A_420 = arith.constant 3200 : i32
      %add3A_421 = arith.addi %add3A_31, %add3A_420 : i32
      %add3A_422 = arith.addi %add3A_421, %add3A_361 : i32
      %add3A_423 = vector.broadcast %add3A_422 : i32 to vector<16xi32>
      %add3A_424 = arith.addi %mul3A_28, %add3A_423 : vector<16xi32>
      %swap3A_425 = arith.constant 16 : index
      %swap3A_426 = tpu.vector_load %arg16[%swap3A_425] {strides = array<i32>} : memref<128xi32, #tpu.memory_space<vmem>>, vector<16xi32>,
      %swap3A_427 = vector.shape_cast %swap3A_426 : vector<16xi32> to vector<16xi32>
      %swap3A_428 = vector.shape_cast %add3A_424 : vector<16xi32> to vector<16xi32>
      tpu.vector_store %arg16[%swap3A_425], %swap3A_428 {strides = array<i32>} : memref<128xi32, #tpu.memory_space<vmem>>, vector<16xi32>,
      %add3A_429 = arith.constant 6400 : i32
      %add3A_430 = arith.addi %add3A_31, %add3A_429 : i32
      %add3A_431 = arith.addi %add3A_430, %add3A_361 : i32
      %add3A_432 = vector.broadcast %add3A_431 : i32 to vector<16xi32>
      %add3A_433 = arith.addi %mul3A_28, %add3A_432 : vector<16xi32>
      %swap3A_434 = arith.constant 32 : index
      %swap3A_435 = tpu.vector_load %arg16[%swap3A_434] {strides = array<i32>} : memref<128xi32, #tpu.memory_space<vmem>>, vector<16xi32>,
      %swap3A_436 = vector.shape_cast %swap3A_435 : vector<16xi32> to vector<16xi32>
      %swap3A_437 = vector.shape_cast %add3A_433 : vector<16xi32> to vector<16xi32>
      tpu.vector_store %arg16[%swap3A_434], %swap3A_437 {strides = array<i32>} : memref<128xi32, #tpu.memory_space<vmem>>, vector<16xi32>,
      %add3A_438 = arith.constant 9600 : i32
      %add3A_439 = arith.addi %add3A_31, %add3A_438 : i32
      %add3A_440 = arith.addi %add3A_439, %add3A_361 : i32
      %add3A_441 = vector.broadcast %add3A_440 : i32 to vector<16xi32>
      %add3A_442 = arith.addi %mul3A_28, %add3A_441 : vector<16xi32>
      %swap3A_443 = arith.constant 48 : index
      %swap3A_444 = tpu.vector_load %arg16[%swap3A_443] {strides = array<i32>} : memref<128xi32, #tpu.memory_space<vmem>>, vector<16xi32>,
      %swap3A_445 = vector.shape_cast %swap3A_444 : vector<16xi32> to vector<16xi32>
      %swap3A_446 = vector.shape_cast %add3A_442 : vector<16xi32> to vector<16xi32>
      tpu.vector_store %arg16[%swap3A_443], %swap3A_446 {strides = array<i32>} : memref<128xi32, #tpu.memory_space<vmem>>, vector<16xi32>,
      %add3A_447 = arith.constant 12800 : i32
      %add3A_448 = arith.addi %add3A_31, %add3A_447 : i32
      %add3A_449 = arith.addi %add3A_448, %add3A_361 : i32
      %add3A_450 = vector.broadcast %add3A_449 : i32 to vector<16xi32>
      %add3A_451 = arith.addi %mul3A_28, %add3A_450 : vector<16xi32>
      %swap3A_452 = arith.constant 64 : index
      %swap3A_453 = tpu.vector_load %arg16[%swap3A_452] {strides = array<i32>} : memref<128xi32, #tpu.memory_space<vmem>>, vector<16xi32>,
      %swap3A_454 = vector.shape_cast %swap3A_453 : vector<16xi32> to vector<16xi32>
      %swap3A_455 = vector.shape_cast %add3A_451 : vector<16xi32> to vector<16xi32>
      tpu.vector_store %arg16[%swap3A_452], %swap3A_455 {strides = array<i32>} : memref<128xi32, #tpu.memory_space<vmem>>, vector<16xi32>,
      %add3A_456 = arith.constant 16000 : i32
      %add3A_457 = arith.addi %add3A_31, %add3A_456 : i32
      %add3A_458 = arith.addi %add3A_457, %add3A_361 : i32
      %add3A_459 = vector.broadcast %add3A_458 : i32 to vector<16xi32>
      %add3A_460 = arith.addi %mul3A_28, %add3A_459 : vector<16xi32>
      %swap3A_461 = arith.constant 80 : index
      %swap3A_462 = tpu.vector_load %arg16[%swap3A_461] {strides = array<i32>} : memref<128xi32, #tpu.memory_space<vmem>>, vector<16xi32>,
      %swap3A_463 = vector.shape_cast %swap3A_462 : vector<16xi32> to vector<16xi32>
      %swap3A_464 = vector.shape_cast %add3A_460 : vector<16xi32> to vector<16xi32>
      tpu.vector_store %arg16[%swap3A_461], %swap3A_464 {strides = array<i32>} : memref<128xi32, #tpu.memory_space<vmem>>, vector<16xi32>,
      %add3A_465 = arith.constant 19200 : i32
      %add3A_466 = arith.addi %add3A_31, %add3A_465 : i32
      %add3A_467 = arith.addi %add3A_466, %add3A_361 : i32
      %add3A_468 = vector.broadcast %add3A_467 : i32 to vector<16xi32>
      %add3A_469 = arith.addi %mul3A_28, %add3A_468 : vector<16xi32>
      %swap3A_470 = arith.constant 96 : index
      %swap3A_471 = tpu.vector_load %arg16[%swap3A_470] {strides = array<i32>} : memref<128xi32, #tpu.memory_space<vmem>>, vector<16xi32>,
      %swap3A_472 = vector.shape_cast %swap3A_471 : vector<16xi32> to vector<16xi32>
      %swap3A_473 = vector.shape_cast %add3A_469 : vector<16xi32> to vector<16xi32>
      tpu.vector_store %arg16[%swap3A_470], %swap3A_473 {strides = array<i32>} : memref<128xi32, #tpu.memory_space<vmem>>, vector<16xi32>,
      %add3A_474 = arith.constant 22400 : i32
      %add3A_475 = arith.addi %add3A_31, %add3A_474 : i32
      %add3A_476 = arith.addi %add3A_475, %add3A_361 : i32
      %add3A_477 = vector.broadcast %add3A_476 : i32 to vector<16xi32>
      %add3A_478 = arith.addi %mul3A_28, %add3A_477 : vector<16xi32>
      %swap3A_479 = arith.constant 112 : index
      %swap3A_480 = tpu.vector_load %arg16[%swap3A_479] {strides = array<i32>} : memref<128xi32, #tpu.memory_space<vmem>>, vector<16xi32>,
      %swap3A_481 = vector.shape_cast %swap3A_480 : vector<16xi32> to vector<16xi32>
      %swap3A_482 = vector.shape_cast %add3A_478 : vector<16xi32> to vector<16xi32>
      tpu.vector_store %arg16[%swap3A_479], %swap3A_482 {strides = array<i32>} : memref<128xi32, #tpu.memory_space<vmem>>, vector<16xi32>,
      %dma_start3A_483 = arith.constant 0 : i32
      %dma_start3A_484 = arith.constant 0 : i32
      %dma_start3A_485 = tpu.memref_slice %arg5[%dma_start3A_483, %dma_start3A_484] : memref<204800x128xf32, #tpu.memory_space<hbm>> -> memref<204800x128xf32, #tpu.memory_space<hbm>>
      tpu.enqueue_indirect_dma source(%arg13 : memref<128x128xf32, #tpu.memory_space<vmem>>) target(%dma_start3A_485 : memref<204800x128xf32, #tpu.memory_space<hbm>>) offsets(%arg16 : memref<128xi32, #tpu.memory_space<vmem>>) semaphore(%arg24 : memref<!tpu.dma_semaphore, #tpu.memory_space<semaphore_mem>>)
      %add3A_486 = arith.constant 3 : i32
      %add3A_487 = arith.addi %add3A_361, %add3A_486 : i32
      %lt3A = arith.constant 50 : i32
      %lt3A_488 = arith.cmpi slt, %add3A_487, %lt3A : i32
      %convert_element_type3A_489 = arith.extui %lt3A_488 : i1 to i32
      %cond3A_490 = arith.constant 0 : i32
      %cond3A_491 = arith.cmpi ne, %convert_element_type3A_489, %cond3A_490 : i32
      scf.if %cond3A_491 {
        %add3A_767 = arith.constant 3 : i32
        %add3A_768 = arith.addi %add3A_361, %add3A_767 : i32
        %mul3A_769 = arith.constant 128 : i32
        %mul3A_770 = arith.muli %add3A_768, %mul3A_769 : i32
        %multiple_of3A_771 = tpu.assume_multiple %mul3A_770, 128 : i32
        %dma_start3A_772 = tpu.memref_slice %arg7[%multiple_of3A_771] : memref<6400xi32, #tpu.memory_space<vmem>> -> memref<128xi32, #tpu.memory_space<vmem>>
        %dma_start3A_773 = arith.constant 0 : i32
        %dma_start3A_774 = arith.constant 0 : i32
        %dma_start3A_775 = tpu.memref_slice %arg3[%dma_start3A_773, %dma_start3A_774] : memref<100000x128xf32, #tpu.memory_space<hbm>> -> memref<100000x128xf32, #tpu.memory_space<hbm>>
        tpu.enqueue_indirect_dma source(%dma_start3A_775 : memref<100000x128xf32, #tpu.memory_space<hbm>>) target(%arg10 : memref<128x128xf32, #tpu.memory_space<vmem>>) offsets(%dma_start3A_772 : memref<128xi32, #tpu.memory_space<vmem>>) semaphore(%arg21 : memref<!tpu.dma_semaphore, #tpu.memory_space<semaphore_mem>>)
      } else {
      }
      %add3A_492 = arith.constant 1 : i32
      %add3A_493 = arith.addi %mul3A_359, %add3A_492 : i32
      %eq3A_494 = arith.constant 5 : i32
      %eq3A_495 = arith.cmpi eq, %add3A_493, %eq3A_494 : i32
      %convert_element_type3A_496 = arith.extui %eq3A_495 : i1 to i32
      %cond3A_497 = arith.constant 0 : i32
      %cond3A_498 = arith.cmpi ne, %convert_element_type3A_496, %cond3A_497 : i32
      scf.if %cond3A_498 {
        %dma_wait3A_767 = arith.constant 0 : i32
        %dma_wait3A_768 = tpu.memref_slice %arg7[%dma_wait3A_767] : memref<6400xi32, #tpu.memory_space<vmem>> -> memref<5376xi32, #tpu.memory_space<vmem>>
        %dma_wait3A_769 = arith.constant 0 : i32
        %dma_wait3A_770 = tpu.memref_slice %arg2[%dma_wait3A_769] : memref<204800xi32, #tpu.memory_space<hbm>> -> memref<5376xi32, #tpu.memory_space<hbm>>
        %dma_wait3A_771 = arith.constant 0 : i32
        %dma_wait3A_772 = tpu.memref_slice %arg7[%dma_wait3A_771] : memref<6400xi32, #tpu.memory_space<vmem>> -> memref<5376xi32, #tpu.memory_space<vmem>>
        %dma_wait3A_773 = arith.constant 0 : i32
        %dma_wait3A_774 = tpu.memref_slice %arg2[%dma_wait3A_773] : memref<204800xi32, #tpu.memory_space<hbm>> -> memref<5376xi32, #tpu.memory_space<hbm>>
        tpu.wait_dma2 semaphore(%arg20 : memref<!tpu.dma_semaphore, #tpu.memory_space<semaphore_mem>>) src(%dma_wait3A_774 : memref<5376xi32, #tpu.memory_space<hbm>>) dst(%dma_wait3A_772 : memref<5376xi32, #tpu.memory_space<vmem>>)
      } else {
      }
      %dma_wait3A_499 = arith.constant 0 : i32
      %dma_wait3A_500 = arith.constant 0 : i32
      %dma_wait3A_501 = tpu.memref_slice %arg3[%dma_wait3A_499, %dma_wait3A_500] : memref<100000x128xf32, #tpu.memory_space<hbm>> -> memref<128x128xf32, #tpu.memory_space<hbm>>
      %dma_wait3A_502 = arith.constant 0 : i32
      %dma_wait3A_503 = arith.constant 0 : i32
      %dma_wait3A_504 = tpu.memref_slice %arg3[%dma_wait3A_502, %dma_wait3A_503] : memref<100000x128xf32, #tpu.memory_space<hbm>> -> memref<128x128xf32, #tpu.memory_space<hbm>>
      tpu.wait_dma2 semaphore(%arg22 : memref<!tpu.dma_semaphore, #tpu.memory_space<semaphore_mem>>) src(%dma_wait3A_504 : memref<128x128xf32, #tpu.memory_space<hbm>>) dst(%arg11 : memref<128x128xf32, #tpu.memory_space<vmem>>)
      %ge3A_505 = arith.constant 3 : i32
      %ge3A_506 = arith.cmpi sge, %add3A_493, %ge3A_505 : i32
      %convert_element_type3A_507 = arith.extui %ge3A_506 : i1 to i32
      %cond3A_508 = arith.constant 0 : i32
      %cond3A_509 = arith.cmpi ne, %convert_element_type3A_507, %cond3A_508 : i32
      scf.if %cond3A_509 {
        %dma_wait3A_767 = arith.constant 0 : i32
        %dma_wait3A_768 = arith.constant 0 : i32
        %dma_wait3A_769 = tpu.memref_slice %arg5[%dma_wait3A_767, %dma_wait3A_768] : memref<204800x128xf32, #tpu.memory_space<hbm>> -> memref<128x128xf32, #tpu.memory_space<hbm>>
        %dma_wait3A_770 = arith.constant 0 : i32
        %dma_wait3A_771 = arith.constant 0 : i32
        %dma_wait3A_772 = tpu.memref_slice %arg5[%dma_wait3A_770, %dma_wait3A_771] : memref<204800x128xf32, #tpu.memory_space<hbm>> -> memref<128x128xf32, #tpu.memory_space<hbm>>
        tpu.wait_dma2 semaphore(%arg25 : memref<!tpu.dma_semaphore, #tpu.memory_space<semaphore_mem>>) src(%arg14 : memref<128x128xf32, #tpu.memory_space<vmem>>) dst(%dma_wait3A_772 : memref<128x128xf32, #tpu.memory_space<hbm>>)
      } else {
      }
      %add3A_510 = arith.addi %mul3A_23, %add3A_493 : i32
      %sub3A_511 = arith.subi %add3A_510, %mul3A_25 : i32
      %get3A_512 = arith.index_cast %sub3A_511 : i32 to index
      %get3A_513 = arith.constant 0 : index
      %get3A_514 = tpu.vector_load %arg9[%get3A_512, %get3A_513] {strides = array<i32>} : memref<56x128xf32, #tpu.memory_space<vmem>>, vector<1x16xf32>,
      %get3A_515 = vector.shape_cast %get3A_514 : vector<1x16xf32> to vector<16xf32>
      %get3A_516 = arith.index_cast %sub3A_511 : i32 to index
      %get3A_517 = arith.constant 16 : index
      %get3A_518 = tpu.vector_load %arg9[%get3A_516, %get3A_517] {strides = array<i32>} : memref<56x128xf32, #tpu.memory_space<vmem>>, vector<1x16xf32>,
      %get3A_519 = vector.shape_cast %get3A_518 : vector<1x16xf32> to vector<16xf32>
      %get3A_520 = arith.index_cast %sub3A_511 : i32 to index
      %get3A_521 = arith.constant 32 : index
      %get3A_522 = tpu.vector_load %arg9[%get3A_520, %get3A_521] {strides = array<i32>} : memref<56x128xf32, #tpu.memory_space<vmem>>, vector<1x16xf32>,
      %get3A_523 = vector.shape_cast %get3A_522 : vector<1x16xf32> to vector<16xf32>
      %get3A_524 = arith.index_cast %sub3A_511 : i32 to index
      %get3A_525 = arith.constant 48 : index
      %get3A_526 = tpu.vector_load %arg9[%get3A_524, %get3A_525] {strides = array<i32>} : memref<56x128xf32, #tpu.memory_space<vmem>>, vector<1x16xf32>,
      %get3A_527 = vector.shape_cast %get3A_526 : vector<1x16xf32> to vector<16xf32>
      %get3A_528 = arith.index_cast %sub3A_511 : i32 to index
      %get3A_529 = arith.constant 64 : index
      %get3A_530 = tpu.vector_load %arg9[%get3A_528, %get3A_529] {strides = array<i32>} : memref<56x128xf32, #tpu.memory_space<vmem>>, vector<1x16xf32>,
      %get3A_531 = vector.shape_cast %get3A_530 : vector<1x16xf32> to vector<16xf32>
      %get3A_532 = arith.index_cast %sub3A_511 : i32 to index
      %get3A_533 = arith.constant 80 : index
      %get3A_534 = tpu.vector_load %arg9[%get3A_532, %get3A_533] {strides = array<i32>} : memref<56x128xf32, #tpu.memory_space<vmem>>, vector<1x16xf32>,
      %get3A_535 = vector.shape_cast %get3A_534 : vector<1x16xf32> to vector<16xf32>
      %get3A_536 = arith.index_cast %sub3A_511 : i32 to index
      %get3A_537 = arith.constant 96 : index
      %get3A_538 = tpu.vector_load %arg9[%get3A_536, %get3A_537] {strides = array<i32>} : memref<56x128xf32, #tpu.memory_space<vmem>>, vector<1x16xf32>,
      %get3A_539 = vector.shape_cast %get3A_538 : vector<1x16xf32> to vector<16xf32>
      %get3A_540 = arith.index_cast %sub3A_511 : i32 to index
      %get3A_541 = arith.constant 112 : index
      %get3A_542 = tpu.vector_load %arg9[%get3A_540, %get3A_541] {strides = array<i32>} : memref<56x128xf32, #tpu.memory_space<vmem>>, vector<1x16xf32>,
      %get3A_543 = vector.shape_cast %get3A_542 : vector<1x16xf32> to vector<16xf32>
      %parallel_loop3A_544 = arith.constant 0 : i32
      %parallel_loop3A_545 = arith.constant 128 : i32
      %parallel_loop3A_546 = arith.constant 1 : i32
      scf.for %parallel_loop3A_767 = %parallel_loop3A_544 to %parallel_loop3A_545 step %parallel_loop3A_546  : i32 {
        %parallel_loop3A_768 = arith.index_cast %parallel_loop3A_767 : i32 to index
        %parallel_loop3A_769 = arith.constant 0 : index
        %parallel_loop3A_770 = tpu.vector_load %arg11[%parallel_loop3A_768, %parallel_loop3A_769] {strides = array<i32>} : memref<128x128xf32, #tpu.memory_space<vmem>>, vector<1x16xf32>,
        %parallel_loop3A_771 = vector.shape_cast %parallel_loop3A_770 : vector<1x16xf32> to vector<16xf32>
        %parallel_loop3A_772 = arith.addf %parallel_loop3A_771, %get3A_515 : vector<16xf32>
        %parallel_loop3A_773 = arith.index_cast %parallel_loop3A_767 : i32 to index
        %parallel_loop3A_774 = arith.constant 0 : index
        %parallel_loop3A_775 = tpu.vector_load %arg14[%parallel_loop3A_773, %parallel_loop3A_774] {strides = array<i32>} : memref<128x128xf32, #tpu.memory_space<vmem>>, vector<1x16xf32>,
        %parallel_loop3A_776 = vector.shape_cast %parallel_loop3A_775 : vector<1x16xf32> to vector<16xf32>
        %parallel_loop3A_777 = vector.shape_cast %parallel_loop3A_772 : vector<16xf32> to vector<1x16xf32>
        tpu.vector_store %arg14[%parallel_loop3A_773, %parallel_loop3A_774], %parallel_loop3A_777 {strides = array<i32>} : memref<128x128xf32, #tpu.memory_space<vmem>>, vector<1x16xf32>,
        %parallel_loop3A_778 = arith.index_cast %parallel_loop3A_767 : i32 to index
        %parallel_loop3A_779 = arith.constant 16 : index
        %parallel_loop3A_780 = tpu.vector_load %arg11[%parallel_loop3A_778, %parallel_loop3A_779] {strides = array<i32>} : memref<128x128xf32, #tpu.memory_space<vmem>>, vector<1x16xf32>,
        %parallel_loop3A_781 = vector.shape_cast %parallel_loop3A_780 : vector<1x16xf32> to vector<16xf32>
        %parallel_loop3A_782 = arith.addf %parallel_loop3A_781, %get3A_519 : vector<16xf32>
        %parallel_loop3A_783 = arith.index_cast %parallel_loop3A_767 : i32 to index
        %parallel_loop3A_784 = arith.constant 16 : index
        %parallel_loop3A_785 = tpu.vector_load %arg14[%parallel_loop3A_783, %parallel_loop3A_784] {strides = array<i32>} : memref<128x128xf32, #tpu.memory_space<vmem>>, vector<1x16xf32>,
        %parallel_loop3A_786 = vector.shape_cast %parallel_loop3A_785 : vector<1x16xf32> to vector<16xf32>
        %parallel_loop3A_787 = vector.shape_cast %parallel_loop3A_782 : vector<16xf32> to vector<1x16xf32>
        tpu.vector_store %arg14[%parallel_loop3A_783, %parallel_loop3A_784], %parallel_loop3A_787 {strides = array<i32>} : memref<128x128xf32, #tpu.memory_space<vmem>>, vector<1x16xf32>,
        %parallel_loop3A_788 = arith.index_cast %parallel_loop3A_767 : i32 to index
        %parallel_loop3A_789 = arith.constant 32 : index
        %parallel_loop3A_790 = tpu.vector_load %arg11[%parallel_loop3A_788, %parallel_loop3A_789] {strides = array<i32>} : memref<128x128xf32, #tpu.memory_space<vmem>>, vector<1x16xf32>,
        %parallel_loop3A_791 = vector.shape_cast %parallel_loop3A_790 : vector<1x16xf32> to vector<16xf32>
        %parallel_loop3A_792 = arith.addf %parallel_loop3A_791, %get3A_523 : vector<16xf32>
        %parallel_loop3A_793 = arith.index_cast %parallel_loop3A_767 : i32 to index
        %parallel_loop3A_794 = arith.constant 32 : index
        %parallel_loop3A_795 = tpu.vector_load %arg14[%parallel_loop3A_793, %parallel_loop3A_794] {strides = array<i32>} : memref<128x128xf32, #tpu.memory_space<vmem>>, vector<1x16xf32>,
        %parallel_loop3A_796 = vector.shape_cast %parallel_loop3A_795 : vector<1x16xf32> to vector<16xf32>
        %parallel_loop3A_797 = vector.shape_cast %parallel_loop3A_792 : vector<16xf32> to vector<1x16xf32>
        tpu.vector_store %arg14[%parallel_loop3A_793, %parallel_loop3A_794], %parallel_loop3A_797 {strides = array<i32>} : memref<128x128xf32, #tpu.memory_space<vmem>>, vector<1x16xf32>,
        %parallel_loop3A_798 = arith.index_cast %parallel_loop3A_767 : i32 to index
        %parallel_loop3A_799 = arith.constant 48 : index
        %parallel_loop3A_800 = tpu.vector_load %arg11[%parallel_loop3A_798, %parallel_loop3A_799] {strides = array<i32>} : memref<128x128xf32, #tpu.memory_space<vmem>>, vector<1x16xf32>,
        %parallel_loop3A_801 = vector.shape_cast %parallel_loop3A_800 : vector<1x16xf32> to vector<16xf32>
        %parallel_loop3A_802 = arith.addf %parallel_loop3A_801, %get3A_527 : vector<16xf32>
        %parallel_loop3A_803 = arith.index_cast %parallel_loop3A_767 : i32 to index
        %parallel_loop3A_804 = arith.constant 48 : index
        %parallel_loop3A_805 = tpu.vector_load %arg14[%parallel_loop3A_803, %parallel_loop3A_804] {strides = array<i32>} : memref<128x128xf32, #tpu.memory_space<vmem>>, vector<1x16xf32>,
        %parallel_loop3A_806 = vector.shape_cast %parallel_loop3A_805 : vector<1x16xf32> to vector<16xf32>
        %parallel_loop3A_807 = vector.shape_cast %parallel_loop3A_802 : vector<16xf32> to vector<1x16xf32>
        tpu.vector_store %arg14[%parallel_loop3A_803, %parallel_loop3A_804], %parallel_loop3A_807 {strides = array<i32>} : memref<128x128xf32, #tpu.memory_space<vmem>>, vector<1x16xf32>,
        %parallel_loop3A_808 = arith.index_cast %parallel_loop3A_767 : i32 to index
        %parallel_loop3A_809 = arith.constant 64 : index
        %parallel_loop3A_810 = tpu.vector_load %arg11[%parallel_loop3A_808, %parallel_loop3A_809] {strides = array<i32>} : memref<128x128xf32, #tpu.memory_space<vmem>>, vector<1x16xf32>,
        %parallel_loop3A_811 = vector.shape_cast %parallel_loop3A_810 : vector<1x16xf32> to vector<16xf32>
        %parallel_loop3A_812 = arith.addf %parallel_loop3A_811, %get3A_531 : vector<16xf32>
        %parallel_loop3A_813 = arith.index_cast %parallel_loop3A_767 : i32 to index
        %parallel_loop3A_814 = arith.constant 64 : index
        %parallel_loop3A_815 = tpu.vector_load %arg14[%parallel_loop3A_813, %parallel_loop3A_814] {strides = array<i32>} : memref<128x128xf32, #tpu.memory_space<vmem>>, vector<1x16xf32>,
        %parallel_loop3A_816 = vector.shape_cast %parallel_loop3A_815 : vector<1x16xf32> to vector<16xf32>
        %parallel_loop3A_817 = vector.shape_cast %parallel_loop3A_812 : vector<16xf32> to vector<1x16xf32>
        tpu.vector_store %arg14[%parallel_loop3A_813, %parallel_loop3A_814], %parallel_loop3A_817 {strides = array<i32>} : memref<128x128xf32, #tpu.memory_space<vmem>>, vector<1x16xf32>,
        %parallel_loop3A_818 = arith.index_cast %parallel_loop3A_767 : i32 to index
        %parallel_loop3A_819 = arith.constant 80 : index
        %parallel_loop3A_820 = tpu.vector_load %arg11[%parallel_loop3A_818, %parallel_loop3A_819] {strides = array<i32>} : memref<128x128xf32, #tpu.memory_space<vmem>>, vector<1x16xf32>,
        %parallel_loop3A_821 = vector.shape_cast %parallel_loop3A_820 : vector<1x16xf32> to vector<16xf32>
        %parallel_loop3A_822 = arith.addf %parallel_loop3A_821, %get3A_535 : vector<16xf32>
        %parallel_loop3A_823 = arith.index_cast %parallel_loop3A_767 : i32 to index
        %parallel_loop3A_824 = arith.constant 80 : index
        %parallel_loop3A_825 = tpu.vector_load %arg14[%parallel_loop3A_823, %parallel_loop3A_824] {strides = array<i32>} : memref<128x128xf32, #tpu.memory_space<vmem>>, vector<1x16xf32>,
        %parallel_loop3A_826 = vector.shape_cast %parallel_loop3A_825 : vector<1x16xf32> to vector<16xf32>
        %parallel_loop3A_827 = vector.shape_cast %parallel_loop3A_822 : vector<16xf32> to vector<1x16xf32>
        tpu.vector_store %arg14[%parallel_loop3A_823, %parallel_loop3A_824], %parallel_loop3A_827 {strides = array<i32>} : memref<128x128xf32, #tpu.memory_space<vmem>>, vector<1x16xf32>,
        %parallel_loop3A_828 = arith.index_cast %parallel_loop3A_767 : i32 to index
        %parallel_loop3A_829 = arith.constant 96 : index
        %parallel_loop3A_830 = tpu.vector_load %arg11[%parallel_loop3A_828, %parallel_loop3A_829] {strides = array<i32>} : memref<128x128xf32, #tpu.memory_space<vmem>>, vector<1x16xf32>,
        %parallel_loop3A_831 = vector.shape_cast %parallel_loop3A_830 : vector<1x16xf32> to vector<16xf32>
        %parallel_loop3A_832 = arith.addf %parallel_loop3A_831, %get3A_539 : vector<16xf32>
        %parallel_loop3A_833 = arith.index_cast %parallel_loop3A_767 : i32 to index
        %parallel_loop3A_834 = arith.constant 96 : index
        %parallel_loop3A_835 = tpu.vector_load %arg14[%parallel_loop3A_833, %parallel_loop3A_834] {strides = array<i32>} : memref<128x128xf32, #tpu.memory_space<vmem>>, vector<1x16xf32>,
        %parallel_loop3A_836 = vector.shape_cast %parallel_loop3A_835 : vector<1x16xf32> to vector<16xf32>
        %parallel_loop3A_837 = vector.shape_cast %parallel_loop3A_832 : vector<16xf32> to vector<1x16xf32>
        tpu.vector_store %arg14[%parallel_loop3A_833, %parallel_loop3A_834], %parallel_loop3A_837 {strides = array<i32>} : memref<128x128xf32, #tpu.memory_space<vmem>>, vector<1x16xf32>,
        %parallel_loop3A_838 = arith.index_cast %parallel_loop3A_767 : i32 to index
        %parallel_loop3A_839 = arith.constant 112 : index
        %parallel_loop3A_840 = tpu.vector_load %arg11[%parallel_loop3A_838, %parallel_loop3A_839] {strides = array<i32>} : memref<128x128xf32, #tpu.memory_space<vmem>>, vector<1x16xf32>,
        %parallel_loop3A_841 = vector.shape_cast %parallel_loop3A_840 : vector<1x16xf32> to vector<16xf32>
        %parallel_loop3A_842 = arith.addf %parallel_loop3A_841, %get3A_543 : vector<16xf32>
        %parallel_loop3A_843 = arith.index_cast %parallel_loop3A_767 : i32 to index
        %parallel_loop3A_844 = arith.constant 112 : index
        %parallel_loop3A_845 = tpu.vector_load %arg14[%parallel_loop3A_843, %parallel_loop3A_844] {strides = array<i32>} : memref<128x128xf32, #tpu.memory_space<vmem>>, vector<1x16xf32>,
        %parallel_loop3A_846 = vector.shape_cast %parallel_loop3A_845 : vector<1x16xf32> to vector<16xf32>
        %parallel_loop3A_847 = vector.shape_cast %parallel_loop3A_842 : vector<16xf32> to vector<1x16xf32>
        tpu.vector_store %arg14[%parallel_loop3A_843, %parallel_loop3A_844], %parallel_loop3A_847 {strides = array<i32>} : memref<128x128xf32, #tpu.memory_space<vmem>>, vector<1x16xf32>,
      } {sc.loop_unroll_factor = 8 : i64, sc.parallel_access}
      %add3A_547 = arith.constant 0 : i32
      %add3A_548 = arith.addi %add3A_31, %add3A_547 : i32
      %add3A_549 = arith.addi %add3A_548, %add3A_493 : i32
      %add3A_550 = vector.broadcast %add3A_549 : i32 to vector<16xi32>
      %add3A_551 = arith.addi %mul3A_28, %add3A_550 : vector<16xi32>
      %swap3A_552 = arith.constant 0 : index
      %swap3A_553 = tpu.vector_load %arg17[%swap3A_552] {strides = array<i32>} : memref<128xi32, #tpu.memory_space<vmem>>, vector<16xi32>,
      %swap3A_554 = vector.shape_cast %swap3A_553 : vector<16xi32> to vector<16xi32>
      %swap3A_555 = vector.shape_cast %add3A_551 : vector<16xi32> to vector<16xi32>
      tpu.vector_store %arg17[%swap3A_552], %swap3A_555 {strides = array<i32>} : memref<128xi32, #tpu.memory_space<vmem>>, vector<16xi32>,
      %add3A_556 = arith.constant 3200 : i32
      %add3A_557 = arith.addi %add3A_31, %add3A_556 : i32
      %add3A_558 = arith.addi %add3A_557, %add3A_493 : i32
      %add3A_559 = vector.broadcast %add3A_558 : i32 to vector<16xi32>
      %add3A_560 = arith.addi %mul3A_28, %add3A_559 : vector<16xi32>
      %swap3A_561 = arith.constant 16 : index
      %swap3A_562 = tpu.vector_load %arg17[%swap3A_561] {strides = array<i32>} : memref<128xi32, #tpu.memory_space<vmem>>, vector<16xi32>,
      %swap3A_563 = vector.shape_cast %swap3A_562 : vector<16xi32> to vector<16xi32>
      %swap3A_564 = vector.shape_cast %add3A_560 : vector<16xi32> to vector<16xi32>
      tpu.vector_store %arg17[%swap3A_561], %swap3A_564 {strides = array<i32>} : memref<128xi32, #tpu.memory_space<vmem>>, vector<16xi32>,
      %add3A_565 = arith.constant 6400 : i32
      %add3A_566 = arith.addi %add3A_31, %add3A_565 : i32
      %add3A_567 = arith.addi %add3A_566, %add3A_493 : i32
      %add3A_568 = vector.broadcast %add3A_567 : i32 to vector<16xi32>
      %add3A_569 = arith.addi %mul3A_28, %add3A_568 : vector<16xi32>
      %swap3A_570 = arith.constant 32 : index
      %swap3A_571 = tpu.vector_load %arg17[%swap3A_570] {strides = array<i32>} : memref<128xi32, #tpu.memory_space<vmem>>, vector<16xi32>,
      %swap3A_572 = vector.shape_cast %swap3A_571 : vector<16xi32> to vector<16xi32>
      %swap3A_573 = vector.shape_cast %add3A_569 : vector<16xi32> to vector<16xi32>
      tpu.vector_store %arg17[%swap3A_570], %swap3A_573 {strides = array<i32>} : memref<128xi32, #tpu.memory_space<vmem>>, vector<16xi32>,
      %add3A_574 = arith.constant 9600 : i32
      %add3A_575 = arith.addi %add3A_31, %add3A_574 : i32
      %add3A_576 = arith.addi %add3A_575, %add3A_493 : i32
      %add3A_577 = vector.broadcast %add3A_576 : i32 to vector<16xi32>
      %add3A_578 = arith.addi %mul3A_28, %add3A_577 : vector<16xi32>
      %swap3A_579 = arith.constant 48 : index
      %swap3A_580 = tpu.vector_load %arg17[%swap3A_579] {strides = array<i32>} : memref<128xi32, #tpu.memory_space<vmem>>, vector<16xi32>,
      %swap3A_581 = vector.shape_cast %swap3A_580 : vector<16xi32> to vector<16xi32>
      %swap3A_582 = vector.shape_cast %add3A_578 : vector<16xi32> to vector<16xi32>
      tpu.vector_store %arg17[%swap3A_579], %swap3A_582 {strides = array<i32>} : memref<128xi32, #tpu.memory_space<vmem>>, vector<16xi32>,
      %add3A_583 = arith.constant 12800 : i32
      %add3A_584 = arith.addi %add3A_31, %add3A_583 : i32
      %add3A_585 = arith.addi %add3A_584, %add3A_493 : i32
      %add3A_586 = vector.broadcast %add3A_585 : i32 to vector<16xi32>
      %add3A_587 = arith.addi %mul3A_28, %add3A_586 : vector<16xi32>
      %swap3A_588 = arith.constant 64 : index
      %swap3A_589 = tpu.vector_load %arg17[%swap3A_588] {strides = array<i32>} : memref<128xi32, #tpu.memory_space<vmem>>, vector<16xi32>,
      %swap3A_590 = vector.shape_cast %swap3A_589 : vector<16xi32> to vector<16xi32>
      %swap3A_591 = vector.shape_cast %add3A_587 : vector<16xi32> to vector<16xi32>
      tpu.vector_store %arg17[%swap3A_588], %swap3A_591 {strides = array<i32>} : memref<128xi32, #tpu.memory_space<vmem>>, vector<16xi32>,
      %add3A_592 = arith.constant 16000 : i32
      %add3A_593 = arith.addi %add3A_31, %add3A_592 : i32
      %add3A_594 = arith.addi %add3A_593, %add3A_493 : i32
      %add3A_595 = vector.broadcast %add3A_594 : i32 to vector<16xi32>
      %add3A_596 = arith.addi %mul3A_28, %add3A_595 : vector<16xi32>
      %swap3A_597 = arith.constant 80 : index
      %swap3A_598 = tpu.vector_load %arg17[%swap3A_597] {strides = array<i32>} : memref<128xi32, #tpu.memory_space<vmem>>, vector<16xi32>,
      %swap3A_599 = vector.shape_cast %swap3A_598 : vector<16xi32> to vector<16xi32>
      %swap3A_600 = vector.shape_cast %add3A_596 : vector<16xi32> to vector<16xi32>
      tpu.vector_store %arg17[%swap3A_597], %swap3A_600 {strides = array<i32>} : memref<128xi32, #tpu.memory_space<vmem>>, vector<16xi32>,
      %add3A_601 = arith.constant 19200 : i32
      %add3A_602 = arith.addi %add3A_31, %add3A_601 : i32
      %add3A_603 = arith.addi %add3A_602, %add3A_493 : i32
      %add3A_604 = vector.broadcast %add3A_603 : i32 to vector<16xi32>
      %add3A_605 = arith.addi %mul3A_28, %add3A_604 : vector<16xi32>
      %swap3A_606 = arith.constant 96 : index
      %swap3A_607 = tpu.vector_load %arg17[%swap3A_606] {strides = array<i32>} : memref<128xi32, #tpu.memory_space<vmem>>, vector<16xi32>,
      %swap3A_608 = vector.shape_cast %swap3A_607 : vector<16xi32> to vector<16xi32>
      %swap3A_609 = vector.shape_cast %add3A_605 : vector<16xi32> to vector<16xi32>
      tpu.vector_store %arg17[%swap3A_606], %swap3A_609 {strides = array<i32>} : memref<128xi32, #tpu.memory_space<vmem>>, vector<16xi32>,
      %add3A_610 = arith.constant 22400 : i32
      %add3A_611 = arith.addi %add3A_31, %add3A_610 : i32
      %add3A_612 = arith.addi %add3A_611, %add3A_493 : i32
      %add3A_613 = vector.broadcast %add3A_612 : i32 to vector<16xi32>
      %add3A_614 = arith.addi %mul3A_28, %add3A_613 : vector<16xi32>
      %swap3A_615 = arith.constant 112 : index
      %swap3A_616 = tpu.vector_load %arg17[%swap3A_615] {strides = array<i32>} : memref<128xi32, #tpu.memory_space<vmem>>, vector<16xi32>,
      %swap3A_617 = vector.shape_cast %swap3A_616 : vector<16xi32> to vector<16xi32>
      %swap3A_618 = vector.shape_cast %add3A_614 : vector<16xi32> to vector<16xi32>
      tpu.vector_store %arg17[%swap3A_615], %swap3A_618 {strides = array<i32>} : memref<128xi32, #tpu.memory_space<vmem>>, vector<16xi32>,
      %dma_start3A_619 = arith.constant 0 : i32
      %dma_start3A_620 = arith.constant 0 : i32
      %dma_start3A_621 = tpu.memref_slice %arg5[%dma_start3A_619, %dma_start3A_620] : memref<204800x128xf32, #tpu.memory_space<hbm>> -> memref<204800x128xf32, #tpu.memory_space<hbm>>
      tpu.enqueue_indirect_dma source(%arg14 : memref<128x128xf32, #tpu.memory_space<vmem>>) target(%dma_start3A_621 : memref<204800x128xf32, #tpu.memory_space<hbm>>) offsets(%arg17 : memref<128xi32, #tpu.memory_space<vmem>>) semaphore(%arg25 : memref<!tpu.dma_semaphore, #tpu.memory_space<semaphore_mem>>)
      %add3A_622 = arith.constant 3 : i32
      %add3A_623 = arith.addi %add3A_493, %add3A_622 : i32
      %lt3A_624 = arith.constant 50 : i32
      %lt3A_625 = arith.cmpi slt, %add3A_623, %lt3A_624 : i32
      %convert_element_type3A_626 = arith.extui %lt3A_625 : i1 to i32
      %cond3A_627 = arith.constant 0 : i32
      %cond3A_628 = arith.cmpi ne, %convert_element_type3A_626, %cond3A_627 : i32
      scf.if %cond3A_628 {
        %add3A_767 = arith.constant 3 : i32
        %add3A_768 = arith.addi %add3A_493, %add3A_767 : i32
        %mul3A_769 = arith.constant 128 : i32
        %mul3A_770 = arith.muli %add3A_768, %mul3A_769 : i32
        %multiple_of3A_771 = tpu.assume_multiple %mul3A_770, 128 : i32
        %dma_start3A_772 = tpu.memref_slice %arg7[%multiple_of3A_771] : memref<6400xi32, #tpu.memory_space<vmem>> -> memref<128xi32, #tpu.memory_space<vmem>>
        %dma_start3A_773 = arith.constant 0 : i32
        %dma_start3A_774 = arith.constant 0 : i32
        %dma_start3A_775 = tpu.memref_slice %arg3[%dma_start3A_773, %dma_start3A_774] : memref<100000x128xf32, #tpu.memory_space<hbm>> -> memref<100000x128xf32, #tpu.memory_space<hbm>>
        tpu.enqueue_indirect_dma source(%dma_start3A_775 : memref<100000x128xf32, #tpu.memory_space<hbm>>) target(%arg11 : memref<128x128xf32, #tpu.memory_space<vmem>>) offsets(%dma_start3A_772 : memref<128xi32, #tpu.memory_space<vmem>>) semaphore(%arg22 : memref<!tpu.dma_semaphore, #tpu.memory_space<semaphore_mem>>)
      } else {
      }
      %add3A_629 = arith.constant 2 : i32
      %add3A_630 = arith.addi %mul3A_359, %add3A_629 : i32
      %eq3A_631 = arith.constant 5 : i32
      %eq3A_632 = arith.cmpi eq, %add3A_630, %eq3A_631 : i32
      %convert_element_type3A_633 = arith.extui %eq3A_632 : i1 to i32
      %cond3A_634 = arith.constant 0 : i32
      %cond3A_635 = arith.cmpi ne, %convert_element_type3A_633, %cond3A_634 : i32
      scf.if %cond3A_635 {
        %dma_wait3A_767 = arith.constant 0 : i32
        %dma_wait3A_768 = tpu.memref_slice %arg7[%dma_wait3A_767] : memref<6400xi32, #tpu.memory_space<vmem>> -> memref<5376xi32, #tpu.memory_space<vmem>>
        %dma_wait3A_769 = arith.constant 0 : i32
        %dma_wait3A_770 = tpu.memref_slice %arg2[%dma_wait3A_769] : memref<204800xi32, #tpu.memory_space<hbm>> -> memref<5376xi32, #tpu.memory_space<hbm>>
        %dma_wait3A_771 = arith.constant 0 : i32
        %dma_wait3A_772 = tpu.memref_slice %arg7[%dma_wait3A_771] : memref<6400xi32, #tpu.memory_space<vmem>> -> memref<5376xi32, #tpu.memory_space<vmem>>
        %dma_wait3A_773 = arith.constant 0 : i32
        %dma_wait3A_774 = tpu.memref_slice %arg2[%dma_wait3A_773] : memref<204800xi32, #tpu.memory_space<hbm>> -> memref<5376xi32, #tpu.memory_space<hbm>>
        tpu.wait_dma2 semaphore(%arg20 : memref<!tpu.dma_semaphore, #tpu.memory_space<semaphore_mem>>) src(%dma_wait3A_774 : memref<5376xi32, #tpu.memory_space<hbm>>) dst(%dma_wait3A_772 : memref<5376xi32, #tpu.memory_space<vmem>>)
      } else {
      }
      %dma_wait3A_636 = arith.constant 0 : i32
      %dma_wait3A_637 = arith.constant 0 : i32
      %dma_wait3A_638 = tpu.memref_slice %arg3[%dma_wait3A_636, %dma_wait3A_637] : memref<100000x128xf32, #tpu.memory_space<hbm>> -> memref<128x128xf32, #tpu.memory_space<hbm>>
      %dma_wait3A_639 = arith.constant 0 : i32
      %dma_wait3A_640 = arith.constant 0 : i32
      %dma_wait3A_641 = tpu.memref_slice %arg3[%dma_wait3A_639, %dma_wait3A_640] : memref<100000x128xf32, #tpu.memory_space<hbm>> -> memref<128x128xf32, #tpu.memory_space<hbm>>
      tpu.wait_dma2 semaphore(%arg23 : memref<!tpu.dma_semaphore, #tpu.memory_space<semaphore_mem>>) src(%dma_wait3A_641 : memref<128x128xf32, #tpu.memory_space<hbm>>) dst(%arg12 : memref<128x128xf32, #tpu.memory_space<vmem>>)
      %ge3A_642 = arith.constant 3 : i32
      %ge3A_643 = arith.cmpi sge, %add3A_630, %ge3A_642 : i32
      %convert_element_type3A_644 = arith.extui %ge3A_643 : i1 to i32
      %cond3A_645 = arith.constant 0 : i32
      %cond3A_646 = arith.cmpi ne, %convert_element_type3A_644, %cond3A_645 : i32
      scf.if %cond3A_646 {
        %dma_wait3A_767 = arith.constant 0 : i32
        %dma_wait3A_768 = arith.constant 0 : i32
        %dma_wait3A_769 = tpu.memref_slice %arg5[%dma_wait3A_767, %dma_wait3A_768] : memref<204800x128xf32, #tpu.memory_space<hbm>> -> memref<128x128xf32, #tpu.memory_space<hbm>>
        %dma_wait3A_770 = arith.constant 0 : i32
        %dma_wait3A_771 = arith.constant 0 : i32
        %dma_wait3A_772 = tpu.memref_slice %arg5[%dma_wait3A_770, %dma_wait3A_771] : memref<204800x128xf32, #tpu.memory_space<hbm>> -> memref<128x128xf32, #tpu.memory_space<hbm>>
        tpu.wait_dma2 semaphore(%arg26 : memref<!tpu.dma_semaphore, #tpu.memory_space<semaphore_mem>>) src(%arg15 : memref<128x128xf32, #tpu.memory_space<vmem>>) dst(%dma_wait3A_772 : memref<128x128xf32, #tpu.memory_space<hbm>>)
      } else {
      }
      %add3A_647 = arith.addi %mul3A_23, %add3A_630 : i32
      %sub3A_648 = arith.subi %add3A_647, %mul3A_25 : i32
      %get3A_649 = arith.index_cast %sub3A_648 : i32 to index
      %get3A_650 = arith.constant 0 : index
      %get3A_651 = tpu.vector_load %arg9[%get3A_649, %get3A_650] {strides = array<i32>} : memref<56x128xf32, #tpu.memory_space<vmem>>, vector<1x16xf32>,
      %get3A_652 = vector.shape_cast %get3A_651 : vector<1x16xf32> to vector<16xf32>
      %get3A_653 = arith.index_cast %sub3A_648 : i32 to index
      %get3A_654 = arith.constant 16 : index
      %get3A_655 = tpu.vector_load %arg9[%get3A_653, %get3A_654] {strides = array<i32>} : memref<56x128xf32, #tpu.memory_space<vmem>>, vector<1x16xf32>,
      %get3A_656 = vector.shape_cast %get3A_655 : vector<1x16xf32> to vector<16xf32>
      %get3A_657 = arith.index_cast %sub3A_648 : i32 to index
      %get3A_658 = arith.constant 32 : index
      %get3A_659 = tpu.vector_load %arg9[%get3A_657, %get3A_658] {strides = array<i32>} : memref<56x128xf32, #tpu.memory_space<vmem>>, vector<1x16xf32>,
      %get3A_660 = vector.shape_cast %get3A_659 : vector<1x16xf32> to vector<16xf32>
      %get3A_661 = arith.index_cast %sub3A_648 : i32 to index
      %get3A_662 = arith.constant 48 : index
      %get3A_663 = tpu.vector_load %arg9[%get3A_661, %get3A_662] {strides = array<i32>} : memref<56x128xf32, #tpu.memory_space<vmem>>, vector<1x16xf32>,
      %get3A_664 = vector.shape_cast %get3A_663 : vector<1x16xf32> to vector<16xf32>
      %get3A_665 = arith.index_cast %sub3A_648 : i32 to index
      %get3A_666 = arith.constant 64 : index
      %get3A_667 = tpu.vector_load %arg9[%get3A_665, %get3A_666] {strides = array<i32>} : memref<56x128xf32, #tpu.memory_space<vmem>>, vector<1x16xf32>,
      %get3A_668 = vector.shape_cast %get3A_667 : vector<1x16xf32> to vector<16xf32>
      %get3A_669 = arith.index_cast %sub3A_648 : i32 to index
      %get3A_670 = arith.constant 80 : index
      %get3A_671 = tpu.vector_load %arg9[%get3A_669, %get3A_670] {strides = array<i32>} : memref<56x128xf32, #tpu.memory_space<vmem>>, vector<1x16xf32>,
      %get3A_672 = vector.shape_cast %get3A_671 : vector<1x16xf32> to vector<16xf32>
      %get3A_673 = arith.index_cast %sub3A_648 : i32 to index
      %get3A_674 = arith.constant 96 : index
      %get3A_675 = tpu.vector_load %arg9[%get3A_673, %get3A_674] {strides = array<i32>} : memref<56x128xf32, #tpu.memory_space<vmem>>, vector<1x16xf32>,
      %get3A_676 = vector.shape_cast %get3A_675 : vector<1x16xf32> to vector<16xf32>
      %get3A_677 = arith.index_cast %sub3A_648 : i32 to index
      %get3A_678 = arith.constant 112 : index
      %get3A_679 = tpu.vector_load %arg9[%get3A_677, %get3A_678] {strides = array<i32>} : memref<56x128xf32, #tpu.memory_space<vmem>>, vector<1x16xf32>,
      %get3A_680 = vector.shape_cast %get3A_679 : vector<1x16xf32> to vector<16xf32>
      %parallel_loop3A_681 = arith.constant 0 : i32
      %parallel_loop3A_682 = arith.constant 128 : i32
      %parallel_loop3A_683 = arith.constant 1 : i32
      scf.for %parallel_loop3A_767 = %parallel_loop3A_681 to %parallel_loop3A_682 step %parallel_loop3A_683  : i32 {
        %parallel_loop3A_768 = arith.index_cast %parallel_loop3A_767 : i32 to index
        %parallel_loop3A_769 = arith.constant 0 : index
        %parallel_loop3A_770 = tpu.vector_load %arg12[%parallel_loop3A_768, %parallel_loop3A_769] {strides = array<i32>} : memref<128x128xf32, #tpu.memory_space<vmem>>, vector<1x16xf32>,
        %parallel_loop3A_771 = vector.shape_cast %parallel_loop3A_770 : vector<1x16xf32> to vector<16xf32>
        %parallel_loop3A_772 = arith.addf %parallel_loop3A_771, %get3A_652 : vector<16xf32>
        %parallel_loop3A_773 = arith.index_cast %parallel_loop3A_767 : i32 to index
        %parallel_loop3A_774 = arith.constant 0 : index
        %parallel_loop3A_775 = tpu.vector_load %arg15[%parallel_loop3A_773, %parallel_loop3A_774] {strides = array<i32>} : memref<128x128xf32, #tpu.memory_space<vmem>>, vector<1x16xf32>,
        %parallel_loop3A_776 = vector.shape_cast %parallel_loop3A_775 : vector<1x16xf32> to vector<16xf32>
        %parallel_loop3A_777 = vector.shape_cast %parallel_loop3A_772 : vector<16xf32> to vector<1x16xf32>
        tpu.vector_store %arg15[%parallel_loop3A_773, %parallel_loop3A_774], %parallel_loop3A_777 {strides = array<i32>} : memref<128x128xf32, #tpu.memory_space<vmem>>, vector<1x16xf32>,
        %parallel_loop3A_778 = arith.index_cast %parallel_loop3A_767 : i32 to index
        %parallel_loop3A_779 = arith.constant 16 : index
        %parallel_loop3A_780 = tpu.vector_load %arg12[%parallel_loop3A_778, %parallel_loop3A_779] {strides = array<i32>} : memref<128x128xf32, #tpu.memory_space<vmem>>, vector<1x16xf32>,
        %parallel_loop3A_781 = vector.shape_cast %parallel_loop3A_780 : vector<1x16xf32> to vector<16xf32>
        %parallel_loop3A_782 = arith.addf %parallel_loop3A_781, %get3A_656 : vector<16xf32>
        %parallel_loop3A_783 = arith.index_cast %parallel_loop3A_767 : i32 to index
        %parallel_loop3A_784 = arith.constant 16 : index
        %parallel_loop3A_785 = tpu.vector_load %arg15[%parallel_loop3A_783, %parallel_loop3A_784] {strides = array<i32>} : memref<128x128xf32, #tpu.memory_space<vmem>>, vector<1x16xf32>,
        %parallel_loop3A_786 = vector.shape_cast %parallel_loop3A_785 : vector<1x16xf32> to vector<16xf32>
        %parallel_loop3A_787 = vector.shape_cast %parallel_loop3A_782 : vector<16xf32> to vector<1x16xf32>
        tpu.vector_store %arg15[%parallel_loop3A_783, %parallel_loop3A_784], %parallel_loop3A_787 {strides = array<i32>} : memref<128x128xf32, #tpu.memory_space<vmem>>, vector<1x16xf32>,
        %parallel_loop3A_788 = arith.index_cast %parallel_loop3A_767 : i32 to index
        %parallel_loop3A_789 = arith.constant 32 : index
        %parallel_loop3A_790 = tpu.vector_load %arg12[%parallel_loop3A_788, %parallel_loop3A_789] {strides = array<i32>} : memref<128x128xf32, #tpu.memory_space<vmem>>, vector<1x16xf32>,
        %parallel_loop3A_791 = vector.shape_cast %parallel_loop3A_790 : vector<1x16xf32> to vector<16xf32>
        %parallel_loop3A_792 = arith.addf %parallel_loop3A_791, %get3A_660 : vector<16xf32>
        %parallel_loop3A_793 = arith.index_cast %parallel_loop3A_767 : i32 to index
        %parallel_loop3A_794 = arith.constant 32 : index
        %parallel_loop3A_795 = tpu.vector_load %arg15[%parallel_loop3A_793, %parallel_loop3A_794] {strides = array<i32>} : memref<128x128xf32, #tpu.memory_space<vmem>>, vector<1x16xf32>,
        %parallel_loop3A_796 = vector.shape_cast %parallel_loop3A_795 : vector<1x16xf32> to vector<16xf32>
        %parallel_loop3A_797 = vector.shape_cast %parallel_loop3A_792 : vector<16xf32> to vector<1x16xf32>
        tpu.vector_store %arg15[%parallel_loop3A_793, %parallel_loop3A_794], %parallel_loop3A_797 {strides = array<i32>} : memref<128x128xf32, #tpu.memory_space<vmem>>, vector<1x16xf32>,
        %parallel_loop3A_798 = arith.index_cast %parallel_loop3A_767 : i32 to index
        %parallel_loop3A_799 = arith.constant 48 : index
        %parallel_loop3A_800 = tpu.vector_load %arg12[%parallel_loop3A_798, %parallel_loop3A_799] {strides = array<i32>} : memref<128x128xf32, #tpu.memory_space<vmem>>, vector<1x16xf32>,
        %parallel_loop3A_801 = vector.shape_cast %parallel_loop3A_800 : vector<1x16xf32> to vector<16xf32>
        %parallel_loop3A_802 = arith.addf %parallel_loop3A_801, %get3A_664 : vector<16xf32>
        %parallel_loop3A_803 = arith.index_cast %parallel_loop3A_767 : i32 to index
        %parallel_loop3A_804 = arith.constant 48 : index
        %parallel_loop3A_805 = tpu.vector_load %arg15[%parallel_loop3A_803, %parallel_loop3A_804] {strides = array<i32>} : memref<128x128xf32, #tpu.memory_space<vmem>>, vector<1x16xf32>,
        %parallel_loop3A_806 = vector.shape_cast %parallel_loop3A_805 : vector<1x16xf32> to vector<16xf32>
        %parallel_loop3A_807 = vector.shape_cast %parallel_loop3A_802 : vector<16xf32> to vector<1x16xf32>
        tpu.vector_store %arg15[%parallel_loop3A_803, %parallel_loop3A_804], %parallel_loop3A_807 {strides = array<i32>} : memref<128x128xf32, #tpu.memory_space<vmem>>, vector<1x16xf32>,
        %parallel_loop3A_808 = arith.index_cast %parallel_loop3A_767 : i32 to index
        %parallel_loop3A_809 = arith.constant 64 : index
        %parallel_loop3A_810 = tpu.vector_load %arg12[%parallel_loop3A_808, %parallel_loop3A_809] {strides = array<i32>} : memref<128x128xf32, #tpu.memory_space<vmem>>, vector<1x16xf32>,
        %parallel_loop3A_811 = vector.shape_cast %parallel_loop3A_810 : vector<1x16xf32> to vector<16xf32>
        %parallel_loop3A_812 = arith.addf %parallel_loop3A_811, %get3A_668 : vector<16xf32>
        %parallel_loop3A_813 = arith.index_cast %parallel_loop3A_767 : i32 to index
        %parallel_loop3A_814 = arith.constant 64 : index
        %parallel_loop3A_815 = tpu.vector_load %arg15[%parallel_loop3A_813, %parallel_loop3A_814] {strides = array<i32>} : memref<128x128xf32, #tpu.memory_space<vmem>>, vector<1x16xf32>,
        %parallel_loop3A_816 = vector.shape_cast %parallel_loop3A_815 : vector<1x16xf32> to vector<16xf32>
        %parallel_loop3A_817 = vector.shape_cast %parallel_loop3A_812 : vector<16xf32> to vector<1x16xf32>
        tpu.vector_store %arg15[%parallel_loop3A_813, %parallel_loop3A_814], %parallel_loop3A_817 {strides = array<i32>} : memref<128x128xf32, #tpu.memory_space<vmem>>, vector<1x16xf32>,
        %parallel_loop3A_818 = arith.index_cast %parallel_loop3A_767 : i32 to index
        %parallel_loop3A_819 = arith.constant 80 : index
        %parallel_loop3A_820 = tpu.vector_load %arg12[%parallel_loop3A_818, %parallel_loop3A_819] {strides = array<i32>} : memref<128x128xf32, #tpu.memory_space<vmem>>, vector<1x16xf32>,
        %parallel_loop3A_821 = vector.shape_cast %parallel_loop3A_820 : vector<1x16xf32> to vector<16xf32>
        %parallel_loop3A_822 = arith.addf %parallel_loop3A_821, %get3A_672 : vector<16xf32>
        %parallel_loop3A_823 = arith.index_cast %parallel_loop3A_767 : i32 to index
        %parallel_loop3A_824 = arith.constant 80 : index
        %parallel_loop3A_825 = tpu.vector_load %arg15[%parallel_loop3A_823, %parallel_loop3A_824] {strides = array<i32>} : memref<128x128xf32, #tpu.memory_space<vmem>>, vector<1x16xf32>,
        %parallel_loop3A_826 = vector.shape_cast %parallel_loop3A_825 : vector<1x16xf32> to vector<16xf32>
        %parallel_loop3A_827 = vector.shape_cast %parallel_loop3A_822 : vector<16xf32> to vector<1x16xf32>
        tpu.vector_store %arg15[%parallel_loop3A_823, %parallel_loop3A_824], %parallel_loop3A_827 {strides = array<i32>} : memref<128x128xf32, #tpu.memory_space<vmem>>, vector<1x16xf32>,
        %parallel_loop3A_828 = arith.index_cast %parallel_loop3A_767 : i32 to index
        %parallel_loop3A_829 = arith.constant 96 : index
        %parallel_loop3A_830 = tpu.vector_load %arg12[%parallel_loop3A_828, %parallel_loop3A_829] {strides = array<i32>} : memref<128x128xf32, #tpu.memory_space<vmem>>, vector<1x16xf32>,
        %parallel_loop3A_831 = vector.shape_cast %parallel_loop3A_830 : vector<1x16xf32> to vector<16xf32>
        %parallel_loop3A_832 = arith.addf %parallel_loop3A_831, %get3A_676 : vector<16xf32>
        %parallel_loop3A_833 = arith.index_cast %parallel_loop3A_767 : i32 to index
        %parallel_loop3A_834 = arith.constant 96 : index
        %parallel_loop3A_835 = tpu.vector_load %arg15[%parallel_loop3A_833, %parallel_loop3A_834] {strides = array<i32>} : memref<128x128xf32, #tpu.memory_space<vmem>>, vector<1x16xf32>,
        %parallel_loop3A_836 = vector.shape_cast %parallel_loop3A_835 : vector<1x16xf32> to vector<16xf32>
        %parallel_loop3A_837 = vector.shape_cast %parallel_loop3A_832 : vector<16xf32> to vector<1x16xf32>
        tpu.vector_store %arg15[%parallel_loop3A_833, %parallel_loop3A_834], %parallel_loop3A_837 {strides = array<i32>} : memref<128x128xf32, #tpu.memory_space<vmem>>, vector<1x16xf32>,
        %parallel_loop3A_838 = arith.index_cast %parallel_loop3A_767 : i32 to index
        %parallel_loop3A_839 = arith.constant 112 : index
        %parallel_loop3A_840 = tpu.vector_load %arg12[%parallel_loop3A_838, %parallel_loop3A_839] {strides = array<i32>} : memref<128x128xf32, #tpu.memory_space<vmem>>, vector<1x16xf32>,
        %parallel_loop3A_841 = vector.shape_cast %parallel_loop3A_840 : vector<1x16xf32> to vector<16xf32>
        %parallel_loop3A_842 = arith.addf %parallel_loop3A_841, %get3A_680 : vector<16xf32>
        %parallel_loop3A_843 = arith.index_cast %parallel_loop3A_767 : i32 to index
        %parallel_loop3A_844 = arith.constant 112 : index
        %parallel_loop3A_845 = tpu.vector_load %arg15[%parallel_loop3A_843, %parallel_loop3A_844] {strides = array<i32>} : memref<128x128xf32, #tpu.memory_space<vmem>>, vector<1x16xf32>,
        %parallel_loop3A_846 = vector.shape_cast %parallel_loop3A_845 : vector<1x16xf32> to vector<16xf32>
        %parallel_loop3A_847 = vector.shape_cast %parallel_loop3A_842 : vector<16xf32> to vector<1x16xf32>
        tpu.vector_store %arg15[%parallel_loop3A_843, %parallel_loop3A_844], %parallel_loop3A_847 {strides = array<i32>} : memref<128x128xf32, #tpu.memory_space<vmem>>, vector<1x16xf32>,
      } {sc.loop_unroll_factor = 8 : i64, sc.parallel_access}
      %add3A_684 = arith.constant 0 : i32
      %add3A_685 = arith.addi %add3A_31, %add3A_684 : i32
      %add3A_686 = arith.addi %add3A_685, %add3A_630 : i32
      %add3A_687 = vector.broadcast %add3A_686 : i32 to vector<16xi32>
      %add3A_688 = arith.addi %mul3A_28, %add3A_687 : vector<16xi32>
      %swap3A_689 = arith.constant 0 : index
      %swap3A_690 = tpu.vector_load %arg18[%swap3A_689] {strides = array<i32>} : memref<128xi32, #tpu.memory_space<vmem>>, vector<16xi32>,
      %swap3A_691 = vector.shape_cast %swap3A_690 : vector<16xi32> to vector<16xi32>
      %swap3A_692 = vector.shape_cast %add3A_688 : vector<16xi32> to vector<16xi32>
      tpu.vector_store %arg18[%swap3A_689], %swap3A_692 {strides = array<i32>} : memref<128xi32, #tpu.memory_space<vmem>>, vector<16xi32>,
      %add3A_693 = arith.constant 3200 : i32
      %add3A_694 = arith.addi %add3A_31, %add3A_693 : i32
      %add3A_695 = arith.addi %add3A_694, %add3A_630 : i32
      %add3A_696 = vector.broadcast %add3A_695 : i32 to vector<16xi32>
      %add3A_697 = arith.addi %mul3A_28, %add3A_696 : vector<16xi32>
      %swap3A_698 = arith.constant 16 : index
      %swap3A_699 = tpu.vector_load %arg18[%swap3A_698] {strides = array<i32>} : memref<128xi32, #tpu.memory_space<vmem>>, vector<16xi32>,
      %swap3A_700 = vector.shape_cast %swap3A_699 : vector<16xi32> to vector<16xi32>
      %swap3A_701 = vector.shape_cast %add3A_697 : vector<16xi32> to vector<16xi32>
      tpu.vector_store %arg18[%swap3A_698], %swap3A_701 {strides = array<i32>} : memref<128xi32, #tpu.memory_space<vmem>>, vector<16xi32>,
      %add3A_702 = arith.constant 6400 : i32
      %add3A_703 = arith.addi %add3A_31, %add3A_702 : i32
      %add3A_704 = arith.addi %add3A_703, %add3A_630 : i32
      %add3A_705 = vector.broadcast %add3A_704 : i32 to vector<16xi32>
      %add3A_706 = arith.addi %mul3A_28, %add3A_705 : vector<16xi32>
      %swap3A_707 = arith.constant 32 : index
      %swap3A_708 = tpu.vector_load %arg18[%swap3A_707] {strides = array<i32>} : memref<128xi32, #tpu.memory_space<vmem>>, vector<16xi32>,
      %swap3A_709 = vector.shape_cast %swap3A_708 : vector<16xi32> to vector<16xi32>
      %swap3A_710 = vector.shape_cast %add3A_706 : vector<16xi32> to vector<16xi32>
      tpu.vector_store %arg18[%swap3A_707], %swap3A_710 {strides = array<i32>} : memref<128xi32, #tpu.memory_space<vmem>>, vector<16xi32>,
      %add3A_711 = arith.constant 9600 : i32
      %add3A_712 = arith.addi %add3A_31, %add3A_711 : i32
      %add3A_713 = arith.addi %add3A_712, %add3A_630 : i32
      %add3A_714 = vector.broadcast %add3A_713 : i32 to vector<16xi32>
      %add3A_715 = arith.addi %mul3A_28, %add3A_714 : vector<16xi32>
      %swap3A_716 = arith.constant 48 : index
      %swap3A_717 = tpu.vector_load %arg18[%swap3A_716] {strides = array<i32>} : memref<128xi32, #tpu.memory_space<vmem>>, vector<16xi32>,
      %swap3A_718 = vector.shape_cast %swap3A_717 : vector<16xi32> to vector<16xi32>
      %swap3A_719 = vector.shape_cast %add3A_715 : vector<16xi32> to vector<16xi32>
      tpu.vector_store %arg18[%swap3A_716], %swap3A_719 {strides = array<i32>} : memref<128xi32, #tpu.memory_space<vmem>>, vector<16xi32>,
      %add3A_720 = arith.constant 12800 : i32
      %add3A_721 = arith.addi %add3A_31, %add3A_720 : i32
      %add3A_722 = arith.addi %add3A_721, %add3A_630 : i32
      %add3A_723 = vector.broadcast %add3A_722 : i32 to vector<16xi32>
      %add3A_724 = arith.addi %mul3A_28, %add3A_723 : vector<16xi32>
      %swap3A_725 = arith.constant 64 : index
      %swap3A_726 = tpu.vector_load %arg18[%swap3A_725] {strides = array<i32>} : memref<128xi32, #tpu.memory_space<vmem>>, vector<16xi32>,
      %swap3A_727 = vector.shape_cast %swap3A_726 : vector<16xi32> to vector<16xi32>
      %swap3A_728 = vector.shape_cast %add3A_724 : vector<16xi32> to vector<16xi32>
      tpu.vector_store %arg18[%swap3A_725], %swap3A_728 {strides = array<i32>} : memref<128xi32, #tpu.memory_space<vmem>>, vector<16xi32>,
      %add3A_729 = arith.constant 16000 : i32
      %add3A_730 = arith.addi %add3A_31, %add3A_729 : i32
      %add3A_731 = arith.addi %add3A_730, %add3A_630 : i32
      %add3A_732 = vector.broadcast %add3A_731 : i32 to vector<16xi32>
      %add3A_733 = arith.addi %mul3A_28, %add3A_732 : vector<16xi32>
      %swap3A_734 = arith.constant 80 : index
      %swap3A_735 = tpu.vector_load %arg18[%swap3A_734] {strides = array<i32>} : memref<128xi32, #tpu.memory_space<vmem>>, vector<16xi32>,
      %swap3A_736 = vector.shape_cast %swap3A_735 : vector<16xi32> to vector<16xi32>
      %swap3A_737 = vector.shape_cast %add3A_733 : vector<16xi32> to vector<16xi32>
      tpu.vector_store %arg18[%swap3A_734], %swap3A_737 {strides = array<i32>} : memref<128xi32, #tpu.memory_space<vmem>>, vector<16xi32>,
      %add3A_738 = arith.constant 19200 : i32
      %add3A_739 = arith.addi %add3A_31, %add3A_738 : i32
      %add3A_740 = arith.addi %add3A_739, %add3A_630 : i32
      %add3A_741 = vector.broadcast %add3A_740 : i32 to vector<16xi32>
      %add3A_742 = arith.addi %mul3A_28, %add3A_741 : vector<16xi32>
      %swap3A_743 = arith.constant 96 : index
      %swap3A_744 = tpu.vector_load %arg18[%swap3A_743] {strides = array<i32>} : memref<128xi32, #tpu.memory_space<vmem>>, vector<16xi32>,
      %swap3A_745 = vector.shape_cast %swap3A_744 : vector<16xi32> to vector<16xi32>
      %swap3A_746 = vector.shape_cast %add3A_742 : vector<16xi32> to vector<16xi32>
      tpu.vector_store %arg18[%swap3A_743], %swap3A_746 {strides = array<i32>} : memref<128xi32, #tpu.memory_space<vmem>>, vector<16xi32>,
      %add3A_747 = arith.constant 22400 : i32
      %add3A_748 = arith.addi %add3A_31, %add3A_747 : i32
      %add3A_749 = arith.addi %add3A_748, %add3A_630 : i32
      %add3A_750 = vector.broadcast %add3A_749 : i32 to vector<16xi32>
      %add3A_751 = arith.addi %mul3A_28, %add3A_750 : vector<16xi32>
      %swap3A_752 = arith.constant 112 : index
      %swap3A_753 = tpu.vector_load %arg18[%swap3A_752] {strides = array<i32>} : memref<128xi32, #tpu.memory_space<vmem>>, vector<16xi32>,
      %swap3A_754 = vector.shape_cast %swap3A_753 : vector<16xi32> to vector<16xi32>
      %swap3A_755 = vector.shape_cast %add3A_751 : vector<16xi32> to vector<16xi32>
      tpu.vector_store %arg18[%swap3A_752], %swap3A_755 {strides = array<i32>} : memref<128xi32, #tpu.memory_space<vmem>>, vector<16xi32>,
      %dma_start3A_756 = arith.constant 0 : i32
      %dma_start3A_757 = arith.constant 0 : i32
      %dma_start3A_758 = tpu.memref_slice %arg5[%dma_start3A_756, %dma_start3A_757] : memref<204800x128xf32, #tpu.memory_space<hbm>> -> memref<204800x128xf32, #tpu.memory_space<hbm>>
      tpu.enqueue_indirect_dma source(%arg15 : memref<128x128xf32, #tpu.memory_space<vmem>>) target(%dma_start3A_758 : memref<204800x128xf32, #tpu.memory_space<hbm>>) offsets(%arg18 : memref<128xi32, #tpu.memory_space<vmem>>) semaphore(%arg26 : memref<!tpu.dma_semaphore, #tpu.memory_space<semaphore_mem>>)
      %add3A_759 = arith.constant 3 : i32
      %add3A_760 = arith.addi %add3A_630, %add3A_759 : i32
      %lt3A_761 = arith.constant 50 : i32
      %lt3A_762 = arith.cmpi slt, %add3A_760, %lt3A_761 : i32
      %convert_element_type3A_763 = arith.extui %lt3A_762 : i1 to i32
      %cond3A_764 = arith.constant 0 : i32
      %cond3A_765 = arith.cmpi ne, %convert_element_type3A_763, %cond3A_764 : i32
      scf.if %cond3A_765 {
        %add3A_767 = arith.constant 3 : i32
        %add3A_768 = arith.addi %add3A_630, %add3A_767 : i32
        %mul3A_769 = arith.constant 128 : i32
        %mul3A_770 = arith.muli %add3A_768, %mul3A_769 : i32
        %multiple_of3A_771 = tpu.assume_multiple %mul3A_770, 128 : i32
        %dma_start3A_772 = tpu.memref_slice %arg7[%multiple_of3A_771] : memref<6400xi32, #tpu.memory_space<vmem>> -> memref<128xi32, #tpu.memory_space<vmem>>
        %dma_start3A_773 = arith.constant 0 : i32
        %dma_start3A_774 = arith.constant 0 : i32
        %dma_start3A_775 = tpu.memref_slice %arg3[%dma_start3A_773, %dma_start3A_774] : memref<100000x128xf32, #tpu.memory_space<hbm>> -> memref<100000x128xf32, #tpu.memory_space<hbm>>
        tpu.enqueue_indirect_dma source(%dma_start3A_775 : memref<100000x128xf32, #tpu.memory_space<hbm>>) target(%arg12 : memref<128x128xf32, #tpu.memory_space<vmem>>) offsets(%dma_start3A_772 : memref<128xi32, #tpu.memory_space<vmem>>) semaphore(%arg23 : memref<!tpu.dma_semaphore, #tpu.memory_space<semaphore_mem>>)
      } else {
      }
      %scan3A_766 = arith.constant 0 : i32
      scf.yield %scan3A_766 : i32
    }
    %scan3A_73 = arith.constant 16 : i32
    %dma_wait3A_74 = arith.constant 0 : i32
    %dma_wait3A_75 = arith.constant 0 : i32
    %dma_wait3A_76 = tpu.memref_slice %arg3[%dma_wait3A_74, %dma_wait3A_75] : memref<100000x128xf32, #tpu.memory_space<hbm>> -> memref<128x128xf32, #tpu.memory_space<hbm>>
    %dma_wait3A_77 = arith.constant 0 : i32
    %dma_wait3A_78 = arith.constant 0 : i32
    %dma_wait3A_79 = tpu.memref_slice %arg3[%dma_wait3A_77, %dma_wait3A_78] : memref<100000x128xf32, #tpu.memory_space<hbm>> -> memref<128x128xf32, #tpu.memory_space<hbm>>
    tpu.wait_dma2 semaphore(%arg21 : memref<!tpu.dma_semaphore, #tpu.memory_space<semaphore_mem>>) src(%dma_wait3A_79 : memref<128x128xf32, #tpu.memory_space<hbm>>) dst(%arg10 : memref<128x128xf32, #tpu.memory_space<vmem>>)
    %dma_wait3A_80 = arith.constant 0 : i32
    %dma_wait3A_81 = arith.constant 0 : i32
    %dma_wait3A_82 = tpu.memref_slice %arg5[%dma_wait3A_80, %dma_wait3A_81] : memref<204800x128xf32, #tpu.memory_space<hbm>> -> memref<128x128xf32, #tpu.memory_space<hbm>>
    %dma_wait3A_83 = arith.constant 0 : i32
    %dma_wait3A_84 = arith.constant 0 : i32
    %dma_wait3A_85 = tpu.memref_slice %arg5[%dma_wait3A_83, %dma_wait3A_84] : memref<204800x128xf32, #tpu.memory_space<hbm>> -> memref<128x128xf32, #tpu.memory_space<hbm>>
    tpu.wait_dma2 semaphore(%arg24 : memref<!tpu.dma_semaphore, #tpu.memory_space<semaphore_mem>>) src(%arg13 : memref<128x128xf32, #tpu.memory_space<vmem>>) dst(%dma_wait3A_85 : memref<128x128xf32, #tpu.memory_space<hbm>>)
    %add3A_86 = arith.constant 48 : i32
    %add3A_87 = arith.addi %mul3A_23, %add3A_86 : i32
    %sub3A_88 = arith.subi %add3A_87, %mul3A_25 : i32
    %get3A = arith.index_cast %sub3A_88 : i32 to index
    %get3A_89 = arith.constant 0 : index
    %get3A_90 = tpu.vector_load %arg9[%get3A, %get3A_89] {strides = array<i32>} : memref<56x128xf32, #tpu.memory_space<vmem>>, vector<1x16xf32>,
    %get3A_91 = vector.shape_cast %get3A_90 : vector<1x16xf32> to vector<16xf32>
    %get3A_92 = arith.index_cast %sub3A_88 : i32 to index
    %get3A_93 = arith.constant 16 : index
    %get3A_94 = tpu.vector_load %arg9[%get3A_92, %get3A_93] {strides = array<i32>} : memref<56x128xf32, #tpu.memory_space<vmem>>, vector<1x16xf32>,
    %get3A_95 = vector.shape_cast %get3A_94 : vector<1x16xf32> to vector<16xf32>
    %get3A_96 = arith.index_cast %sub3A_88 : i32 to index
    %get3A_97 = arith.constant 32 : index
    %get3A_98 = tpu.vector_load %arg9[%get3A_96, %get3A_97] {strides = array<i32>} : memref<56x128xf32, #tpu.memory_space<vmem>>, vector<1x16xf32>,
    %get3A_99 = vector.shape_cast %get3A_98 : vector<1x16xf32> to vector<16xf32>
    %get3A_100 = arith.index_cast %sub3A_88 : i32 to index
    %get3A_101 = arith.constant 48 : index
    %get3A_102 = tpu.vector_load %arg9[%get3A_100, %get3A_101] {strides = array<i32>} : memref<56x128xf32, #tpu.memory_space<vmem>>, vector<1x16xf32>,
    %get3A_103 = vector.shape_cast %get3A_102 : vector<1x16xf32> to vector<16xf32>
    %get3A_104 = arith.index_cast %sub3A_88 : i32 to index
    %get3A_105 = arith.constant 64 : index
    %get3A_106 = tpu.vector_load %arg9[%get3A_104, %get3A_105] {strides = array<i32>} : memref<56x128xf32, #tpu.memory_space<vmem>>, vector<1x16xf32>,
    %get3A_107 = vector.shape_cast %get3A_106 : vector<1x16xf32> to vector<16xf32>
    %get3A_108 = arith.index_cast %sub3A_88 : i32 to index
    %get3A_109 = arith.constant 80 : index
    %get3A_110 = tpu.vector_load %arg9[%get3A_108, %get3A_109] {strides = array<i32>} : memref<56x128xf32, #tpu.memory_space<vmem>>, vector<1x16xf32>,
    %get3A_111 = vector.shape_cast %get3A_110 : vector<1x16xf32> to vector<16xf32>
    %get3A_112 = arith.index_cast %sub3A_88 : i32 to index
    %get3A_113 = arith.constant 96 : index
    %get3A_114 = tpu.vector_load %arg9[%get3A_112, %get3A_113] {strides = array<i32>} : memref<56x128xf32, #tpu.memory_space<vmem>>, vector<1x16xf32>,
    %get3A_115 = vector.shape_cast %get3A_114 : vector<1x16xf32> to vector<16xf32>
    %get3A_116 = arith.index_cast %sub3A_88 : i32 to index
    %get3A_117 = arith.constant 112 : index
    %get3A_118 = tpu.vector_load %arg9[%get3A_116, %get3A_117] {strides = array<i32>} : memref<56x128xf32, #tpu.memory_space<vmem>>, vector<1x16xf32>,
    %get3A_119 = vector.shape_cast %get3A_118 : vector<1x16xf32> to vector<16xf32>
    %parallel_loop3A_120 = arith.constant 0 : i32
    %parallel_loop3A_121 = arith.constant 128 : i32
    %parallel_loop3A_122 = arith.constant 1 : i32
    scf.for %parallel_loop3A_356 = %parallel_loop3A_120 to %parallel_loop3A_121 step %parallel_loop3A_122  : i32 {
      %parallel_loop3A_357 = arith.index_cast %parallel_loop3A_356 : i32 to index
      %parallel_loop3A_358 = arith.constant 0 : index
      %parallel_loop3A_359 = tpu.vector_load %arg10[%parallel_loop3A_357, %parallel_loop3A_358] {strides = array<i32>} : memref<128x128xf32, #tpu.memory_space<vmem>>, vector<1x16xf32>,
      %parallel_loop3A_360 = vector.shape_cast %parallel_loop3A_359 : vector<1x16xf32> to vector<16xf32>
      %parallel_loop3A_361 = arith.addf %parallel_loop3A_360, %get3A_91 : vector<16xf32>
      %parallel_loop3A_362 = arith.index_cast %parallel_loop3A_356 : i32 to index
      %parallel_loop3A_363 = arith.constant 0 : index
      %parallel_loop3A_364 = tpu.vector_load %arg13[%parallel_loop3A_362, %parallel_loop3A_363] {strides = array<i32>} : memref<128x128xf32, #tpu.memory_space<vmem>>, vector<1x16xf32>,
      %parallel_loop3A_365 = vector.shape_cast %parallel_loop3A_364 : vector<1x16xf32> to vector<16xf32>
      %parallel_loop3A_366 = vector.shape_cast %parallel_loop3A_361 : vector<16xf32> to vector<1x16xf32>
      tpu.vector_store %arg13[%parallel_loop3A_362, %parallel_loop3A_363], %parallel_loop3A_366 {strides = array<i32>} : memref<128x128xf32, #tpu.memory_space<vmem>>, vector<1x16xf32>,
      %parallel_loop3A_367 = arith.index_cast %parallel_loop3A_356 : i32 to index
      %parallel_loop3A_368 = arith.constant 16 : index
      %parallel_loop3A_369 = tpu.vector_load %arg10[%parallel_loop3A_367, %parallel_loop3A_368] {strides = array<i32>} : memref<128x128xf32, #tpu.memory_space<vmem>>, vector<1x16xf32>,
      %parallel_loop3A_370 = vector.shape_cast %parallel_loop3A_369 : vector<1x16xf32> to vector<16xf32>
      %parallel_loop3A_371 = arith.addf %parallel_loop3A_370, %get3A_95 : vector<16xf32>
      %parallel_loop3A_372 = arith.index_cast %parallel_loop3A_356 : i32 to index
      %parallel_loop3A_373 = arith.constant 16 : index
      %parallel_loop3A_374 = tpu.vector_load %arg13[%parallel_loop3A_372, %parallel_loop3A_373] {strides = array<i32>} : memref<128x128xf32, #tpu.memory_space<vmem>>, vector<1x16xf32>,
      %parallel_loop3A_375 = vector.shape_cast %parallel_loop3A_374 : vector<1x16xf32> to vector<16xf32>
      %parallel_loop3A_376 = vector.shape_cast %parallel_loop3A_371 : vector<16xf32> to vector<1x16xf32>
      tpu.vector_store %arg13[%parallel_loop3A_372, %parallel_loop3A_373], %parallel_loop3A_376 {strides = array<i32>} : memref<128x128xf32, #tpu.memory_space<vmem>>, vector<1x16xf32>,
      %parallel_loop3A_377 = arith.index_cast %parallel_loop3A_356 : i32 to index
      %parallel_loop3A_378 = arith.constant 32 : index
      %parallel_loop3A_379 = tpu.vector_load %arg10[%parallel_loop3A_377, %parallel_loop3A_378] {strides = array<i32>} : memref<128x128xf32, #tpu.memory_space<vmem>>, vector<1x16xf32>,
      %parallel_loop3A_380 = vector.shape_cast %parallel_loop3A_379 : vector<1x16xf32> to vector<16xf32>
      %parallel_loop3A_381 = arith.addf %parallel_loop3A_380, %get3A_99 : vector<16xf32>
      %parallel_loop3A_382 = arith.index_cast %parallel_loop3A_356 : i32 to index
      %parallel_loop3A_383 = arith.constant 32 : index
      %parallel_loop3A_384 = tpu.vector_load %arg13[%parallel_loop3A_382, %parallel_loop3A_383] {strides = array<i32>} : memref<128x128xf32, #tpu.memory_space<vmem>>, vector<1x16xf32>,
      %parallel_loop3A_385 = vector.shape_cast %parallel_loop3A_384 : vector<1x16xf32> to vector<16xf32>
      %parallel_loop3A_386 = vector.shape_cast %parallel_loop3A_381 : vector<16xf32> to vector<1x16xf32>
      tpu.vector_store %arg13[%parallel_loop3A_382, %parallel_loop3A_383], %parallel_loop3A_386 {strides = array<i32>} : memref<128x128xf32, #tpu.memory_space<vmem>>, vector<1x16xf32>,
      %parallel_loop3A_387 = arith.index_cast %parallel_loop3A_356 : i32 to index
      %parallel_loop3A_388 = arith.constant 48 : index
      %parallel_loop3A_389 = tpu.vector_load %arg10[%parallel_loop3A_387, %parallel_loop3A_388] {strides = array<i32>} : memref<128x128xf32, #tpu.memory_space<vmem>>, vector<1x16xf32>,
      %parallel_loop3A_390 = vector.shape_cast %parallel_loop3A_389 : vector<1x16xf32> to vector<16xf32>
      %parallel_loop3A_391 = arith.addf %parallel_loop3A_390, %get3A_103 : vector<16xf32>
      %parallel_loop3A_392 = arith.index_cast %parallel_loop3A_356 : i32 to index
      %parallel_loop3A_393 = arith.constant 48 : index
      %parallel_loop3A_394 = tpu.vector_load %arg13[%parallel_loop3A_392, %parallel_loop3A_393] {strides = array<i32>} : memref<128x128xf32, #tpu.memory_space<vmem>>, vector<1x16xf32>,
      %parallel_loop3A_395 = vector.shape_cast %parallel_loop3A_394 : vector<1x16xf32> to vector<16xf32>
      %parallel_loop3A_396 = vector.shape_cast %parallel_loop3A_391 : vector<16xf32> to vector<1x16xf32>
      tpu.vector_store %arg13[%parallel_loop3A_392, %parallel_loop3A_393], %parallel_loop3A_396 {strides = array<i32>} : memref<128x128xf32, #tpu.memory_space<vmem>>, vector<1x16xf32>,
      %parallel_loop3A_397 = arith.index_cast %parallel_loop3A_356 : i32 to index
      %parallel_loop3A_398 = arith.constant 64 : index
      %parallel_loop3A_399 = tpu.vector_load %arg10[%parallel_loop3A_397, %parallel_loop3A_398] {strides = array<i32>} : memref<128x128xf32, #tpu.memory_space<vmem>>, vector<1x16xf32>,
      %parallel_loop3A_400 = vector.shape_cast %parallel_loop3A_399 : vector<1x16xf32> to vector<16xf32>
      %parallel_loop3A_401 = arith.addf %parallel_loop3A_400, %get3A_107 : vector<16xf32>
      %parallel_loop3A_402 = arith.index_cast %parallel_loop3A_356 : i32 to index
      %parallel_loop3A_403 = arith.constant 64 : index
      %parallel_loop3A_404 = tpu.vector_load %arg13[%parallel_loop3A_402, %parallel_loop3A_403] {strides = array<i32>} : memref<128x128xf32, #tpu.memory_space<vmem>>, vector<1x16xf32>,
      %parallel_loop3A_405 = vector.shape_cast %parallel_loop3A_404 : vector<1x16xf32> to vector<16xf32>
      %parallel_loop3A_406 = vector.shape_cast %parallel_loop3A_401 : vector<16xf32> to vector<1x16xf32>
      tpu.vector_store %arg13[%parallel_loop3A_402, %parallel_loop3A_403], %parallel_loop3A_406 {strides = array<i32>} : memref<128x128xf32, #tpu.memory_space<vmem>>, vector<1x16xf32>,
      %parallel_loop3A_407 = arith.index_cast %parallel_loop3A_356 : i32 to index
      %parallel_loop3A_408 = arith.constant 80 : index
      %parallel_loop3A_409 = tpu.vector_load %arg10[%parallel_loop3A_407, %parallel_loop3A_408] {strides = array<i32>} : memref<128x128xf32, #tpu.memory_space<vmem>>, vector<1x16xf32>,
      %parallel_loop3A_410 = vector.shape_cast %parallel_loop3A_409 : vector<1x16xf32> to vector<16xf32>
      %parallel_loop3A_411 = arith.addf %parallel_loop3A_410, %get3A_111 : vector<16xf32>
      %parallel_loop3A_412 = arith.index_cast %parallel_loop3A_356 : i32 to index
      %parallel_loop3A_413 = arith.constant 80 : index
      %parallel_loop3A_414 = tpu.vector_load %arg13[%parallel_loop3A_412, %parallel_loop3A_413] {strides = array<i32>} : memref<128x128xf32, #tpu.memory_space<vmem>>, vector<1x16xf32>,
      %parallel_loop3A_415 = vector.shape_cast %parallel_loop3A_414 : vector<1x16xf32> to vector<16xf32>
      %parallel_loop3A_416 = vector.shape_cast %parallel_loop3A_411 : vector<16xf32> to vector<1x16xf32>
      tpu.vector_store %arg13[%parallel_loop3A_412, %parallel_loop3A_413], %parallel_loop3A_416 {strides = array<i32>} : memref<128x128xf32, #tpu.memory_space<vmem>>, vector<1x16xf32>,
      %parallel_loop3A_417 = arith.index_cast %parallel_loop3A_356 : i32 to index
      %parallel_loop3A_418 = arith.constant 96 : index
      %parallel_loop3A_419 = tpu.vector_load %arg10[%parallel_loop3A_417, %parallel_loop3A_418] {strides = array<i32>} : memref<128x128xf32, #tpu.memory_space<vmem>>, vector<1x16xf32>,
      %parallel_loop3A_420 = vector.shape_cast %parallel_loop3A_419 : vector<1x16xf32> to vector<16xf32>
      %parallel_loop3A_421 = arith.addf %parallel_loop3A_420, %get3A_115 : vector<16xf32>
      %parallel_loop3A_422 = arith.index_cast %parallel_loop3A_356 : i32 to index
      %parallel_loop3A_423 = arith.constant 96 : index
      %parallel_loop3A_424 = tpu.vector_load %arg13[%parallel_loop3A_422, %parallel_loop3A_423] {strides = array<i32>} : memref<128x128xf32, #tpu.memory_space<vmem>>, vector<1x16xf32>,
      %parallel_loop3A_425 = vector.shape_cast %parallel_loop3A_424 : vector<1x16xf32> to vector<16xf32>
      %parallel_loop3A_426 = vector.shape_cast %parallel_loop3A_421 : vector<16xf32> to vector<1x16xf32>
      tpu.vector_store %arg13[%parallel_loop3A_422, %parallel_loop3A_423], %parallel_loop3A_426 {strides = array<i32>} : memref<128x128xf32, #tpu.memory_space<vmem>>, vector<1x16xf32>,
      %parallel_loop3A_427 = arith.index_cast %parallel_loop3A_356 : i32 to index
      %parallel_loop3A_428 = arith.constant 112 : index
      %parallel_loop3A_429 = tpu.vector_load %arg10[%parallel_loop3A_427, %parallel_loop3A_428] {strides = array<i32>} : memref<128x128xf32, #tpu.memory_space<vmem>>, vector<1x16xf32>,
      %parallel_loop3A_430 = vector.shape_cast %parallel_loop3A_429 : vector<1x16xf32> to vector<16xf32>
      %parallel_loop3A_431 = arith.addf %parallel_loop3A_430, %get3A_119 : vector<16xf32>
      %parallel_loop3A_432 = arith.index_cast %parallel_loop3A_356 : i32 to index
      %parallel_loop3A_433 = arith.constant 112 : index
      %parallel_loop3A_434 = tpu.vector_load %arg13[%parallel_loop3A_432, %parallel_loop3A_433] {strides = array<i32>} : memref<128x128xf32, #tpu.memory_space<vmem>>, vector<1x16xf32>,
      %parallel_loop3A_435 = vector.shape_cast %parallel_loop3A_434 : vector<1x16xf32> to vector<16xf32>
      %parallel_loop3A_436 = vector.shape_cast %parallel_loop3A_431 : vector<16xf32> to vector<1x16xf32>
      tpu.vector_store %arg13[%parallel_loop3A_432, %parallel_loop3A_433], %parallel_loop3A_436 {strides = array<i32>} : memref<128x128xf32, #tpu.memory_space<vmem>>, vector<1x16xf32>,
    } {sc.loop_unroll_factor = 8 : i64, sc.parallel_access}
    %add3A_123 = arith.constant 0 : i32
    %add3A_124 = arith.addi %add3A_31, %add3A_123 : i32
    %add3A_125 = arith.constant 48 : i32
    %add3A_126 = arith.addi %add3A_124, %add3A_125 : i32
    %add3A_127 = vector.broadcast %add3A_126 : i32 to vector<16xi32>
    %add3A_128 = arith.addi %mul3A_28, %add3A_127 : vector<16xi32>
    %swap3A = arith.constant 0 : index
    %swap3A_129 = tpu.vector_load %arg16[%swap3A] {strides = array<i32>} : memref<128xi32, #tpu.memory_space<vmem>>, vector<16xi32>,
    %swap3A_130 = vector.shape_cast %swap3A_129 : vector<16xi32> to vector<16xi32>
    %swap3A_131 = vector.shape_cast %add3A_128 : vector<16xi32> to vector<16xi32>
    tpu.vector_store %arg16[%swap3A], %swap3A_131 {strides = array<i32>} : memref<128xi32, #tpu.memory_space<vmem>>, vector<16xi32>,
    %add3A_132 = arith.constant 3200 : i32
    %add3A_133 = arith.addi %add3A_31, %add3A_132 : i32
    %add3A_134 = arith.constant 48 : i32
    %add3A_135 = arith.addi %add3A_133, %add3A_134 : i32
    %add3A_136 = vector.broadcast %add3A_135 : i32 to vector<16xi32>
    %add3A_137 = arith.addi %mul3A_28, %add3A_136 : vector<16xi32>
    %swap3A_138 = arith.constant 16 : index
    %swap3A_139 = tpu.vector_load %arg16[%swap3A_138] {strides = array<i32>} : memref<128xi32, #tpu.memory_space<vmem>>, vector<16xi32>,
    %swap3A_140 = vector.shape_cast %swap3A_139 : vector<16xi32> to vector<16xi32>
    %swap3A_141 = vector.shape_cast %add3A_137 : vector<16xi32> to vector<16xi32>
    tpu.vector_store %arg16[%swap3A_138], %swap3A_141 {strides = array<i32>} : memref<128xi32, #tpu.memory_space<vmem>>, vector<16xi32>,
    %add3A_142 = arith.constant 6400 : i32
    %add3A_143 = arith.addi %add3A_31, %add3A_142 : i32
    %add3A_144 = arith.constant 48 : i32
    %add3A_145 = arith.addi %add3A_143, %add3A_144 : i32
    %add3A_146 = vector.broadcast %add3A_145 : i32 to vector<16xi32>
    %add3A_147 = arith.addi %mul3A_28, %add3A_146 : vector<16xi32>
    %swap3A_148 = arith.constant 32 : index
    %swap3A_149 = tpu.vector_load %arg16[%swap3A_148] {strides = array<i32>} : memref<128xi32, #tpu.memory_space<vmem>>, vector<16xi32>,
    %swap3A_150 = vector.shape_cast %swap3A_149 : vector<16xi32> to vector<16xi32>
    %swap3A_151 = vector.shape_cast %add3A_147 : vector<16xi32> to vector<16xi32>
    tpu.vector_store %arg16[%swap3A_148], %swap3A_151 {strides = array<i32>} : memref<128xi32, #tpu.memory_space<vmem>>, vector<16xi32>,
    %add3A_152 = arith.constant 9600 : i32
    %add3A_153 = arith.addi %add3A_31, %add3A_152 : i32
    %add3A_154 = arith.constant 48 : i32
    %add3A_155 = arith.addi %add3A_153, %add3A_154 : i32
    %add3A_156 = vector.broadcast %add3A_155 : i32 to vector<16xi32>
    %add3A_157 = arith.addi %mul3A_28, %add3A_156 : vector<16xi32>
    %swap3A_158 = arith.constant 48 : index
    %swap3A_159 = tpu.vector_load %arg16[%swap3A_158] {strides = array<i32>} : memref<128xi32, #tpu.memory_space<vmem>>, vector<16xi32>,
    %swap3A_160 = vector.shape_cast %swap3A_159 : vector<16xi32> to vector<16xi32>
    %swap3A_161 = vector.shape_cast %add3A_157 : vector<16xi32> to vector<16xi32>
    tpu.vector_store %arg16[%swap3A_158], %swap3A_161 {strides = array<i32>} : memref<128xi32, #tpu.memory_space<vmem>>, vector<16xi32>,
    %add3A_162 = arith.constant 12800 : i32
    %add3A_163 = arith.addi %add3A_31, %add3A_162 : i32
    %add3A_164 = arith.constant 48 : i32
    %add3A_165 = arith.addi %add3A_163, %add3A_164 : i32
    %add3A_166 = vector.broadcast %add3A_165 : i32 to vector<16xi32>
    %add3A_167 = arith.addi %mul3A_28, %add3A_166 : vector<16xi32>
    %swap3A_168 = arith.constant 64 : index
    %swap3A_169 = tpu.vector_load %arg16[%swap3A_168] {strides = array<i32>} : memref<128xi32, #tpu.memory_space<vmem>>, vector<16xi32>,
    %swap3A_170 = vector.shape_cast %swap3A_169 : vector<16xi32> to vector<16xi32>
    %swap3A_171 = vector.shape_cast %add3A_167 : vector<16xi32> to vector<16xi32>
    tpu.vector_store %arg16[%swap3A_168], %swap3A_171 {strides = array<i32>} : memref<128xi32, #tpu.memory_space<vmem>>, vector<16xi32>,
    %add3A_172 = arith.constant 16000 : i32
    %add3A_173 = arith.addi %add3A_31, %add3A_172 : i32
    %add3A_174 = arith.constant 48 : i32
    %add3A_175 = arith.addi %add3A_173, %add3A_174 : i32
    %add3A_176 = vector.broadcast %add3A_175 : i32 to vector<16xi32>
    %add3A_177 = arith.addi %mul3A_28, %add3A_176 : vector<16xi32>
    %swap3A_178 = arith.constant 80 : index
    %swap3A_179 = tpu.vector_load %arg16[%swap3A_178] {strides = array<i32>} : memref<128xi32, #tpu.memory_space<vmem>>, vector<16xi32>,
    %swap3A_180 = vector.shape_cast %swap3A_179 : vector<16xi32> to vector<16xi32>
    %swap3A_181 = vector.shape_cast %add3A_177 : vector<16xi32> to vector<16xi32>
    tpu.vector_store %arg16[%swap3A_178], %swap3A_181 {strides = array<i32>} : memref<128xi32, #tpu.memory_space<vmem>>, vector<16xi32>,
    %add3A_182 = arith.constant 19200 : i32
    %add3A_183 = arith.addi %add3A_31, %add3A_182 : i32
    %add3A_184 = arith.constant 48 : i32
    %add3A_185 = arith.addi %add3A_183, %add3A_184 : i32
    %add3A_186 = vector.broadcast %add3A_185 : i32 to vector<16xi32>
    %add3A_187 = arith.addi %mul3A_28, %add3A_186 : vector<16xi32>
    %swap3A_188 = arith.constant 96 : index
    %swap3A_189 = tpu.vector_load %arg16[%swap3A_188] {strides = array<i32>} : memref<128xi32, #tpu.memory_space<vmem>>, vector<16xi32>,
    %swap3A_190 = vector.shape_cast %swap3A_189 : vector<16xi32> to vector<16xi32>
    %swap3A_191 = vector.shape_cast %add3A_187 : vector<16xi32> to vector<16xi32>
    tpu.vector_store %arg16[%swap3A_188], %swap3A_191 {strides = array<i32>} : memref<128xi32, #tpu.memory_space<vmem>>, vector<16xi32>,
    %add3A_192 = arith.constant 22400 : i32
    %add3A_193 = arith.addi %add3A_31, %add3A_192 : i32
    %add3A_194 = arith.constant 48 : i32
    %add3A_195 = arith.addi %add3A_193, %add3A_194 : i32
    %add3A_196 = vector.broadcast %add3A_195 : i32 to vector<16xi32>
    %add3A_197 = arith.addi %mul3A_28, %add3A_196 : vector<16xi32>
    %swap3A_198 = arith.constant 112 : index
    %swap3A_199 = tpu.vector_load %arg16[%swap3A_198] {strides = array<i32>} : memref<128xi32, #tpu.memory_space<vmem>>, vector<16xi32>,
    %swap3A_200 = vector.shape_cast %swap3A_199 : vector<16xi32> to vector<16xi32>
    %swap3A_201 = vector.shape_cast %add3A_197 : vector<16xi32> to vector<16xi32>
    tpu.vector_store %arg16[%swap3A_198], %swap3A_201 {strides = array<i32>} : memref<128xi32, #tpu.memory_space<vmem>>, vector<16xi32>,
    %dma_start3A_202 = arith.constant 0 : i32
    %dma_start3A_203 = arith.constant 0 : i32
    %dma_start3A_204 = tpu.memref_slice %arg5[%dma_start3A_202, %dma_start3A_203] : memref<204800x128xf32, #tpu.memory_space<hbm>> -> memref<204800x128xf32, #tpu.memory_space<hbm>>
    tpu.enqueue_indirect_dma source(%arg13 : memref<128x128xf32, #tpu.memory_space<vmem>>) target(%dma_start3A_204 : memref<204800x128xf32, #tpu.memory_space<hbm>>) offsets(%arg16 : memref<128xi32, #tpu.memory_space<vmem>>) semaphore(%arg24 : memref<!tpu.dma_semaphore, #tpu.memory_space<semaphore_mem>>)
    %dma_wait3A_205 = arith.constant 0 : i32
    %dma_wait3A_206 = arith.constant 0 : i32
    %dma_wait3A_207 = tpu.memref_slice %arg3[%dma_wait3A_205, %dma_wait3A_206] : memref<100000x128xf32, #tpu.memory_space<hbm>> -> memref<128x128xf32, #tpu.memory_space<hbm>>
    %dma_wait3A_208 = arith.constant 0 : i32
    %dma_wait3A_209 = arith.constant 0 : i32
    %dma_wait3A_210 = tpu.memref_slice %arg3[%dma_wait3A_208, %dma_wait3A_209] : memref<100000x128xf32, #tpu.memory_space<hbm>> -> memref<128x128xf32, #tpu.memory_space<hbm>>
    tpu.wait_dma2 semaphore(%arg22 : memref<!tpu.dma_semaphore, #tpu.memory_space<semaphore_mem>>) src(%dma_wait3A_210 : memref<128x128xf32, #tpu.memory_space<hbm>>) dst(%arg11 : memref<128x128xf32, #tpu.memory_space<vmem>>)
    %dma_wait3A_211 = arith.constant 0 : i32
    %dma_wait3A_212 = arith.constant 0 : i32
    %dma_wait3A_213 = tpu.memref_slice %arg5[%dma_wait3A_211, %dma_wait3A_212] : memref<204800x128xf32, #tpu.memory_space<hbm>> -> memref<128x128xf32, #tpu.memory_space<hbm>>
    %dma_wait3A_214 = arith.constant 0 : i32
    %dma_wait3A_215 = arith.constant 0 : i32
    %dma_wait3A_216 = tpu.memref_slice %arg5[%dma_wait3A_214, %dma_wait3A_215] : memref<204800x128xf32, #tpu.memory_space<hbm>> -> memref<128x128xf32, #tpu.memory_space<hbm>>
    tpu.wait_dma2 semaphore(%arg25 : memref<!tpu.dma_semaphore, #tpu.memory_space<semaphore_mem>>) src(%arg14 : memref<128x128xf32, #tpu.memory_space<vmem>>) dst(%dma_wait3A_216 : memref<128x128xf32, #tpu.memory_space<hbm>>)
    %add3A_217 = arith.constant 49 : i32
    %add3A_218 = arith.addi %mul3A_23, %add3A_217 : i32
    %sub3A_219 = arith.subi %add3A_218, %mul3A_25 : i32
    %get3A_220 = arith.index_cast %sub3A_219 : i32 to index
    %get3A_221 = arith.constant 0 : index
    %get3A_222 = tpu.vector_load %arg9[%get3A_220, %get3A_221] {strides = array<i32>} : memref<56x128xf32, #tpu.memory_space<vmem>>, vector<1x16xf32>,
    %get3A_223 = vector.shape_cast %get3A_222 : vector<1x16xf32> to vector<16xf32>
    %get3A_224 = arith.index_cast %sub3A_219 : i32 to index
    %get3A_225 = arith.constant 16 : index
    %get3A_226 = tpu.vector_load %arg9[%get3A_224, %get3A_225] {strides = array<i32>} : memref<56x128xf32, #tpu.memory_space<vmem>>, vector<1x16xf32>,
    %get3A_227 = vector.shape_cast %get3A_226 : vector<1x16xf32> to vector<16xf32>
    %get3A_228 = arith.index_cast %sub3A_219 : i32 to index
    %get3A_229 = arith.constant 32 : index
    %get3A_230 = tpu.vector_load %arg9[%get3A_228, %get3A_229] {strides = array<i32>} : memref<56x128xf32, #tpu.memory_space<vmem>>, vector<1x16xf32>,
    %get3A_231 = vector.shape_cast %get3A_230 : vector<1x16xf32> to vector<16xf32>
    %get3A_232 = arith.index_cast %sub3A_219 : i32 to index
    %get3A_233 = arith.constant 48 : index
    %get3A_234 = tpu.vector_load %arg9[%get3A_232, %get3A_233] {strides = array<i32>} : memref<56x128xf32, #tpu.memory_space<vmem>>, vector<1x16xf32>,
    %get3A_235 = vector.shape_cast %get3A_234 : vector<1x16xf32> to vector<16xf32>
    %get3A_236 = arith.index_cast %sub3A_219 : i32 to index
    %get3A_237 = arith.constant 64 : index
    %get3A_238 = tpu.vector_load %arg9[%get3A_236, %get3A_237] {strides = array<i32>} : memref<56x128xf32, #tpu.memory_space<vmem>>, vector<1x16xf32>,
    %get3A_239 = vector.shape_cast %get3A_238 : vector<1x16xf32> to vector<16xf32>
    %get3A_240 = arith.index_cast %sub3A_219 : i32 to index
    %get3A_241 = arith.constant 80 : index
    %get3A_242 = tpu.vector_load %arg9[%get3A_240, %get3A_241] {strides = array<i32>} : memref<56x128xf32, #tpu.memory_space<vmem>>, vector<1x16xf32>,
    %get3A_243 = vector.shape_cast %get3A_242 : vector<1x16xf32> to vector<16xf32>
    %get3A_244 = arith.index_cast %sub3A_219 : i32 to index
    %get3A_245 = arith.constant 96 : index
    %get3A_246 = tpu.vector_load %arg9[%get3A_244, %get3A_245] {strides = array<i32>} : memref<56x128xf32, #tpu.memory_space<vmem>>, vector<1x16xf32>,
    %get3A_247 = vector.shape_cast %get3A_246 : vector<1x16xf32> to vector<16xf32>
    %get3A_248 = arith.index_cast %sub3A_219 : i32 to index
    %get3A_249 = arith.constant 112 : index
    %get3A_250 = tpu.vector_load %arg9[%get3A_248, %get3A_249] {strides = array<i32>} : memref<56x128xf32, #tpu.memory_space<vmem>>, vector<1x16xf32>,
    %get3A_251 = vector.shape_cast %get3A_250 : vector<1x16xf32> to vector<16xf32>
    %parallel_loop3A_252 = arith.constant 0 : i32
    %parallel_loop3A_253 = arith.constant 128 : i32
    %parallel_loop3A_254 = arith.constant 1 : i32
    scf.for %parallel_loop3A_356 = %parallel_loop3A_252 to %parallel_loop3A_253 step %parallel_loop3A_254  : i32 {
      %parallel_loop3A_357 = arith.index_cast %parallel_loop3A_356 : i32 to index
      %parallel_loop3A_358 = arith.constant 0 : index
      %parallel_loop3A_359 = tpu.vector_load %arg11[%parallel_loop3A_357, %parallel_loop3A_358] {strides = array<i32>} : memref<128x128xf32, #tpu.memory_space<vmem>>, vector<1x16xf32>,
      %parallel_loop3A_360 = vector.shape_cast %parallel_loop3A_359 : vector<1x16xf32> to vector<16xf32>
      %parallel_loop3A_361 = arith.addf %parallel_loop3A_360, %get3A_223 : vector<16xf32>
      %parallel_loop3A_362 = arith.index_cast %parallel_loop3A_356 : i32 to index
      %parallel_loop3A_363 = arith.constant 0 : index
      %parallel_loop3A_364 = tpu.vector_load %arg14[%parallel_loop3A_362, %parallel_loop3A_363] {strides = array<i32>} : memref<128x128xf32, #tpu.memory_space<vmem>>, vector<1x16xf32>,
      %parallel_loop3A_365 = vector.shape_cast %parallel_loop3A_364 : vector<1x16xf32> to vector<16xf32>
      %parallel_loop3A_366 = vector.shape_cast %parallel_loop3A_361 : vector<16xf32> to vector<1x16xf32>
      tpu.vector_store %arg14[%parallel_loop3A_362, %parallel_loop3A_363], %parallel_loop3A_366 {strides = array<i32>} : memref<128x128xf32, #tpu.memory_space<vmem>>, vector<1x16xf32>,
      %parallel_loop3A_367 = arith.index_cast %parallel_loop3A_356 : i32 to index
      %parallel_loop3A_368 = arith.constant 16 : index
      %parallel_loop3A_369 = tpu.vector_load %arg11[%parallel_loop3A_367, %parallel_loop3A_368] {strides = array<i32>} : memref<128x128xf32, #tpu.memory_space<vmem>>, vector<1x16xf32>,
      %parallel_loop3A_370 = vector.shape_cast %parallel_loop3A_369 : vector<1x16xf32> to vector<16xf32>
      %parallel_loop3A_371 = arith.addf %parallel_loop3A_370, %get3A_227 : vector<16xf32>
      %parallel_loop3A_372 = arith.index_cast %parallel_loop3A_356 : i32 to index
      %parallel_loop3A_373 = arith.constant 16 : index
      %parallel_loop3A_374 = tpu.vector_load %arg14[%parallel_loop3A_372, %parallel_loop3A_373] {strides = array<i32>} : memref<128x128xf32, #tpu.memory_space<vmem>>, vector<1x16xf32>,
      %parallel_loop3A_375 = vector.shape_cast %parallel_loop3A_374 : vector<1x16xf32> to vector<16xf32>
      %parallel_loop3A_376 = vector.shape_cast %parallel_loop3A_371 : vector<16xf32> to vector<1x16xf32>
      tpu.vector_store %arg14[%parallel_loop3A_372, %parallel_loop3A_373], %parallel_loop3A_376 {strides = array<i32>} : memref<128x128xf32, #tpu.memory_space<vmem>>, vector<1x16xf32>,
      %parallel_loop3A_377 = arith.index_cast %parallel_loop3A_356 : i32 to index
      %parallel_loop3A_378 = arith.constant 32 : index
      %parallel_loop3A_379 = tpu.vector_load %arg11[%parallel_loop3A_377, %parallel_loop3A_378] {strides = array<i32>} : memref<128x128xf32, #tpu.memory_space<vmem>>, vector<1x16xf32>,
      %parallel_loop3A_380 = vector.shape_cast %parallel_loop3A_379 : vector<1x16xf32> to vector<16xf32>
      %parallel_loop3A_381 = arith.addf %parallel_loop3A_380, %get3A_231 : vector<16xf32>
      %parallel_loop3A_382 = arith.index_cast %parallel_loop3A_356 : i32 to index
      %parallel_loop3A_383 = arith.constant 32 : index
      %parallel_loop3A_384 = tpu.vector_load %arg14[%parallel_loop3A_382, %parallel_loop3A_383] {strides = array<i32>} : memref<128x128xf32, #tpu.memory_space<vmem>>, vector<1x16xf32>,
      %parallel_loop3A_385 = vector.shape_cast %parallel_loop3A_384 : vector<1x16xf32> to vector<16xf32>
      %parallel_loop3A_386 = vector.shape_cast %parallel_loop3A_381 : vector<16xf32> to vector<1x16xf32>
      tpu.vector_store %arg14[%parallel_loop3A_382, %parallel_loop3A_383], %parallel_loop3A_386 {strides = array<i32>} : memref<128x128xf32, #tpu.memory_space<vmem>>, vector<1x16xf32>,
      %parallel_loop3A_387 = arith.index_cast %parallel_loop3A_356 : i32 to index
      %parallel_loop3A_388 = arith.constant 48 : index
      %parallel_loop3A_389 = tpu.vector_load %arg11[%parallel_loop3A_387, %parallel_loop3A_388] {strides = array<i32>} : memref<128x128xf32, #tpu.memory_space<vmem>>, vector<1x16xf32>,
      %parallel_loop3A_390 = vector.shape_cast %parallel_loop3A_389 : vector<1x16xf32> to vector<16xf32>
      %parallel_loop3A_391 = arith.addf %parallel_loop3A_390, %get3A_235 : vector<16xf32>
      %parallel_loop3A_392 = arith.index_cast %parallel_loop3A_356 : i32 to index
      %parallel_loop3A_393 = arith.constant 48 : index
      %parallel_loop3A_394 = tpu.vector_load %arg14[%parallel_loop3A_392, %parallel_loop3A_393] {strides = array<i32>} : memref<128x128xf32, #tpu.memory_space<vmem>>, vector<1x16xf32>,
      %parallel_loop3A_395 = vector.shape_cast %parallel_loop3A_394 : vector<1x16xf32> to vector<16xf32>
      %parallel_loop3A_396 = vector.shape_cast %parallel_loop3A_391 : vector<16xf32> to vector<1x16xf32>
      tpu.vector_store %arg14[%parallel_loop3A_392, %parallel_loop3A_393], %parallel_loop3A_396 {strides = array<i32>} : memref<128x128xf32, #tpu.memory_space<vmem>>, vector<1x16xf32>,
      %parallel_loop3A_397 = arith.index_cast %parallel_loop3A_356 : i32 to index
      %parallel_loop3A_398 = arith.constant 64 : index
      %parallel_loop3A_399 = tpu.vector_load %arg11[%parallel_loop3A_397, %parallel_loop3A_398] {strides = array<i32>} : memref<128x128xf32, #tpu.memory_space<vmem>>, vector<1x16xf32>,
      %parallel_loop3A_400 = vector.shape_cast %parallel_loop3A_399 : vector<1x16xf32> to vector<16xf32>
      %parallel_loop3A_401 = arith.addf %parallel_loop3A_400, %get3A_239 : vector<16xf32>
      %parallel_loop3A_402 = arith.index_cast %parallel_loop3A_356 : i32 to index
      %parallel_loop3A_403 = arith.constant 64 : index
      %parallel_loop3A_404 = tpu.vector_load %arg14[%parallel_loop3A_402, %parallel_loop3A_403] {strides = array<i32>} : memref<128x128xf32, #tpu.memory_space<vmem>>, vector<1x16xf32>,
      %parallel_loop3A_405 = vector.shape_cast %parallel_loop3A_404 : vector<1x16xf32> to vector<16xf32>
      %parallel_loop3A_406 = vector.shape_cast %parallel_loop3A_401 : vector<16xf32> to vector<1x16xf32>
      tpu.vector_store %arg14[%parallel_loop3A_402, %parallel_loop3A_403], %parallel_loop3A_406 {strides = array<i32>} : memref<128x128xf32, #tpu.memory_space<vmem>>, vector<1x16xf32>,
      %parallel_loop3A_407 = arith.index_cast %parallel_loop3A_356 : i32 to index
      %parallel_loop3A_408 = arith.constant 80 : index
      %parallel_loop3A_409 = tpu.vector_load %arg11[%parallel_loop3A_407, %parallel_loop3A_408] {strides = array<i32>} : memref<128x128xf32, #tpu.memory_space<vmem>>, vector<1x16xf32>,
      %parallel_loop3A_410 = vector.shape_cast %parallel_loop3A_409 : vector<1x16xf32> to vector<16xf32>
      %parallel_loop3A_411 = arith.addf %parallel_loop3A_410, %get3A_243 : vector<16xf32>
      %parallel_loop3A_412 = arith.index_cast %parallel_loop3A_356 : i32 to index
      %parallel_loop3A_413 = arith.constant 80 : index
      %parallel_loop3A_414 = tpu.vector_load %arg14[%parallel_loop3A_412, %parallel_loop3A_413] {strides = array<i32>} : memref<128x128xf32, #tpu.memory_space<vmem>>, vector<1x16xf32>,
      %parallel_loop3A_415 = vector.shape_cast %parallel_loop3A_414 : vector<1x16xf32> to vector<16xf32>
      %parallel_loop3A_416 = vector.shape_cast %parallel_loop3A_411 : vector<16xf32> to vector<1x16xf32>
      tpu.vector_store %arg14[%parallel_loop3A_412, %parallel_loop3A_413], %parallel_loop3A_416 {strides = array<i32>} : memref<128x128xf32, #tpu.memory_space<vmem>>, vector<1x16xf32>,
      %parallel_loop3A_417 = arith.index_cast %parallel_loop3A_356 : i32 to index
      %parallel_loop3A_418 = arith.constant 96 : index
      %parallel_loop3A_419 = tpu.vector_load %arg11[%parallel_loop3A_417, %parallel_loop3A_418] {strides = array<i32>} : memref<128x128xf32, #tpu.memory_space<vmem>>, vector<1x16xf32>,
      %parallel_loop3A_420 = vector.shape_cast %parallel_loop3A_419 : vector<1x16xf32> to vector<16xf32>
      %parallel_loop3A_421 = arith.addf %parallel_loop3A_420, %get3A_247 : vector<16xf32>
      %parallel_loop3A_422 = arith.index_cast %parallel_loop3A_356 : i32 to index
      %parallel_loop3A_423 = arith.constant 96 : index
      %parallel_loop3A_424 = tpu.vector_load %arg14[%parallel_loop3A_422, %parallel_loop3A_423] {strides = array<i32>} : memref<128x128xf32, #tpu.memory_space<vmem>>, vector<1x16xf32>,
      %parallel_loop3A_425 = vector.shape_cast %parallel_loop3A_424 : vector<1x16xf32> to vector<16xf32>
      %parallel_loop3A_426 = vector.shape_cast %parallel_loop3A_421 : vector<16xf32> to vector<1x16xf32>
      tpu.vector_store %arg14[%parallel_loop3A_422, %parallel_loop3A_423], %parallel_loop3A_426 {strides = array<i32>} : memref<128x128xf32, #tpu.memory_space<vmem>>, vector<1x16xf32>,
      %parallel_loop3A_427 = arith.index_cast %parallel_loop3A_356 : i32 to index
      %parallel_loop3A_428 = arith.constant 112 : index
      %parallel_loop3A_429 = tpu.vector_load %arg11[%parallel_loop3A_427, %parallel_loop3A_428] {strides = array<i32>} : memref<128x128xf32, #tpu.memory_space<vmem>>, vector<1x16xf32>,
      %parallel_loop3A_430 = vector.shape_cast %parallel_loop3A_429 : vector<1x16xf32> to vector<16xf32>
      %parallel_loop3A_431 = arith.addf %parallel_loop3A_430, %get3A_251 : vector<16xf32>
      %parallel_loop3A_432 = arith.index_cast %parallel_loop3A_356 : i32 to index
      %parallel_loop3A_433 = arith.constant 112 : index
      %parallel_loop3A_434 = tpu.vector_load %arg14[%parallel_loop3A_432, %parallel_loop3A_433] {strides = array<i32>} : memref<128x128xf32, #tpu.memory_space<vmem>>, vector<1x16xf32>,
      %parallel_loop3A_435 = vector.shape_cast %parallel_loop3A_434 : vector<1x16xf32> to vector<16xf32>
      %parallel_loop3A_436 = vector.shape_cast %parallel_loop3A_431 : vector<16xf32> to vector<1x16xf32>
      tpu.vector_store %arg14[%parallel_loop3A_432, %parallel_loop3A_433], %parallel_loop3A_436 {strides = array<i32>} : memref<128x128xf32, #tpu.memory_space<vmem>>, vector<1x16xf32>,
    } {sc.loop_unroll_factor = 8 : i64, sc.parallel_access}
    %add3A_255 = arith.constant 0 : i32
    %add3A_256 = arith.addi %add3A_31, %add3A_255 : i32
    %add3A_257 = arith.constant 49 : i32
    %add3A_258 = arith.addi %add3A_256, %add3A_257 : i32
    %add3A_259 = vector.broadcast %add3A_258 : i32 to vector<16xi32>
    %add3A_260 = arith.addi %mul3A_28, %add3A_259 : vector<16xi32>
    %swap3A_261 = arith.constant 0 : index
    %swap3A_262 = tpu.vector_load %arg17[%swap3A_261] {strides = array<i32>} : memref<128xi32, #tpu.memory_space<vmem>>, vector<16xi32>,
    %swap3A_263 = vector.shape_cast %swap3A_262 : vector<16xi32> to vector<16xi32>
    %swap3A_264 = vector.shape_cast %add3A_260 : vector<16xi32> to vector<16xi32>
    tpu.vector_store %arg17[%swap3A_261], %swap3A_264 {strides = array<i32>} : memref<128xi32, #tpu.memory_space<vmem>>, vector<16xi32>,
    %add3A_265 = arith.constant 3200 : i32
    %add3A_266 = arith.addi %add3A_31, %add3A_265 : i32
    %add3A_267 = arith.constant 49 : i32
    %add3A_268 = arith.addi %add3A_266, %add3A_267 : i32
    %add3A_269 = vector.broadcast %add3A_268 : i32 to vector<16xi32>
    %add3A_270 = arith.addi %mul3A_28, %add3A_269 : vector<16xi32>
    %swap3A_271 = arith.constant 16 : index
    %swap3A_272 = tpu.vector_load %arg17[%swap3A_271] {strides = array<i32>} : memref<128xi32, #tpu.memory_space<vmem>>, vector<16xi32>,
    %swap3A_273 = vector.shape_cast %swap3A_272 : vector<16xi32> to vector<16xi32>
    %swap3A_274 = vector.shape_cast %add3A_270 : vector<16xi32> to vector<16xi32>
    tpu.vector_store %arg17[%swap3A_271], %swap3A_274 {strides = array<i32>} : memref<128xi32, #tpu.memory_space<vmem>>, vector<16xi32>,
    %add3A_275 = arith.constant 6400 : i32
    %add3A_276 = arith.addi %add3A_31, %add3A_275 : i32
    %add3A_277 = arith.constant 49 : i32
    %add3A_278 = arith.addi %add3A_276, %add3A_277 : i32
    %add3A_279 = vector.broadcast %add3A_278 : i32 to vector<16xi32>
    %add3A_280 = arith.addi %mul3A_28, %add3A_279 : vector<16xi32>
    %swap3A_281 = arith.constant 32 : index
    %swap3A_282 = tpu.vector_load %arg17[%swap3A_281] {strides = array<i32>} : memref<128xi32, #tpu.memory_space<vmem>>, vector<16xi32>,
    %swap3A_283 = vector.shape_cast %swap3A_282 : vector<16xi32> to vector<16xi32>
    %swap3A_284 = vector.shape_cast %add3A_280 : vector<16xi32> to vector<16xi32>
    tpu.vector_store %arg17[%swap3A_281], %swap3A_284 {strides = array<i32>} : memref<128xi32, #tpu.memory_space<vmem>>, vector<16xi32>,
    %add3A_285 = arith.constant 9600 : i32
    %add3A_286 = arith.addi %add3A_31, %add3A_285 : i32
    %add3A_287 = arith.constant 49 : i32
    %add3A_288 = arith.addi %add3A_286, %add3A_287 : i32
    %add3A_289 = vector.broadcast %add3A_288 : i32 to vector<16xi32>
    %add3A_290 = arith.addi %mul3A_28, %add3A_289 : vector<16xi32>
    %swap3A_291 = arith.constant 48 : index
    %swap3A_292 = tpu.vector_load %arg17[%swap3A_291] {strides = array<i32>} : memref<128xi32, #tpu.memory_space<vmem>>, vector<16xi32>,
    %swap3A_293 = vector.shape_cast %swap3A_292 : vector<16xi32> to vector<16xi32>
    %swap3A_294 = vector.shape_cast %add3A_290 : vector<16xi32> to vector<16xi32>
    tpu.vector_store %arg17[%swap3A_291], %swap3A_294 {strides = array<i32>} : memref<128xi32, #tpu.memory_space<vmem>>, vector<16xi32>,
    %add3A_295 = arith.constant 12800 : i32
    %add3A_296 = arith.addi %add3A_31, %add3A_295 : i32
    %add3A_297 = arith.constant 49 : i32
    %add3A_298 = arith.addi %add3A_296, %add3A_297 : i32
    %add3A_299 = vector.broadcast %add3A_298 : i32 to vector<16xi32>
    %add3A_300 = arith.addi %mul3A_28, %add3A_299 : vector<16xi32>
    %swap3A_301 = arith.constant 64 : index
    %swap3A_302 = tpu.vector_load %arg17[%swap3A_301] {strides = array<i32>} : memref<128xi32, #tpu.memory_space<vmem>>, vector<16xi32>,
    %swap3A_303 = vector.shape_cast %swap3A_302 : vector<16xi32> to vector<16xi32>
    %swap3A_304 = vector.shape_cast %add3A_300 : vector<16xi32> to vector<16xi32>
    tpu.vector_store %arg17[%swap3A_301], %swap3A_304 {strides = array<i32>} : memref<128xi32, #tpu.memory_space<vmem>>, vector<16xi32>,
    %add3A_305 = arith.constant 16000 : i32
    %add3A_306 = arith.addi %add3A_31, %add3A_305 : i32
    %add3A_307 = arith.constant 49 : i32
    %add3A_308 = arith.addi %add3A_306, %add3A_307 : i32
    %add3A_309 = vector.broadcast %add3A_308 : i32 to vector<16xi32>
    %add3A_310 = arith.addi %mul3A_28, %add3A_309 : vector<16xi32>
    %swap3A_311 = arith.constant 80 : index
    %swap3A_312 = tpu.vector_load %arg17[%swap3A_311] {strides = array<i32>} : memref<128xi32, #tpu.memory_space<vmem>>, vector<16xi32>,
    %swap3A_313 = vector.shape_cast %swap3A_312 : vector<16xi32> to vector<16xi32>
    %swap3A_314 = vector.shape_cast %add3A_310 : vector<16xi32> to vector<16xi32>
    tpu.vector_store %arg17[%swap3A_311], %swap3A_314 {strides = array<i32>} : memref<128xi32, #tpu.memory_space<vmem>>, vector<16xi32>,
    %add3A_315 = arith.constant 19200 : i32
    %add3A_316 = arith.addi %add3A_31, %add3A_315 : i32
    %add3A_317 = arith.constant 49 : i32
    %add3A_318 = arith.addi %add3A_316, %add3A_317 : i32
    %add3A_319 = vector.broadcast %add3A_318 : i32 to vector<16xi32>
    %add3A_320 = arith.addi %mul3A_28, %add3A_319 : vector<16xi32>
    %swap3A_321 = arith.constant 96 : index
    %swap3A_322 = tpu.vector_load %arg17[%swap3A_321] {strides = array<i32>} : memref<128xi32, #tpu.memory_space<vmem>>, vector<16xi32>,
    %swap3A_323 = vector.shape_cast %swap3A_322 : vector<16xi32> to vector<16xi32>
    %swap3A_324 = vector.shape_cast %add3A_320 : vector<16xi32> to vector<16xi32>
    tpu.vector_store %arg17[%swap3A_321], %swap3A_324 {strides = array<i32>} : memref<128xi32, #tpu.memory_space<vmem>>, vector<16xi32>,
    %add3A_325 = arith.constant 22400 : i32
    %add3A_326 = arith.addi %add3A_31, %add3A_325 : i32
    %add3A_327 = arith.constant 49 : i32
    %add3A_328 = arith.addi %add3A_326, %add3A_327 : i32
    %add3A_329 = vector.broadcast %add3A_328 : i32 to vector<16xi32>
    %add3A_330 = arith.addi %mul3A_28, %add3A_329 : vector<16xi32>
    %swap3A_331 = arith.constant 112 : index
    %swap3A_332 = tpu.vector_load %arg17[%swap3A_331] {strides = array<i32>} : memref<128xi32, #tpu.memory_space<vmem>>, vector<16xi32>,
    %swap3A_333 = vector.shape_cast %swap3A_332 : vector<16xi32> to vector<16xi32>
    %swap3A_334 = vector.shape_cast %add3A_330 : vector<16xi32> to vector<16xi32>
    tpu.vector_store %arg17[%swap3A_331], %swap3A_334 {strides = array<i32>} : memref<128xi32, #tpu.memory_space<vmem>>, vector<16xi32>,
    %dma_start3A_335 = arith.constant 0 : i32
    %dma_start3A_336 = arith.constant 0 : i32
    %dma_start3A_337 = tpu.memref_slice %arg5[%dma_start3A_335, %dma_start3A_336] : memref<204800x128xf32, #tpu.memory_space<hbm>> -> memref<204800x128xf32, #tpu.memory_space<hbm>>
    tpu.enqueue_indirect_dma source(%arg14 : memref<128x128xf32, #tpu.memory_space<vmem>>) target(%dma_start3A_337 : memref<204800x128xf32, #tpu.memory_space<hbm>>) offsets(%arg17 : memref<128xi32, #tpu.memory_space<vmem>>) semaphore(%arg25 : memref<!tpu.dma_semaphore, #tpu.memory_space<semaphore_mem>>)
    %dma_wait3A_338 = arith.constant 0 : i32
    %dma_wait3A_339 = arith.constant 0 : i32
    %dma_wait3A_340 = tpu.memref_slice %arg5[%dma_wait3A_338, %dma_wait3A_339] : memref<204800x128xf32, #tpu.memory_space<hbm>> -> memref<128x128xf32, #tpu.memory_space<hbm>>
    %dma_wait3A_341 = arith.constant 0 : i32
    %dma_wait3A_342 = arith.constant 0 : i32
    %dma_wait3A_343 = tpu.memref_slice %arg5[%dma_wait3A_341, %dma_wait3A_342] : memref<204800x128xf32, #tpu.memory_space<hbm>> -> memref<128x128xf32, #tpu.memory_space<hbm>>
    tpu.wait_dma2 semaphore(%arg24 : memref<!tpu.dma_semaphore, #tpu.memory_space<semaphore_mem>>) src(%arg13 : memref<128x128xf32, #tpu.memory_space<vmem>>) dst(%dma_wait3A_343 : memref<128x128xf32, #tpu.memory_space<hbm>>)
    %dma_wait3A_344 = arith.constant 0 : i32
    %dma_wait3A_345 = arith.constant 0 : i32
    %dma_wait3A_346 = tpu.memref_slice %arg5[%dma_wait3A_344, %dma_wait3A_345] : memref<204800x128xf32, #tpu.memory_space<hbm>> -> memref<128x128xf32, #tpu.memory_space<hbm>>
    %dma_wait3A_347 = arith.constant 0 : i32
    %dma_wait3A_348 = arith.constant 0 : i32
    %dma_wait3A_349 = tpu.memref_slice %arg5[%dma_wait3A_347, %dma_wait3A_348] : memref<204800x128xf32, #tpu.memory_space<hbm>> -> memref<128x128xf32, #tpu.memory_space<hbm>>
    tpu.wait_dma2 semaphore(%arg25 : memref<!tpu.dma_semaphore, #tpu.memory_space<semaphore_mem>>) src(%arg14 : memref<128x128xf32, #tpu.memory_space<vmem>>) dst(%dma_wait3A_349 : memref<128x128xf32, #tpu.memory_space<hbm>>)
    %dma_wait3A_350 = arith.constant 0 : i32
    %dma_wait3A_351 = arith.constant 0 : i32
    %dma_wait3A_352 = tpu.memref_slice %arg5[%dma_wait3A_350, %dma_wait3A_351] : memref<204800x128xf32, #tpu.memory_space<hbm>> -> memref<128x128xf32, #tpu.memory_space<hbm>>
    %dma_wait3A_353 = arith.constant 0 : i32
    %dma_wait3A_354 = arith.constant 0 : i32
    %dma_wait3A_355 = tpu.memref_slice %arg5[%dma_wait3A_353, %dma_wait3A_354] : memref<204800x128xf32, #tpu.memory_space<hbm>> -> memref<128x128xf32, #tpu.memory_space<hbm>>
    tpu.wait_dma2 semaphore(%arg26 : memref<!tpu.dma_semaphore, #tpu.memory_space<semaphore_mem>>) src(%arg15 : memref<128x128xf32, #tpu.memory_space<vmem>>) dst(%dma_wait3A_355 : memref<128x128xf32, #tpu.memory_space<hbm>>)
    return
  }
}

</mosaic_0001>

<sc_bundles>
// kernel: kernel.3.cloned.1.call-start
scs
__scs_entry_jumppad:
0x0: {  	(pc) =	sbr.rel $0x88, $3  }
0x1: {  	(tag) =	ssettag $0x0;
	lr =	simm.s32 $0x1  }
0x2: {  	[smem:$0x3F9E] =	sst lr;
	_ =	strace $0xD0000000  }
0x3: {  	_ = 	snop  }
0x4: {  	_ = 	snop  }
0x5: {  	_ = 	snop  }
0x6: {  	_ = 	snop  }
0x7: {  	_ = 	snop  }
__scs_overlays_trampoline_lowered:
0x8: {  	[smem:$0x3FAD] =	sst s0  }
0x9: {  	[smem:$0x3FAE] =	sst s1  }
0xa: {  	[smem:$0x3FAF] =	sst s2  }
0xb: {  	[smem:$0x3FB0] =	sst s3  }
0xc: {  	[smem:$0x3FB1] =	sst s4  }
0xd: {  	[smem:$0x3FB2] =	sst s5  }
0xe: {  	[smem:$0x3FB3] =	sst s6  }
0xf: {  	[smem:$0x3FB4] =	sst s7  }
0x10: {  	[smem:$0x3FB5] =	sst s8  }
0x11: {  	[smem:$0x3FB6] =	sst s9;
	s0 =	simm.s32 @!p0 $0x0  }
0x12: {  	s1 =	sld [smem:$0x3F9C];
	s0 =	simm.s32 @p0 $0x1  }
0x13: {  	[smem:$0x3FB7] =	sst s0;
	s0 =	simm.s32 @!p1 $0x0  }
0x14: {  	s2 =	sld [smem:$0x3F9B];
	s0 =	simm.s32 @p1 $0x1  }
0x15: {  	[smem:$0x3FB8] =	sst s0;
	s0 =	simm.s32 @!p2 $0x0  }
0x16: {  	s3 =	sld [smem:$0x3FDB];
	s0 =	simm.s32 @p2 $0x1  }
0x17: {  	s4 =	simm.s32 $0x1BF5;
	[smem:$0x3FBA] =	sst s0  }
0x18: {  	s0 =	sld [smem:$0x3F9D];
	_ =	swait.ge [sflag:s4], $0x0  }
0x19: {  	s7 =	sld [smem:$0x3F9E]  }
0x1a: {  	s8 =	sadd.s32 $0xFFFFE003, lr  }
0x1b: {  	s9 =	sadd.s32 $0xFFFFFEF7, lr;
	s5 =	simm.s32 $0xFFFFFFFF;
	p2 =	slt.u32 s8, $0xFFFFF086  }
0x1c: {  	p1 =	slt.u32 s9, $0xF7A;
	s5 =	simm.s32 @!p2 $0x0  }
0x1d: {  	s5 =	simm.s32 @p1 $0x1;
	p0 =	seq.s32 s7, s2  }
0x1e: {  	s7 =	smul.u32 @!p0 $0xF7A, s2;
	p2 =	seq.s32 @!p0 s5, $0x0  }
0x1f: {  	s9 =	smul.u32 $0xF7A, s1;
	s8 =	simm.s32 @!p0 $0x1BF5;
	p2 =	por !p2, p0  }
0x20: {  	[sflag:s8] =	ssyncset.s32 @!p0 $0xFFFFF086;
	s6 =	sadd.s32 @!p0 s3, s7;
	s7 =	simm.s32 @!p0 $0x108  }
0x21: {  	s3 =	sadd.s32 s3, s9;
	s6 =	sadd.s32 @!p0 $0x88, s6;
	s7 =	simm.s32 @p2 $0x1082  }
0x22: {  	[simem:s7], [sflag:s8] =	dma.local @!p0 [hbm:s6], $0xF7A  }
0x23: {  	s9 =	sor.u32 $0xD0000000, s2;
	s6 =	simm.s32 $0x108;
	_ =	swait.ge @!p0 [sflag:s8], $0x0  }
0x24: {  	s3 =	sadd.s32 $0x88, s3;
	s6 =	simm.s32 @!p1 $0x1082;
	[sflag:s4] =	ssyncset.s32 $0xFFFFF086  }
0x25: {  	[simem:s6], [sflag:s4] =	dma.local [hbm:s3], $0xF7A  }
0x26: {  	[smem:$0x3F9E] =	sst s1;
	(tag) =	ssettag s2;
	_ =	strace s9  }
0x27: {  	s1 =	sld [smem:$0x3FAE]  }
0x28: {  	s2 =	sld [smem:$0x3FAF]  }
0x29: {  	s4 =	sld [smem:$0x3FB1]  }
0x2a: {  	p0 =	seq.s32 s5, $0x0;
	s5 =	sld [smem:$0x3FB2]  }
0x2b: {  	s6 =	sld [smem:$0x3FB3]  }
0x2c: {  	s7 =	sld [smem:$0x3FB4]  }
0x2d: {  	s3 =	simm.s32 $0x108;
	s8 =	sld [smem:$0x3FB5]  }
0x2e: {  	s3 =	simm.s32 @!p0 $0x1082;
	s9 =	sld [smem:$0x3FB6]  }
0x2f: {  	lr =	sadd.s32 s0, s3;
	s0 =	sld [smem:$0x3FAD]  }
0x30: {  	s3 =	sld [smem:$0x3FB0]  }
0x31: {  	[smem:$0x3FB9] =	sst s10  }
0x32: {  	s10 =	sld [smem:$0x3FB7];
	_ =	sdelay $0x3  }
0x33: {  	p0 =	seq.s32 s10, $0x1;
	s10 =	sld [smem:$0x3FB9];
	_ =	sdelay $0x3  }
0x34: {  	[smem:$0x3FB9] =	sst s10  }
0x35: {  	s10 =	sld [smem:$0x3FB8];
	_ =	sdelay $0x3  }
0x36: {  	p1 =	seq.s32 s10, $0x1;
	s10 =	sld [smem:$0x3FB9];
	_ =	sdelay $0x3  }
0x37: {  	[smem:$0x3FB9] =	sst s10  }
0x38: {  	s10 =	sld [smem:$0x3FBA]  }
0x39: {  	_ = 	snop;
	(pc) =	sbr.ind lr, $3  }
0x3a: {  	_ = 	snop  }
0x3b: {  	_ = 	snop  }
0x3c: {  	p2 =	seq.s32 s10, $0x1;
	s10 =	sld [smem:$0x3FB9]  }
0x3d: {  	_ =	shalt  }
0x3e: {  	_ =	shalt  }
0x3f: {  	_ =	shalt  }
0x40: {  	_ =	shalt  }
0x41: {  	_ =	shalt  }
0x42: {  	_ =	shalt  }
0x43: {  	_ =	shalt  }
0x44: {  	_ =	shalt  }
0x45: {  	_ =	shalt  }
0x46: {  	_ =	shalt  }
0x47: {  	_ =	shalt  }
0x48: {  	_ =	shalt  }
0x49: {  	_ =	shalt  }
0x4a: {  	_ =	shalt  }
0x4b: {  	_ =	shalt  }
0x4c: {  	_ =	shalt  }
0x4d: {  	_ =	shalt  }
0x4e: {  	_ =	shalt  }
0x4f: {  	_ =	shalt  }
0x50: {  	_ =	shalt  }
0x51: {  	_ =	shalt  }
0x52: {  	_ =	shalt  }
0x53: {  	_ =	shalt  }
0x54: {  	_ =	shalt  }
0x55: {  	_ =	shalt  }
0x56: {  	_ =	shalt  }
0x57: {  	_ =	shalt  }
0x58: {  	_ =	shalt  }
0x59: {  	_ =	shalt  }
0x5a: {  	_ =	shalt  }
0x5b: {  	_ =	shalt  }
0x5c: {  	_ =	shalt  }
0x5d: {  	_ =	shalt  }
0x5e: {  	_ =	shalt  }
0x5f: {  	_ =	shalt  }
0x60: {  	_ =	shalt  }
0x61: {  	_ =	shalt  }
0x62: {  	_ =	shalt  }
0x63: {  	_ =	shalt  }
0x64: {  	_ =	shalt  }
0x65: {  	_ =	shalt  }
0x66: {  	_ =	shalt  }
0x67: {  	_ =	shalt  }
0x68: {  	_ =	shalt  }
0x69: {  	_ =	shalt  }
0x6a: {  	_ =	shalt  }
0x6b: {  	_ =	shalt  }
0x6c: {  	_ =	shalt  }
0x6d: {  	_ =	shalt  }
0x6e: {  	_ =	shalt  }
0x6f: {  	_ =	shalt  }
0x70: {  	_ =	shalt  }
0x71: {  	_ =	shalt  }
0x72: {  	_ =	shalt  }
0x73: {  	_ =	shalt  }
0x74: {  	_ =	shalt  }
0x75: {  	_ =	shalt  }
0x76: {  	_ =	shalt  }
0x77: {  	_ =	shalt  }
0x78: {  	_ =	shalt  }
0x79: {  	_ =	shalt  }
0x7a: {  	_ =	shalt  }
0x7b: {  	_ =	shalt  }
0x7c: {  	_ =	shalt  }
0x7d: {  	_ =	shalt  }
0x7e: {  	_ =	shalt  }
0x7f: {  	_ =	shalt  }
0x80: {  	_ =	shalt  }
0x81: {  	_ =	shalt  }
0x82: {  	_ =	shalt  }
0x83: {  	_ =	shalt  }
0x84: {  	_ =	shalt  }
0x85: {  	_ =	shalt  }
0x86: {  	_ =	shalt  }
0x87: {  	_ =	shalt  }
.Lfunc_end0:
.L_simem_size_0:
called_computation_lowered:
.L_overlay_start_0:
0x88: {  	s2 =	sld [smem:$0x3FD9]  }
0x89: {  	s3 =	sld [smem:$0x3FFE];
	_ =	sdelay $0x1  }
0x8a: {  	s1 =	srdreg.scid  }
0x8b: {  	s0 =	sand.u32 $0x1, s1  }
0x8c: {  	s17 =	sshll.u32 s0, $0xA;
	s2 =	sadd.s32 s3, s2  }
0x8d: {  	s2 =	sadd.s32 s2, s17  }
0x8e: {  	[smem:$0x3FC5] =	sst s2  }
0x8f: {  	_ = 	snop  }
0x90: {  	s2 =	sld [smem:$0x3FC8]  }
0x91: {  	s18 =	sld [smem:$0x3FC7]  }
0x92: {  	s4 =	sld [smem:$0x3FD0];
	(tm) =	ssettm $0x1  }
0x93: {  	s5 =	sld [smem:$0x3FFB];
	_ =	sdelay $0x3  }
0x94: {  	_ =	strace s5  }
0x95: {  	s5 =	sld [smem:$0x3FFC];
	_ =	sdelay $0x3  }
0x96: {  	_ =	strace s5  }
0x97: {  	s5 =	sld [smem:$0x3FFD];
	_ =	sdelay $0x3  }
0x98: {  	_ =	strace s5  }
0x99: {  	_ =	strace $0x8FFFFFFF  }
0x9a: {  	s19 =	sld [smem:$0x3FDB];
	_ =	sdelay $0x1  }
0x9b: {  	s6 =	simm.s32 $_scs_section_size  }
0x9c: {  	s7 =	simm.s32 $_size__tile_overlayer_lowered;
	s8 =	simm.s32 $_tile_overlayer_lowered  }
0x9d: {  	s22 =	simm.s32 $0x1BFF;
	s21 =	sshll.u32 s8, $0x1;
	s5 =	sadd.s32 s6, s19  }
0x9e: {  	s9 =	simm.s32 $0x0;
	s20 =	sshll.u32 s7, $0x1;
	s7 =	sadd.s32 s21, s5  }
0x9f: {  	[timem:s9], [sflag:s22] =	dma.local [hbm:s7], s20  }
0xa0: {  	_ =	swait.ge [sflag:s22], s20  }
0xa1: {  	s6 =	ssub.s32 $0x0, s20;
	[sflag:s22] =	ssyncset.done $0x0  }
0xa2: {  	[sflag:s22] =	ssyncadd.s32 s6;
	_ =	sdelay $0x1  }
0xa3: {  	s23 =	simm.s32 $0x1B8B  }
0xa4: {  	_ =	swait.ge [sflag:s23], $0x1  }
0xa5: {  	[sflag:s23] =	ssyncset.done $0x0  }
0xa6: {  	s25 =	simm.s32 $0x1B8E;
	s24 =	sld [smem:$0x3FFE];
	[sflag:s23] =	ssyncadd.s32 $0xFFFFFFFF  }
0xa7: {  	s26 =	simm.s32 $execute0_lowered;
	[smem:$0x3FD2] =	sst s25  }
0xa8: {  	s7 =	sshll.u32 s26, $0x1;
	_ =	strace $0x80000046;
	[dreg:$0x1] =	wrdreg $0xFFFFFFFF  }
0xa9: {  	s28 =	simm.s32 $_size_execute0_lowered;
	s5 =	sadd.s32 s5, s7;
	[dreg:$0x0] =	wrdreg $0x0  }
0xaa: {  	s7 =	sshll.u32 s28, $0x1;
	[dreg:$0x2] =	wrdreg s5  }
0xab: {  	[dreg:$0x3] =	wrdreg s7  }
0xac: {  	[dreg:$0x4] =	wrdreg $0xC0  }
0xad: {  	_ =	task [dreg:s9], $0x5FFFF  }
0xae: {  	[dreg:$0x1] =	wrdreg $0xFFFFFFFF  }
0xaf: {  	[dreg:$0x0] =	wrdreg $0x60  }
0xb0: {  	[dreg:$0x2] =	wrdreg s24  }
0xb1: {  	[dreg:$0x3] =	wrdreg s2  }
0xb2: {  	[dreg:$0x4] =	wrdreg s18  }
0xb3: {  	[dreg:$0x5] =	wrdreg s4  }
0xb4: {  	[dreg:$0x6] =	wrdreg $0x9  }
0xb5: {  	_ =	task.clear_ibuf [dreg:s9], $0x7FFFF;
	_ =	strace $0x90000046  }
0xb6: {  	s29 =	simm.s32 $0x9;
	_ =	strace $0x80000048  }
0xb7: {  	_ =	swait.ge [sflag:s29], $0x1  }
0xb8: {  	[sflag:s29] =	ssyncadd.s32 $0xFFFFFFFF  }
0xb9: {  	_ =	strace $0x90000048  }
0xba: {  	_ =	sfence  }
0xbb: {  	s30 =	sld [smem:$0x0];
	_ =	sdelay $0x2  }
0xbc: {  	s31 =	sshll.u32 s1, $0xD;
	s1 =	sshrl.u32 s1, $0x2  }
0xbd: {  	s3 =	sand.u32 $0x4000, s31;
	s1 =	sadd.s32 s1, s30  }
0xbe: {  	s0 =	sor.u32 s3, s0;
	s1 =	sshll.u32 s1, $0x11  }
0xbf: {  	s0 =	sor.u32 s1, s0  }
0xc0: {  	s0 =	sadd.s32 $0x8F2B, s0  }
0xc1: {  	[sflag:s0] =	ssyncadd.remote.s32 $0x1  }
0xc2: {  	_ =	sfence.sel $0xFFFF  }
0xc3: {  	[dreg:$0x0] =	wrdreg $0xFFFFFFFF;
	(pc) =	sbr.abs _section_cstart, $3  }
0xc4: {  	[dreg:$0x1] =	wrdreg $0xFFFFFFFF  }
0xc5: {  	_ =	task.clear_ibuf [dreg:s9], $0x2FFFF;
	_ =	strace $0x9FFFFFFF  }
0xc6: {  	(tm) =	ssettm $0x7FFFFFFF  }
0xc7: {  	_ =	shalt  }
tec
execute0_lowered:
.L_overlay_start_1:
0x0: {  	(tag) =	ssettag $0x1  }
0x1: {  	s0 =	rddreg [dreg:$0x0];
	s1 =	srdreg.scid  }
0x2: {  	s18 =	stileid.u32;
	s28 =	simm.s32 $0x4F00;
	s30 =	simm.s32 $0x8F00  }
0x3: {  	s29 =	simm.s32 $0x1CF80;
	s31 =	simm.s32 $0x14F00;
	s2 =	sand.u32 $0x1, s1  }
0x4: {  	s3 =	sshll.u32 s18, $0x1;
	s14 =	sshrl.u32 s18, $0x1;
	s1 =	rddreg [dreg:$0x1]  }
0x5: {  	s5 =	sadd.s32 $0x400, s0;
	s3 =	sor.u32 s2, s3;
	s6 =	smul.u32 $0x6400, s14  }
0x6: {  	s4 =	sshll.u32 s14, $0x2;
	s25 =	ssub.s32 $0x2, s2;
	s14 =	smul.u32 $0x6338, s14  }
0x7: {  	s2 =	smul.u32 $0x32, s2;
	s3 =	ssub.s32 s3, s4;
	s4 =	rddreg [dreg:$0x3]  }
0x8: {  	_ =	strace $0x80000047;
	s7 =	sshrl.u32 s25, $0x1;
	s11 =	smul.u32 $0x32, s3  }
0x9: {  	s15 =	smul.u32 $0x30, s3;
	s0 =	ssub.s32 s25, s7;
	s3 =	sshll.u32 s3, $0xA  }
0xa: {  	s3 =	sshra.s32 s3, $0x2;
	s0 =	smax.u32 s0, $0x1;
	s6 =	sadd.s32 s6, s11  }
0xb: {  	s13 =	ssub.s32 s11, s15;
	s15 =	sadd.s32 $0x3200, s15;
	[dreg:$0x8] =	wrdreg s0  }
0xc: {  	s23 =	sadd.s32 $0x3300, s3;
	s7 =	sadd.s32 $0xC80, s6;
	s8 =	sadd.s32 $0x1900, s6  }
0xd: {  	s9 =	sadd.s32 $0x2580, s6;
	s10 =	sadd.s32 $0x3200, s6;
	s11 =	sadd.s32 $0x3E80, s6  }
0xe: {  	s12 =	sadd.s32 $0x4B00, s6;
	s17 =	sshll.u32 s13, $0x9;
	s13 =	sadd.s32 $0x5780, s6  }
0xf: {  	[dreg:$0x5] =	wrdreg s15;
	s19 =	sadd.s32 $0xCB0, s6;
	s20 =	sadd.s32 $0x1930, s6  }
0x10: {  	v0 =	vlaneseq.u32;
	s22 =	sadd.s32 $0x25B0, s6;
	s15 =	sadd.s32 $0x3230, s6;
	[dreg:$0xa] =	wrdreg s23  }
0x11: {  	v0 =	vmul.u32 $0xC8, v0;
	s3 =	sadd.s32 $0x4B30, s6;
	s23 =	sadd.s32 $0xCB1, s6;
	s24 =	sadd.s32 $0x4B31, s6  }
0x12: {  	s25 =	sadd.s32 $0x1931, s6;
	s0 =	sadd.s32 $0x3231, s6;
	[dreg:$0xb] =	wrdreg s24  }
0x13: {  	s16 =	sadd.s32 $0x6000, s17;
	s24 =	sadd.s32 $0x57B1, s6;
	v10 =	vadd.s32 s23, v0;
	s23 =	rddreg [dreg:$0xa]  }
0x14: {  	s21 =	sadd.s32 $0x6200, s17;
	s17 =	sadd.s32 $0x31, s6;
	[dreg:$0xc] =	wrdreg s24  }
0x15: {  	v2 =	vadd.s32 s19, v0;
	s26 =	sshra.s32 s16, $0x2;
	s16 =	smul.u32 $0x64, s18;
	s19 =	rddreg [dreg:$0xb]  }
0x16: {  	v7 =	vadd.s32 s3, v0;
	s3 =	simm.s32 $0x3;
	s24 =	simm.s32 $0x0;
	[dreg:$0x6] =	wrdreg s26  }
0x17: {  	v4 =	vadd.s32 s22, v0;
	s22 =	simm.s32 $0x1CF00;
	[dreg:$0x9] =	wrdreg s24;
	s14 =	sadd.s32 s16, s14  }
0x18: {  	v3 =	vadd.s32 s20, v0;
	s20 =	rddreg [dreg:$0xc];
	s16 =	sadd.s32 s2, s14;
	s14 =	sshra.s32 s21, $0x2  }
0x19: {  	v5 =	vadd.s32 s15, v0;
	v11 =	vadd.s32 s25, v0;
	v13 =	vadd.s32 s0, v0;
	s18 =	sadd.s32 $0x30, s6;
	s21 =	sadd.s32 $0x3EB1, s6;
	[dreg:$0x7] =	wrdreg s14  }
0x1a: {  	s25 =	simm.s32 $0x4;
	v9 =	vadd.s32 s17, v0;
	v17 =	vmov s23;
	s26 =	sadd.s32 $0x25B1, s6;
	v1 =	vadd.s32 s18, v0;
	[dreg:$0xd] =	wrdreg s21  }
0x1b: {  	v15 =	vadd.s32 s19, v0;
	v12 =	vadd.s32 s26, v0;
	v16 =	vadd.s32 s20, v0;
	s2 =	sadd.s32 $0x3EB0, s6;
	s14 =	sadd.s32 $0x57B0, s6;
	s18 =	rddreg [dreg:$0xd]  }
0x1c: {  	s24 =	simm.s32 $0x10F00;
	s26 =	simm.s32 $0x5;
	s21 =	simm.s32 $0x80;
	v6 =	vadd.s32 s2, v0;
	v8 =	vadd.s32 s14, v0;
	v14 =	vadd.s32 s18, v0  }
.LBB2_1:
0x1d: {  	s0 =	sadd.s32 $0xFFFFFFFE, s16  }
0x1e: {  	s2 =	sadd.s32 $0x2, s0  }
0x1f: {  	s15 =	sadd.s32 $0xC82, s0;
	v18 =	vadd.s32 s2, v0  }
0x20: {  	s20 =	sadd.s32 $0x1902, s0;
	[tilespmem:s21+$0xFFFFFF80] =	vst v18;
	v18 =	vadd.s32 s15, v0  }
0x21: {  	s23 =	sadd.s32 $0x2582, s0;
	[tilespmem:s21+$0xFFFFFF90] =	vst v18;
	v18 =	vadd.s32 s20, v0  }
0x22: {  	s14 =	sadd.s32 $0x3202, s0;
	[tilespmem:s21+$0xFFFFFFA0] =	vst v18;
	v18 =	vadd.s32 s23, v0  }
0x23: {  	s15 =	sadd.s32 $0x3E82, s0;
	[tilespmem:s21+$0xFFFFFFB0] =	vst v18;
	v18 =	vadd.s32 s14, v0  }
0x24: {  	s17 =	sadd.s32 $0x4B02, s0;
	[tilespmem:s21+$0xFFFFFFC0] =	vst v18;
	v18 =	vadd.s32 s15, v0  }
0x25: {  	s19 =	simm.s32 $0x0;
	s18 =	sadd.s32 $0x5782, s0;
	[tilespmem:s21+$0xFFFFFFD0] =	vst v18;
	v18 =	vadd.s32 s17, v0  }
0x26: {  	p0 =	por $0x1, $0x1;
	s20 =	simm.s32 $0x1;
	s23 =	sadd.s32 $0x3, s0;
	[tilespmem:s21+$0xFFFFFFE0] =	vst v18;
	v18 =	vadd.s32 s18, v0  }
0x27: {  	s20 =	simm.s32 @!p0 $0x2;
	s14 =	simm.s32 $0x1900;
	s17 =	sadd.s32 $0xC83, s0;
	[tilespmem:s21+$0xFFFFFFF0] =	vst v18  }
0x28: {  	v18 =	vadd.s32 s23, v0;
	[tilespmem:s14], [sflag:s20] =	stream.indirect.gather [hbm4b:s5+s21], $0x1, s19, s21, $0xb8;
	[tilespmem:$0x1D080] =	vst v63  }
0x29: {  	s15 =	sadd.s32 $0x1903, s0;
	[tilespmem:s21+$0x0] =	vst v18;
	v18 =	vadd.s32 s17, v0  }
0x2a: {  	s17 =	sadd.s32 $0x2583, s0;
	[tilespmem:s21+$0x10] =	vst v18;
	v18 =	vadd.s32 s15, v0  }
0x2b: {  	s18 =	sadd.s32 $0x3203, s0;
	[tilespmem:s21+$0x20] =	vst v18;
	v18 =	vadd.s32 s17, v0  }
0x2c: {  	s2 =	simm.s32 $0x0;
	s23 =	sadd.s32 $0x4B03, s0;
	s19 =	sadd.s32 $0x3E83, s0;
	[tilespmem:s21+$0x30] =	vst v18;
	v18 =	vadd.s32 s18, v0  }
0x2d: {  	s15 =	simm.s32 $0x1900;
	s17 =	simm.s32 $0x80;
	[tilespmem:s21+$0x40] =	vst v18;
	v18 =	vadd.s32 s19, v0;
	s19 =	simm.s32 $0x80  }
.LBB2_2:
0x2e: {  	[tilespmem:s17+$0x50] =	vst v18;
	v18 =	vadd.s32 s23, v0;
	s23 =	sadd.s32 $0x5783, s0;
	s0 =	sadd.s32 s2, s16;
	s19 =	sadd.s32 $0x100, s19  }
0x2f: {  	s14 =	sadd.s32 $0x2, s0;
	s18 =	sadd.s32 $0xC82, s0;
	[tilespmem:s17+$0x60] =	vst v18;
	v18 =	vadd.s32 s23, v0;
	s23 =	sadd.s32 $0x80, s15  }
0x30: {  	v19 =	vadd.s32 s14, v0;
	[tilespmem:s17+$0x70] =	vst v18;
	[tilespmem:s23], [sflag:s20] =	stream.indirect.gather [hbm4b:s5+s21], $0x1, s17, s21, $0xb8  }
0x31: {  	v18 =	vadd.s32 s18, v0;
	s14 =	sadd.s32 $0x1902, s0;
	s17 =	smov.u32 s19;
	[tilespmem:s19+$0xFFFFFF80] =	vst v19  }
0x32: {  	[tilespmem:s19+$0xFFFFFF90] =	vst v18;
	v18 =	vadd.s32 s14, v0;
	s14 =	sadd.s32 $0x2582, s0  }
0x33: {  	[tilespmem:s19+$0xFFFFFFA0] =	vst v18;
	v18 =	vadd.s32 s14, v0;
	s14 =	sadd.s32 $0x3202, s0  }
0x34: {  	[tilespmem:s19+$0xFFFFFFB0] =	vst v18;
	v18 =	vadd.s32 s14, v0;
	s14 =	sadd.s32 $0x3E82, s0  }
0x35: {  	s2 =	sadd.s32 $0x2, s2;
	s15 =	sadd.s32 $0x100, s15;
	[tilespmem:s19+$0xFFFFFFC0] =	vst v18;
	v18 =	vadd.s32 s14, v0;
	s14 =	sadd.s32 $0x4B02, s0  }
0x36: {  	p0 =	slt.u32 s2, $0x8;
	s18 =	sadd.s32 $0xFFFFFF80, s19;
	[tilespmem:s19+$0xFFFFFFD0] =	vst v18;
	v18 =	vadd.s32 s14, v0;
	s14 =	sadd.s32 $0x5782, s0  }
0x37: {  	s20 =	simm.s32 $0x1;
	s23 =	sadd.s32 $0x1903, s0;
	[tilespmem:s19+$0xFFFFFFE0] =	vst v18;
	v18 =	vadd.s32 s14, v0;
	s14 =	sadd.s32 $0x3, s0  }
0x38: {  	s20 =	simm.s32 @!p0 $0x2;
	p0 =	slt.u32 s2, $0x30;
	[tilespmem:s19+$0xFFFFFFF0] =	vst v18;
	v18 =	vadd.s32 s14, v0;
	s14 =	sadd.s32 $0xC83, s0  }
0x39: {  	[tilespmem:s15], [sflag:s20] =	stream.indirect.gather [hbm4b:s5+s21], $0x1, s18, s21, $0xb8;
	[tilespmem:$0x1D080] =	vst v63  }
.Ltmp0:
0x3a: {  	[tilespmem:s19+$0x0] =	vst v18;
	v18 =	vadd.s32 s14, v0;
	(pc) =	sbr.rel @p0 .LBB2_2-.Ltmp0, $4  }
0x3b: {  	s14 =	sadd.s32 $0x2583, s0;
	[tilespmem:s19+$0x10] =	vst v18;
	v18 =	vadd.s32 s23, v0  }
0x3c: {  	[tilespmem:s19+$0x20] =	vst v18;
	v18 =	vadd.s32 s14, v0;
	s14 =	sadd.s32 $0x3203, s0  }
0x3d: {  	[tilespmem:s19+$0x30] =	vst v18;
	v18 =	vadd.s32 s14, v0;
	s14 =	sadd.s32 $0x3E83, s0  }
0x3e: {  	s23 =	sadd.s32 $0x4B03, s0;
	[tilespmem:s19+$0x40] =	vst v18;
	v18 =	vadd.s32 s14, v0  }
0x3f: {  	[tilespmem:s17+$0x50] =	vst v18;
	v18 =	vadd.s32 s23, v0;
	s0 =	sadd.s32 $0x5783, s0  }
0x40: {  	[tilespmem:s17+$0x60] =	vst v18;
	v18 =	vadd.s32 s0, v0  }
0x41: {  	s18 =	sadd.s32 $0x80, s15;
	[tilespmem:s17+$0x70] =	vst v18  }
0x42: {  	[tilespmem:s18], [sflag:s20] =	stream.indirect.gather [hbm4b:s5+s21], $0x1, s17, s21, $0xb8;
	[tilespmem:$0x1D080] =	vst v63  }
0x43: {  	s2 =	simm.s32 $0x3200;
	s19 =	simm.s32 $0xA;
	s0 =	simm.s32 $0x0  }
0x44: {  	[tilespmem:s2], [sflag:$0xA] =	stream.linear.gather [hbm4b:s5+s0], $0xC8, $0x38;
	[tilespmem:$0x1D080] =	vst v63  }
0x45: {  	_ =	swait.ge [sflag:s19], $0xC8  }
0x46: {  	[sflag:s19] =	ssyncset.done $0x0  }
0x47: {  	s23 =	simm.s32 $0x3300;
	s14 =	rddreg [dreg:$0x5];
	[sflag:s19] =	ssyncadd.s32 $0xFFFFFF38  }
0x48: {  	s20 =	simm.s32 $0x38;
	s17 =	simm.s32 $0x1;
	s2 =	rddreg [dreg:$0x2]  }
0x49: {  	[tilespmem:s23], [sflag:$0x9] =	stream.indirect.gather [hbm4b:s2+s20], $0x80, s14, s20, $0xb8;
	[tilespmem:$0x1D080] =	vst v63  }
0x4a: {  	_ =	swait.ge [sflag:s17], $0x400  }
0x4b: {  	[sflag:s17] =	ssyncset.done $0x0  }
0x4c: {  	s18 =	simm.s32 $0x1900;
	[sflag:s17] =	ssyncadd.s32 $0xFFFFFC00  }
0x4d: {  	[tilespmem:s28], [sflag:$0x3] =	stream.indirect.gather [hbm4b:s1+s21], $0x80, s18, s21, $0xb8;
	[tilespmem:$0x1D080] =	vst v63  }
0x4e: {  	s19 =	simm.s32 $0x1980  }
0x4f: {  	[tilespmem:s30], [sflag:$0x4] =	stream.indirect.gather [hbm4b:s1+s21], $0x80, s19, s21, $0xb8;
	[tilespmem:$0x1D080] =	vst v63  }
0x50: {  	s20 =	simm.s32 $0x1A00;
	s23 =	simm.s32 $0x9;
	s18 =	simm.s32 $0xCF00  }
0x51: {  	[tilespmem:s18], [sflag:$0x5] =	stream.indirect.gather [hbm4b:s1+s21], $0x80, s20, s21, $0xb8;
	[tilespmem:$0x1D080] =	vst v63  }
0x52: {  	_ =	swait.ge [sflag:s23], $0x1C00  }
0x53: {  	[sflag:s23] =	ssyncset.done $0x0  }
0x54: {  	[sflag:s23] =	ssyncadd.s32 $0xFFFFE400  }
.LBB2_4:
0x55: {  	_ =	swait.ge [sflag:s3], $0x4000  }
0x56: {  	p0 =	seq.s32 s0, $0x0;
	[sflag:s3] =	ssyncset.done $0x0  }
0x57: {  	s2 =	simm.s32 @!p0 $0x6;
	[sflag:s3] =	ssyncadd.s32 $0xFFFFC000  }
0x58: {  	s14 =	smul.u32 $0x600, s0;
	_ =	swait.ge @!p0 [sflag:s2], $0x4000  }
0x59: {  	[sflag:s2] =	ssyncset.done @!p0 $0x0  }
0x5a: {  	s20 =	sshra.s32 s14, $0x2;
	[sflag:s2] =	ssyncadd.s32 @!p0 $0xFFFFC000  }
0x5b: {  	v19 =	vld.idx.msk [tilespmem:v17+s20+$0x0 ss:$0x1], $0xffff  }
0x5c: {  	v20 =	vld.idx.msk [tilespmem:v17+s20+$0x10 ss:$0x1], $0xffff  }
0x5d: {  	v21 =	vld.idx.msk [tilespmem:v17+s20+$0x20 ss:$0x1], $0xffff  }
0x5e: {  	v22 =	vld.idx.msk [tilespmem:v17+s20+$0x30 ss:$0x1], $0xffff  }
0x5f: {  	v23 =	vld.idx.msk [tilespmem:v17+s20+$0x40 ss:$0x1], $0xffff  }
0x60: {  	v24 =	vld.idx.msk [tilespmem:v17+s20+$0x50 ss:$0x1], $0xffff  }
0x61: {  	v25 =	vld.idx.msk [tilespmem:v17+s20+$0x60 ss:$0x1], $0xffff  }
0x62: {  	s17 =	simm.s32 $0x5100;
	v18 =	vld.idx.msk [tilespmem:v17+s20+$0x70 ss:$0x1], $0xffff  }
0x63: {  	v26 =	vld [tilespmem:s17+$0x180]  }
0x64: {  	v27 =	vld [tilespmem:s17+$0xFFFFFE80]  }
0x65: {  	v28 =	vld [tilespmem:s17+$0xFFFFFF00]  }
0x66: {  	v29 =	vld [tilespmem:s17+$0xFFFFFF80]  }
0x67: {  	v30 =	vld [tilespmem:s17+$0x0]  }
0x68: {  	v31 =	vld [tilespmem:s17+$0x80];
	v26 =	vadd.f32 v26, v19  }
0x69: {  	s19 =	simm.s32 $0x11100;
	v32 =	vld [tilespmem:s17+$0x100];
	v27 =	vadd.f32 v27, v19  }
0x6a: {  	v33 =	vld [tilespmem:s17+$0xFFFFFE00];
	v28 =	vadd.f32 v28, v19;
	[tilespmem:s19+$0x180] =	vst v26  }
0x6b: {  	[tilespmem:s19+$0xFFFFFE80] =	vst v27;
	v26 =	vadd.f32 v29, v19;
	v27 =	vld [tilespmem:s17+$0x190]  }
0x6c: {  	[tilespmem:s19+$0xFFFFFF00] =	vst v28;
	v28 =	vadd.f32 v30, v19;
	v29 =	vld [tilespmem:s17+$0xFFFFFE90]  }
0x6d: {  	v30 =	vld [tilespmem:s17+$0xFFFFFF10];
	[tilespmem:s19+$0xFFFFFF80] =	vst v26;
	v26 =	vadd.f32 v31, v19  }
0x6e: {  	[tilespmem:s19+$0x0] =	vst v28;
	v28 =	vadd.f32 v32, v19;
	v31 =	vld [tilespmem:s17+$0xFFFFFF90]  }
0x6f: {  	v60 =	vadd.f32 v33, v19;
	v61 =	vld [tilespmem:s17+$0x10];
	[tilespmem:s19+$0x80] =	vst v26  }
0x70: {  	[tilespmem:s19+$0x100] =	vst v28;
	v26 =	vld [tilespmem:s17+$0x90];
	v27 =	vadd.f32 v27, v20  }
0x71: {  	[tilespmem:s19+$0xFFFFFE00] =	vst v60;
	v28 =	vadd.f32 v29, v20;
	v29 =	vld [tilespmem:s17+$0x110]  }
0x72: {  	v32 =	vld [tilespmem:s17+$0xFFFFFE10];
	v30 =	vadd.f32 v30, v20;
	[tilespmem:s19+$0x190] =	vst v27  }
0x73: {  	[tilespmem:s19+$0xFFFFFE90] =	vst v28;
	v27 =	vadd.f32 v31, v20;
	v28 =	vld [tilespmem:s17+$0x1A0]  }
0x74: {  	[tilespmem:s19+$0xFFFFFF10] =	vst v30;
	v30 =	vadd.f32 v61, v20;
	v31 =	vld [tilespmem:s17+$0xFFFFFEA0]  }
0x75: {  	v62 =	vld [tilespmem:s17+$0xFFFFFF20];
	[tilespmem:s19+$0xFFFFFF90] =	vst v27;
	v26 =	vadd.f32 v26, v20  }
0x76: {  	[tilespmem:s19+$0x10] =	vst v30;
	v27 =	vld [tilespmem:s17+$0xFFFFFFA0];
	v29 =	vadd.f32 v29, v20  }
0x77: {  	v30 =	vadd.f32 v32, v20;
	v63 =	vld [tilespmem:s17+$0x20];
	[tilespmem:s19+$0x90] =	vst v26  }
0x78: {  	v26 =	vld [tilespmem:s17+$0xA0];
	[tilespmem:s19+$0x110] =	vst v29;
	v28 =	vadd.f32 v28, v21  }
0x79: {  	[tilespmem:s19+$0xFFFFFE10] =	vst v30;
	v29 =	vadd.f32 v31, v21;
	v30 =	vld [tilespmem:s17+$0x120]  }
0x7a: {  	v31 =	vld [tilespmem:s17+$0xFFFFFE20];
	v33 =	vadd.f32 v62, v21;
	[tilespmem:s19+$0x1A0] =	vst v28  }
0x7b: {  	[tilespmem:s19+$0xFFFFFEA0] =	vst v29;
	v27 =	vadd.f32 v27, v21;
	v28 =	vld [tilespmem:s17+$0x1B0]  }
0x7c: {  	[tilespmem:s19+$0xFFFFFF20] =	vst v33;
	v32 =	vadd.f32 v63, v21;
	v29 =	vld [tilespmem:s17+$0xFFFFFEB0]  }
0x7d: {  	v33 =	vld [tilespmem:s17+$0xFFFFFF30];
	[tilespmem:s19+$0xFFFFFFA0] =	vst v27;
	v26 =	vadd.f32 v26, v21  }
0x7e: {  	[tilespmem:s19+$0x20] =	vst v32;
	v27 =	vld [tilespmem:s17+$0xFFFFFFB0];
	v30 =	vadd.f32 v30, v21  }
0x7f: {  	v31 =	vadd.f32 v31, v21;
	v32 =	vld [tilespmem:s17+$0x30];
	[tilespmem:s19+$0xA0] =	vst v26  }
0x80: {  	v26 =	vld [tilespmem:s17+$0xB0];
	[tilespmem:s19+$0x120] =	vst v30;
	v28 =	vadd.f32 v28, v22  }
0x81: {  	[tilespmem:s19+$0xFFFFFE20] =	vst v31;
	v29 =	vadd.f32 v29, v22;
	v30 =	vld [tilespmem:s17+$0x130]  }
0x82: {  	v31 =	vld [tilespmem:s17+$0xFFFFFE30];
	v33 =	vadd.f32 v33, v22;
	[tilespmem:s19+$0x1B0] =	vst v28  }
0x83: {  	[tilespmem:s19+$0xFFFFFEB0] =	vst v29;
	v27 =	vadd.f32 v27, v22;
	v28 =	vld [tilespmem:s17+$0x1C0]  }
0x84: {  	[tilespmem:s19+$0xFFFFFF30] =	vst v33;
	v32 =	vadd.f32 v32, v22;
	v29 =	vld [tilespmem:s17+$0xFFFFFEC0]  }
0x85: {  	v33 =	vld [tilespmem:s17+$0xFFFFFF40];
	[tilespmem:s19+$0xFFFFFFB0] =	vst v27;
	v26 =	vadd.f32 v26, v22  }
0x86: {  	[tilespmem:s19+$0x30] =	vst v32;
	v27 =	vld [tilespmem:s17+$0xFFFFFFC0];
	v30 =	vadd.f32 v30, v22  }
0x87: {  	v31 =	vadd.f32 v31, v22;
	v32 =	vld [tilespmem:s17+$0x40];
	[tilespmem:s19+$0xB0] =	vst v26  }
0x88: {  	v26 =	vld [tilespmem:s17+$0xC0];
	[tilespmem:s19+$0x130] =	vst v30;
	v28 =	vadd.f32 v28, v23  }
0x89: {  	[tilespmem:s19+$0xFFFFFE30] =	vst v31;
	v29 =	vadd.f32 v29, v23;
	v30 =	vld [tilespmem:s17+$0x140]  }
0x8a: {  	v31 =	vld [tilespmem:s17+$0xFFFFFE40];
	v33 =	vadd.f32 v33, v23;
	[tilespmem:s19+$0x1C0] =	vst v28  }
0x8b: {  	[tilespmem:s19+$0xFFFFFEC0] =	vst v29;
	v27 =	vadd.f32 v27, v23;
	v28 =	vld [tilespmem:s17+$0x1D0]  }
0x8c: {  	[tilespmem:s19+$0xFFFFFF40] =	vst v33;
	v32 =	vadd.f32 v32, v23;
	v29 =	vld [tilespmem:s17+$0xFFFFFED0]  }
0x8d: {  	v33 =	vld [tilespmem:s17+$0xFFFFFF50];
	[tilespmem:s19+$0xFFFFFFC0] =	vst v27;
	v26 =	vadd.f32 v26, v23  }
0x8e: {  	[tilespmem:s19+$0x40] =	vst v32;
	v27 =	vld [tilespmem:s17+$0xFFFFFFD0];
	v30 =	vadd.f32 v30, v23  }
0x8f: {  	v31 =	vadd.f32 v31, v23;
	v32 =	vld [tilespmem:s17+$0x50];
	[tilespmem:s19+$0xC0] =	vst v26  }
0x90: {  	v26 =	vld [tilespmem:s17+$0xD0];
	[tilespmem:s19+$0x140] =	vst v30;
	v28 =	vadd.f32 v28, v24  }
0x91: {  	[tilespmem:s19+$0xFFFFFE40] =	vst v31;
	v29 =	vadd.f32 v29, v24;
	v30 =	vld [tilespmem:s17+$0x150]  }
0x92: {  	v31 =	vld [tilespmem:s17+$0xFFFFFE50];
	v33 =	vadd.f32 v33, v24;
	[tilespmem:s19+$0x1D0] =	vst v28  }
0x93: {  	[tilespmem:s19+$0xFFFFFED0] =	vst v29;
	v27 =	vadd.f32 v27, v24;
	v28 =	vld [tilespmem:s17+$0x1E0]  }
0x94: {  	[tilespmem:s19+$0xFFFFFF50] =	vst v33;
	v32 =	vadd.f32 v32, v24;
	v29 =	vld [tilespmem:s17+$0xFFFFFEE0]  }
0x95: {  	v33 =	vld [tilespmem:s17+$0xFFFFFF60];
	[tilespmem:s19+$0xFFFFFFD0] =	vst v27;
	v26 =	vadd.f32 v26, v24  }
0x96: {  	[tilespmem:s19+$0x50] =	vst v32;
	v27 =	vld [tilespmem:s17+$0xFFFFFFE0];
	v30 =	vadd.f32 v30, v24  }
0x97: {  	v31 =	vadd.f32 v31, v24;
	v32 =	vld [tilespmem:s17+$0x60];
	[tilespmem:s19+$0xD0] =	vst v26  }
0x98: {  	v26 =	vld [tilespmem:s17+$0xE0];
	[tilespmem:s19+$0x150] =	vst v30;
	v28 =	vadd.f32 v28, v25  }
0x99: {  	[tilespmem:s19+$0xFFFFFE50] =	vst v31;
	v29 =	vadd.f32 v29, v25;
	v30 =	vld [tilespmem:s17+$0x160]  }
0x9a: {  	v31 =	vld [tilespmem:s17+$0xFFFFFE60];
	v33 =	vadd.f32 v33, v25;
	[tilespmem:s19+$0x1E0] =	vst v28  }
0x9b: {  	[tilespmem:s19+$0xFFFFFEE0] =	vst v29;
	v27 =	vadd.f32 v27, v25;
	v29 =	vld [tilespmem:s17+$0x1F0]  }
0x9c: {  	[tilespmem:s19+$0xFFFFFF60] =	vst v33;
	v28 =	vadd.f32 v32, v25;
	v34 =	vld [tilespmem:s17+$0xFFFFFEF0]  }
0x9d: {  	v33 =	vld [tilespmem:s17+$0xFFFFFF70];
	[tilespmem:s19+$0xFFFFFFE0] =	vst v27;
	v27 =	vadd.f32 v26, v25  }
0x9e: {  	[tilespmem:s19+$0x60] =	vst v28;
	v26 =	vld [tilespmem:s17+$0xFFFFFFF0];
	v30 =	vadd.f32 v30, v25  }
0x9f: {  	v31 =	vadd.f32 v31, v25;
	v28 =	vld [tilespmem:s17+$0x70];
	[tilespmem:s19+$0xE0] =	vst v27  }
0xa0: {  	v27 =	vld [tilespmem:s17+$0xF0];
	[tilespmem:s19+$0x160] =	vst v30;
	v35 =	vadd.f32 v29, v18  }
0xa1: {  	[tilespmem:s19+$0xFFFFFE60] =	vst v31;
	v29 =	vld [tilespmem:s17+$0x170];
	v32 =	vadd.f32 v34, v18  }
0xa2: {  	s23 =	smul.u32 $0x3, s0;
	s15 =	simm.s32 $0x0;
	v30 =	vld [tilespmem:s17+$0xFFFFFE70];
	v31 =	vadd.f32 v33, v18;
	s17 =	simm.s32 $0x5500;
	[tilespmem:s19+$0x1F0] =	vst v35  }
.LBB2_5:
0xa3: {  	v33 =	vld [tilespmem:s17+$0x180];
	s15 =	sadd.s32 $0x8, s15;
	[tilespmem:s19+$0xFFFFFEF0] =	vst v32;
	v26 =	vadd.f32 v26, v18  }
0xa4: {  	v32 =	vld [tilespmem:s17+$0xFFFFFE80];
	p1 =	slt.u32 s15, $0x78;
	[tilespmem:s19+$0xFFFFFF70] =	vst v31;
	v28 =	vadd.f32 v28, v18  }
0xa5: {  	v31 =	vld [tilespmem:s17+$0xFFFFFF00];
	[tilespmem:s19+$0xFFFFFFF0] =	vst v26;
	v26 =	vadd.f32 v27, v18  }
0xa6: {  	v27 =	vld [tilespmem:s17+$0xFFFFFF80];
	[tilespmem:s19+$0x70] =	vst v28;
	v28 =	vadd.f32 v29, v18  }
0xa7: {  	v29 =	vld [tilespmem:s17+$0x0];
	v30 =	vadd.f32 v30, v18;
	[tilespmem:s19+$0xF0] =	vst v26  }
0xa8: {  	v26 =	vld [tilespmem:s17+$0x80];
	v33 =	vadd.f32 v33, v19;
	[tilespmem:s19+$0x170] =	vst v28  }
0xa9: {  	v28 =	vadd.f32 v32, v19;
	v32 =	vld [tilespmem:s17+$0x100];
	[tilespmem:s19+$0xFFFFFE70] =	vst v30;
	s19 =	sadd.s32 $0x400, s19  }
0xaa: {  	v30 =	vld [tilespmem:s17+$0xFFFFFE00];
	v31 =	vadd.f32 v31, v19;
	[tilespmem:s19+$0x180] =	vst v33  }
0xab: {  	[tilespmem:s19+$0xFFFFFE80] =	vst v28;
	v27 =	vadd.f32 v27, v19;
	v28 =	vld [tilespmem:s17+$0x190]  }
0xac: {  	v33 =	vld [tilespmem:s17+$0xFFFFFE90];
	[tilespmem:s19+$0xFFFFFF00] =	vst v31;
	v29 =	vadd.f32 v29, v19  }
0xad: {  	v31 =	vld [tilespmem:s17+$0xFFFFFF10];
	[tilespmem:s19+$0xFFFFFF80] =	vst v27;
	v26 =	vadd.f32 v26, v19  }
0xae: {  	v27 =	vld [tilespmem:s17+$0xFFFFFF90];
	[tilespmem:s19+$0x0] =	vst v29;
	v29 =	vadd.f32 v32, v19  }
0xaf: {  	v30 =	vadd.f32 v30, v19;
	v32 =	vld [tilespmem:s17+$0x10];
	[tilespmem:s19+$0x80] =	vst v26  }
0xb0: {  	v26 =	vld [tilespmem:s17+$0x90];
	[tilespmem:s19+$0x100] =	vst v29;
	v28 =	vadd.f32 v28, v20  }
0xb1: {  	[tilespmem:s19+$0xFFFFFE00] =	vst v30;
	v29 =	vadd.f32 v33, v20;
	v30 =	vld [tilespmem:s17+$0x110]  }
0xb2: {  	v33 =	vld [tilespmem:s17+$0xFFFFFE10];
	v31 =	vadd.f32 v31, v20;
	[tilespmem:s19+$0x190] =	vst v28  }
0xb3: {  	[tilespmem:s19+$0xFFFFFE90] =	vst v29;
	v27 =	vadd.f32 v27, v20;
	v28 =	vld [tilespmem:s17+$0x1A0]  }
0xb4: {  	v29 =	vld [tilespmem:s17+$0xFFFFFEA0];
	[tilespmem:s19+$0xFFFFFF10] =	vst v31;
	v31 =	vadd.f32 v32, v20  }
0xb5: {  	v32 =	vld [tilespmem:s17+$0xFFFFFF20];
	[tilespmem:s19+$0xFFFFFF90] =	vst v27;
	v26 =	vadd.f32 v26, v20  }
0xb6: {  	v27 =	vld [tilespmem:s17+$0xFFFFFFA0];
	[tilespmem:s19+$0x10] =	vst v31;
	v30 =	vadd.f32 v30, v20  }
0xb7: {  	v31 =	vadd.f32 v33, v20;
	v33 =	vld [tilespmem:s17+$0x20];
	[tilespmem:s19+$0x90] =	vst v26  }
0xb8: {  	v26 =	vld [tilespmem:s17+$0xA0];
	[tilespmem:s19+$0x110] =	vst v30;
	v28 =	vadd.f32 v28, v21  }
0xb9: {  	[tilespmem:s19+$0xFFFFFE10] =	vst v31;
	v29 =	vadd.f32 v29, v21;
	v30 =	vld [tilespmem:s17+$0x120]  }
0xba: {  	v31 =	vld [tilespmem:s17+$0xFFFFFE20];
	v32 =	vadd.f32 v32, v21;
	[tilespmem:s19+$0x1A0] =	vst v28  }
0xbb: {  	[tilespmem:s19+$0xFFFFFEA0] =	vst v29;
	v27 =	vadd.f32 v27, v21;
	v28 =	vld [tilespmem:s17+$0x1B0]  }
0xbc: {  	v29 =	vld [tilespmem:s17+$0xFFFFFEB0];
	[tilespmem:s19+$0xFFFFFF20] =	vst v32;
	v32 =	vadd.f32 v33, v21  }
0xbd: {  	v33 =	vld [tilespmem:s17+$0xFFFFFF30];
	[tilespmem:s19+$0xFFFFFFA0] =	vst v27;
	v26 =	vadd.f32 v26, v21  }
0xbe: {  	v27 =	vld [tilespmem:s17+$0xFFFFFFB0];
	[tilespmem:s19+$0x20] =	vst v32;
	v30 =	vadd.f32 v30, v21  }
0xbf: {  	v31 =	vadd.f32 v31, v21;
	v32 =	vld [tilespmem:s17+$0x30];
	[tilespmem:s19+$0xA0] =	vst v26  }
0xc0: {  	v26 =	vld [tilespmem:s17+$0xB0];
	[tilespmem:s19+$0x120] =	vst v30;
	v28 =	vadd.f32 v28, v22  }
0xc1: {  	[tilespmem:s19+$0xFFFFFE20] =	vst v31;
	v29 =	vadd.f32 v29, v22;
	v30 =	vld [tilespmem:s17+$0x130]  }
0xc2: {  	v31 =	vld [tilespmem:s17+$0xFFFFFE30];
	v33 =	vadd.f32 v33, v22;
	[tilespmem:s19+$0x1B0] =	vst v28  }
0xc3: {  	[tilespmem:s19+$0xFFFFFEB0] =	vst v29;
	v27 =	vadd.f32 v27, v22;
	v28 =	vld [tilespmem:s17+$0x1C0]  }
0xc4: {  	v29 =	vld [tilespmem:s17+$0xFFFFFEC0];
	[tilespmem:s19+$0xFFFFFF30] =	vst v33;
	v32 =	vadd.f32 v32, v22  }
0xc5: {  	v33 =	vld [tilespmem:s17+$0xFFFFFF40];
	[tilespmem:s19+$0xFFFFFFB0] =	vst v27;
	v26 =	vadd.f32 v26, v22  }
0xc6: {  	v27 =	vld [tilespmem:s17+$0xFFFFFFC0];
	[tilespmem:s19+$0x30] =	vst v32;
	v30 =	vadd.f32 v30, v22  }
0xc7: {  	v31 =	vadd.f32 v31, v22;
	v32 =	vld [tilespmem:s17+$0x40];
	[tilespmem:s19+$0xB0] =	vst v26  }
0xc8: {  	v26 =	vld [tilespmem:s17+$0xC0];
	[tilespmem:s19+$0x130] =	vst v30;
	v28 =	vadd.f32 v28, v23  }
0xc9: {  	[tilespmem:s19+$0xFFFFFE30] =	vst v31;
	v29 =	vadd.f32 v29, v23;
	v30 =	vld [tilespmem:s17+$0x140]  }
0xca: {  	v31 =	vld [tilespmem:s17+$0xFFFFFE40];
	v33 =	vadd.f32 v33, v23;
	[tilespmem:s19+$0x1C0] =	vst v28  }
0xcb: {  	[tilespmem:s19+$0xFFFFFEC0] =	vst v29;
	v27 =	vadd.f32 v27, v23;
	v28 =	vld [tilespmem:s17+$0x1D0]  }
0xcc: {  	v29 =	vld [tilespmem:s17+$0xFFFFFED0];
	[tilespmem:s19+$0xFFFFFF40] =	vst v33;
	v32 =	vadd.f32 v32, v23  }
0xcd: {  	v33 =	vld [tilespmem:s17+$0xFFFFFF50];
	[tilespmem:s19+$0xFFFFFFC0] =	vst v27;
	v26 =	vadd.f32 v26, v23  }
0xce: {  	v27 =	vld [tilespmem:s17+$0xFFFFFFD0];
	[tilespmem:s19+$0x40] =	vst v32;
	v30 =	vadd.f32 v30, v23  }
0xcf: {  	v31 =	vadd.f32 v31, v23;
	v32 =	vld [tilespmem:s17+$0x50];
	[tilespmem:s19+$0xC0] =	vst v26  }
0xd0: {  	v26 =	vld [tilespmem:s17+$0xD0];
	[tilespmem:s19+$0x140] =	vst v30;
	v28 =	vadd.f32 v28, v24  }
0xd1: {  	[tilespmem:s19+$0xFFFFFE40] =	vst v31;
	v29 =	vadd.f32 v29, v24;
	v30 =	vld [tilespmem:s17+$0x150]  }
0xd2: {  	v31 =	vld [tilespmem:s17+$0xFFFFFE50];
	v33 =	vadd.f32 v33, v24;
	[tilespmem:s19+$0x1D0] =	vst v28  }
0xd3: {  	[tilespmem:s19+$0xFFFFFED0] =	vst v29;
	v27 =	vadd.f32 v27, v24;
	v28 =	vld [tilespmem:s17+$0x1E0]  }
0xd4: {  	v29 =	vld [tilespmem:s17+$0xFFFFFEE0];
	[tilespmem:s19+$0xFFFFFF50] =	vst v33;
	v32 =	vadd.f32 v32, v24  }
0xd5: {  	v33 =	vld [tilespmem:s17+$0xFFFFFF60];
	[tilespmem:s19+$0xFFFFFFD0] =	vst v27;
	v26 =	vadd.f32 v26, v24  }
0xd6: {  	v27 =	vld [tilespmem:s17+$0xFFFFFFE0];
	[tilespmem:s19+$0x50] =	vst v32;
	v30 =	vadd.f32 v30, v24  }
0xd7: {  	v31 =	vadd.f32 v31, v24;
	v32 =	vld [tilespmem:s17+$0x60];
	[tilespmem:s19+$0xD0] =	vst v26  }
0xd8: {  	v26 =	vld [tilespmem:s17+$0xE0];
	[tilespmem:s19+$0x150] =	vst v30;
	v28 =	vadd.f32 v28, v25  }
0xd9: {  	[tilespmem:s19+$0xFFFFFE50] =	vst v31;
	v29 =	vadd.f32 v29, v25;
	v30 =	vld [tilespmem:s17+$0x160]  }
0xda: {  	v31 =	vld [tilespmem:s17+$0xFFFFFE60];
	v33 =	vadd.f32 v33, v25;
	[tilespmem:s19+$0x1E0] =	vst v28  }
0xdb: {  	[tilespmem:s19+$0xFFFFFEE0] =	vst v29;
	v27 =	vadd.f32 v27, v25;
	v29 =	vld [tilespmem:s17+$0x1F0]  }
0xdc: {  	v34 =	vld [tilespmem:s17+$0xFFFFFEF0];
	[tilespmem:s19+$0xFFFFFF60] =	vst v33;
	v28 =	vadd.f32 v32, v25  }
0xdd: {  	v33 =	vld [tilespmem:s17+$0xFFFFFF70];
	[tilespmem:s19+$0xFFFFFFE0] =	vst v27;
	v27 =	vadd.f32 v26, v25  }
.Ltmp1:
0xde: {  	v26 =	vld [tilespmem:s17+$0xFFFFFFF0];
	[tilespmem:s19+$0x60] =	vst v28;
	v30 =	vadd.f32 v30, v25;
	(pc) =	sbr.rel @p1 .LBB2_5-.Ltmp1, $4  }
0xdf: {  	v31 =	vadd.f32 v31, v25;
	v28 =	vld [tilespmem:s17+$0x70];
	[tilespmem:s19+$0xE0] =	vst v27  }
0xe0: {  	v27 =	vld [tilespmem:s17+$0xF0];
	[tilespmem:s19+$0x160] =	vst v30;
	v35 =	vadd.f32 v29, v18  }
0xe1: {  	[tilespmem:s19+$0xFFFFFE60] =	vst v31;
	v32 =	vadd.f32 v34, v18;
	v29 =	vld [tilespmem:s17+$0x170]  }
0xe2: {  	v30 =	vld [tilespmem:s17+$0xFFFFFE70];
	v31 =	vadd.f32 v33, v18;
	[tilespmem:s19+$0x1F0] =	vst v35;
	s17 =	sadd.s32 $0x400, s17  }
0xe3: {  	[tilespmem:s19+$0xFFFFFEF0] =	vst v32;
	v19 =	vadd.f32 v26, v18  }
0xe4: {  	[tilespmem:s19+$0xFFFFFF70] =	vst v31;
	v20 =	vadd.f32 v28, v18  }
0xe5: {  	[tilespmem:s19+$0xFFFFFFF0] =	vst v19;
	v19 =	vadd.f32 v27, v18  }
0xe6: {  	[tilespmem:s19+$0x70] =	vst v20;
	v20 =	vadd.f32 v29, v18  }
0xe7: {  	v18 =	vadd.f32 v30, v18;
	[tilespmem:s19+$0xF0] =	vst v19  }
0xe8: {  	s2 =	sadd.s32 s6, s23;
	[tilespmem:s19+$0x170] =	vst v20  }
0xe9: {  	s17 =	sadd.s32 s7, s23;
	[tilespmem:s19+$0xFFFFFE70] =	vst v18;
	v18 =	vadd.s32 s2, v0  }
0xea: {  	s19 =	sadd.s32 s8, s23;
	[tilespmem:$0x1CF00] =	vst v18;
	v18 =	vadd.s32 s17, v0  }
0xeb: {  	s14 =	sadd.s32 s9, s23;
	[tilespmem:$0x1CF10] =	vst v18;
	v18 =	vadd.s32 s19, v0  }
0xec: {  	s15 =	sadd.s32 s10, s23;
	[tilespmem:$0x1CF20] =	vst v18;
	v18 =	vadd.s32 s14, v0  }
0xed: {  	s17 =	sadd.s32 s11, s23;
	[tilespmem:$0x1CF30] =	vst v18;
	v18 =	vadd.s32 s15, v0  }
0xee: {  	s19 =	sadd.s32 s12, s23;
	[tilespmem:$0x1CF40] =	vst v18;
	v18 =	vadd.s32 s17, v0  }
0xef: {  	s14 =	sadd.s32 s13, s23;
	[tilespmem:$0x1CF50] =	vst v18;
	v18 =	vadd.s32 s19, v0  }
0xf0: {  	s19 =	sadd.s32 $0x1, s23;
	[tilespmem:$0x1CF60] =	vst v18;
	v18 =	vadd.s32 s14, v0  }
0xf1: {  	p1 =	sne.s32 s19, $0x5;
	[tilespmem:$0x1CF70] =	vst v18  }
0xf2: {  	[hbm4b:s4+s21] =	stream.indirect.scatter [tilespmem:s24], [sflag:$0x6], $0x80, s22, s21, $0xb8;
	[tilespmem:$0x1D080] =	vst v63  }
0xf3: {  	s15 =	sadd.s32 $0x1A80, s20;
	s2 =	simm.s32 @!p1 $0x2  }
0xf4: {  	[tilespmem:s28], [sflag:$0x3] =	stream.indirect.gather [hbm4b:s1+s21], $0x80, s15, s21, $0xb8;
	[tilespmem:$0x1D080] =	vst v63  }
0xf5: {  	_ =	swait.ge @!p1 [sflag:s2], $0x1500  }
0xf6: {  	[sflag:s2] =	ssyncset.done @!p1 $0x0  }
0xf7: {  	[sflag:s2] =	ssyncadd.s32 @!p1 $0xFFFFEB00  }
0xf8: {  	_ =	swait.ge [sflag:s25], $0x4000  }
0xf9: {  	[sflag:s25] =	ssyncset.done $0x0  }
0xfa: {  	s2 =	simm.s32 @!p0 $0x7;
	[sflag:s25] =	ssyncadd.s32 $0xFFFFC000  }
0xfb: {  	_ =	swait.ge @!p0 [sflag:s2], $0x4000  }
0xfc: {  	s14 =	sshll.u32 s19, $0x9;
	[sflag:s2] =	ssyncset.done @!p0 $0x0  }
0xfd: {  	s17 =	sshra.s32 s14, $0x2;
	[sflag:s2] =	ssyncadd.s32 @!p0 $0xFFFFC000  }
0xfe: {  	v19 =	vld.idx.msk [tilespmem:v17+s17+$0x0 ss:$0x1], $0xffff  }
0xff: {  	v20 =	vld.idx.msk [tilespmem:v17+s17+$0x10 ss:$0x1], $0xffff  }
0x100: {  	v21 =	vld.idx.msk [tilespmem:v17+s17+$0x20 ss:$0x1], $0xffff  }
0x101: {  	v22 =	vld.idx.msk [tilespmem:v17+s17+$0x30 ss:$0x1], $0xffff  }
0x102: {  	v23 =	vld.idx.msk [tilespmem:v17+s17+$0x40 ss:$0x1], $0xffff  }
0x103: {  	v24 =	vld.idx.msk [tilespmem:v17+s17+$0x50 ss:$0x1], $0xffff  }
0x104: {  	v25 =	vld.idx.msk [tilespmem:v17+s17+$0x60 ss:$0x1], $0xffff  }
0x105: {  	s14 =	simm.s32 $0x9100;
	v18 =	vld.idx.msk [tilespmem:v17+s17+$0x70 ss:$0x1], $0xffff  }
0x106: {  	v26 =	vld [tilespmem:s14+$0x180]  }
0x107: {  	v27 =	vld [tilespmem:s14+$0xFFFFFE80]  }
0x108: {  	v28 =	vld [tilespmem:s14+$0xFFFFFF00]  }
0x109: {  	v29 =	vld [tilespmem:s14+$0xFFFFFF80]  }
0x10a: {  	v30 =	vld [tilespmem:s14+$0x0]  }
0x10b: {  	v31 =	vld [tilespmem:s14+$0x80];
	v26 =	vadd.f32 v26, v19  }
0x10c: {  	s15 =	simm.s32 $0x15100;
	v59 =	vld [tilespmem:s14+$0x100];
	v27 =	vadd.f32 v27, v19  }
0x10d: {  	v33 =	vld [tilespmem:s14+$0xFFFFFE00];
	v28 =	vadd.f32 v28, v19;
	[tilespmem:s15+$0x180] =	vst v26  }
0x10e: {  	[tilespmem:s15+$0xFFFFFE80] =	vst v27;
	v26 =	vadd.f32 v29, v19;
	v27 =	vld [tilespmem:s14+$0x190]  }
0x10f: {  	[tilespmem:s15+$0xFFFFFF00] =	vst v28;
	v28 =	vadd.f32 v30, v19;
	v29 =	vld [tilespmem:s14+$0xFFFFFE90]  }
0x110: {  	v30 =	vld [tilespmem:s14+$0xFFFFFF10];
	[tilespmem:s15+$0xFFFFFF80] =	vst v26;
	v26 =	vadd.f32 v31, v19  }
0x111: {  	[tilespmem:s15+$0x0] =	vst v28;
	v28 =	vadd.f32 v59, v19;
	v31 =	vld [tilespmem:s14+$0xFFFFFF90]  }
0x112: {  	v60 =	vadd.f32 v33, v19;
	v61 =	vld [tilespmem:s14+$0x10];
	[tilespmem:s15+$0x80] =	vst v26  }
0x113: {  	[tilespmem:s15+$0x100] =	vst v28;
	v26 =	vld [tilespmem:s14+$0x90];
	v27 =	vadd.f32 v27, v20  }
0x114: {  	[tilespmem:s15+$0xFFFFFE00] =	vst v60;
	v28 =	vadd.f32 v29, v20;
	v29 =	vld [tilespmem:s14+$0x110]  }
0x115: {  	v32 =	vld [tilespmem:s14+$0xFFFFFE10];
	v30 =	vadd.f32 v30, v20;
	[tilespmem:s15+$0x190] =	vst v27  }
0x116: {  	[tilespmem:s15+$0xFFFFFE90] =	vst v28;
	v27 =	vadd.f32 v31, v20;
	v28 =	vld [tilespmem:s14+$0x1A0]  }
0x117: {  	[tilespmem:s15+$0xFFFFFF10] =	vst v30;
	v30 =	vadd.f32 v61, v20;
	v31 =	vld [tilespmem:s14+$0xFFFFFEA0]  }
0x118: {  	v62 =	vld [tilespmem:s14+$0xFFFFFF20];
	[tilespmem:s15+$0xFFFFFF90] =	vst v27;
	v26 =	vadd.f32 v26, v20  }
0x119: {  	[tilespmem:s15+$0x10] =	vst v30;
	v27 =	vld [tilespmem:s14+$0xFFFFFFA0];
	v29 =	vadd.f32 v29, v20  }
0x11a: {  	v30 =	vadd.f32 v32, v20;
	v63 =	vld [tilespmem:s14+$0x20];
	[tilespmem:s15+$0x90] =	vst v26  }
0x11b: {  	v26 =	vld [tilespmem:s14+$0xA0];
	[tilespmem:s15+$0x110] =	vst v29;
	v28 =	vadd.f32 v28, v21  }
0x11c: {  	[tilespmem:s15+$0xFFFFFE10] =	vst v30;
	v29 =	vadd.f32 v31, v21;
	v30 =	vld [tilespmem:s14+$0x120]  }
0x11d: {  	v31 =	vld [tilespmem:s14+$0xFFFFFE20];
	v33 =	vadd.f32 v62, v21;
	[tilespmem:s15+$0x1A0] =	vst v28  }
0x11e: {  	[tilespmem:s15+$0xFFFFFEA0] =	vst v29;
	v27 =	vadd.f32 v27, v21;
	v28 =	vld [tilespmem:s14+$0x1B0]  }
0x11f: {  	[tilespmem:s15+$0xFFFFFF20] =	vst v33;
	v32 =	vadd.f32 v63, v21;
	v29 =	vld [tilespmem:s14+$0xFFFFFEB0]  }
0x120: {  	v33 =	vld [tilespmem:s14+$0xFFFFFF30];
	[tilespmem:s15+$0xFFFFFFA0] =	vst v27;
	v26 =	vadd.f32 v26, v21  }
0x121: {  	[tilespmem:s15+$0x20] =	vst v32;
	v27 =	vld [tilespmem:s14+$0xFFFFFFB0];
	v30 =	vadd.f32 v30, v21  }
0x122: {  	v31 =	vadd.f32 v31, v21;
	v32 =	vld [tilespmem:s14+$0x30];
	[tilespmem:s15+$0xA0] =	vst v26  }
0x123: {  	v26 =	vld [tilespmem:s14+$0xB0];
	[tilespmem:s15+$0x120] =	vst v30;
	v28 =	vadd.f32 v28, v22  }
0x124: {  	[tilespmem:s15+$0xFFFFFE20] =	vst v31;
	v29 =	vadd.f32 v29, v22;
	v30 =	vld [tilespmem:s14+$0x130]  }
0x125: {  	v31 =	vld [tilespmem:s14+$0xFFFFFE30];
	v33 =	vadd.f32 v33, v22;
	[tilespmem:s15+$0x1B0] =	vst v28  }
0x126: {  	[tilespmem:s15+$0xFFFFFEB0] =	vst v29;
	v27 =	vadd.f32 v27, v22;
	v28 =	vld [tilespmem:s14+$0x1C0]  }
0x127: {  	[tilespmem:s15+$0xFFFFFF30] =	vst v33;
	v32 =	vadd.f32 v32, v22;
	v29 =	vld [tilespmem:s14+$0xFFFFFEC0]  }
0x128: {  	v33 =	vld [tilespmem:s14+$0xFFFFFF40];
	[tilespmem:s15+$0xFFFFFFB0] =	vst v27;
	v26 =	vadd.f32 v26, v22  }
0x129: {  	[tilespmem:s15+$0x30] =	vst v32;
	v27 =	vld [tilespmem:s14+$0xFFFFFFC0];
	v30 =	vadd.f32 v30, v22  }
0x12a: {  	v31 =	vadd.f32 v31, v22;
	v32 =	vld [tilespmem:s14+$0x40];
	[tilespmem:s15+$0xB0] =	vst v26  }
0x12b: {  	v26 =	vld [tilespmem:s14+$0xC0];
	[tilespmem:s15+$0x130] =	vst v30;
	v28 =	vadd.f32 v28, v23  }
0x12c: {  	[tilespmem:s15+$0xFFFFFE30] =	vst v31;
	v29 =	vadd.f32 v29, v23;
	v30 =	vld [tilespmem:s14+$0x140]  }
0x12d: {  	v31 =	vld [tilespmem:s14+$0xFFFFFE40];
	v33 =	vadd.f32 v33, v23;
	[tilespmem:s15+$0x1C0] =	vst v28  }
0x12e: {  	[tilespmem:s15+$0xFFFFFEC0] =	vst v29;
	v27 =	vadd.f32 v27, v23;
	v28 =	vld [tilespmem:s14+$0x1D0]  }
0x12f: {  	[tilespmem:s15+$0xFFFFFF40] =	vst v33;
	v32 =	vadd.f32 v32, v23;
	v29 =	vld [tilespmem:s14+$0xFFFFFED0]  }
0x130: {  	v33 =	vld [tilespmem:s14+$0xFFFFFF50];
	[tilespmem:s15+$0xFFFFFFC0] =	vst v27;
	v26 =	vadd.f32 v26, v23  }
0x131: {  	[tilespmem:s15+$0x40] =	vst v32;
	v27 =	vld [tilespmem:s14+$0xFFFFFFD0];
	v30 =	vadd.f32 v30, v23  }
0x132: {  	v31 =	vadd.f32 v31, v23;
	v32 =	vld [tilespmem:s14+$0x50];
	[tilespmem:s15+$0xC0] =	vst v26  }
0x133: {  	v26 =	vld [tilespmem:s14+$0xD0];
	[tilespmem:s15+$0x140] =	vst v30;
	v28 =	vadd.f32 v28, v24  }
0x134: {  	[tilespmem:s15+$0xFFFFFE40] =	vst v31;
	v29 =	vadd.f32 v29, v24;
	v30 =	vld [tilespmem:s14+$0x150]  }
0x135: {  	v31 =	vld [tilespmem:s14+$0xFFFFFE50];
	v33 =	vadd.f32 v33, v24;
	[tilespmem:s15+$0x1D0] =	vst v28  }
0x136: {  	[tilespmem:s15+$0xFFFFFED0] =	vst v29;
	v27 =	vadd.f32 v27, v24;
	v28 =	vld [tilespmem:s14+$0x1E0]  }
0x137: {  	[tilespmem:s15+$0xFFFFFF50] =	vst v33;
	v32 =	vadd.f32 v32, v24;
	v29 =	vld [tilespmem:s14+$0xFFFFFEE0]  }
0x138: {  	v33 =	vld [tilespmem:s14+$0xFFFFFF60];
	[tilespmem:s15+$0xFFFFFFD0] =	vst v27;
	v26 =	vadd.f32 v26, v24  }
0x139: {  	[tilespmem:s15+$0x50] =	vst v32;
	v27 =	vld [tilespmem:s14+$0xFFFFFFE0];
	v30 =	vadd.f32 v30, v24  }
0x13a: {  	v31 =	vadd.f32 v31, v24;
	v32 =	vld [tilespmem:s14+$0x60];
	[tilespmem:s15+$0xD0] =	vst v26  }
0x13b: {  	v26 =	vld [tilespmem:s14+$0xE0];
	[tilespmem:s15+$0x150] =	vst v30;
	v28 =	vadd.f32 v28, v25  }
0x13c: {  	[tilespmem:s15+$0xFFFFFE50] =	vst v31;
	v29 =	vadd.f32 v29, v25;
	v30 =	vld [tilespmem:s14+$0x160]  }
0x13d: {  	v31 =	vld [tilespmem:s14+$0xFFFFFE60];
	v33 =	vadd.f32 v33, v25;
	[tilespmem:s15+$0x1E0] =	vst v28  }
0x13e: {  	[tilespmem:s15+$0xFFFFFEE0] =	vst v29;
	v27 =	vadd.f32 v27, v25;
	v29 =	vld [tilespmem:s14+$0x1F0]  }
0x13f: {  	[tilespmem:s15+$0xFFFFFF60] =	vst v33;
	v28 =	vadd.f32 v32, v25;
	v34 =	vld [tilespmem:s14+$0xFFFFFEF0]  }
0x140: {  	v33 =	vld [tilespmem:s14+$0xFFFFFF70];
	[tilespmem:s15+$0xFFFFFFE0] =	vst v27;
	v27 =	vadd.f32 v26, v25  }
0x141: {  	[tilespmem:s15+$0x60] =	vst v28;
	v26 =	vld [tilespmem:s14+$0xFFFFFFF0];
	v30 =	vadd.f32 v30, v25  }
0x142: {  	v31 =	vadd.f32 v31, v25;
	v28 =	vld [tilespmem:s14+$0x70];
	[tilespmem:s15+$0xE0] =	vst v27  }
0x143: {  	v27 =	vld [tilespmem:s14+$0xF0];
	[tilespmem:s15+$0x160] =	vst v30;
	v35 =	vadd.f32 v29, v18  }
0x144: {  	[tilespmem:s15+$0xFFFFFE60] =	vst v31;
	v29 =	vld [tilespmem:s14+$0x170];
	v32 =	vadd.f32 v34, v18  }
0x145: {  	s2 =	simm.s32 $0x9500;
	s17 =	simm.s32 $0x0;
	v30 =	vld [tilespmem:s14+$0xFFFFFE70];
	v31 =	vadd.f32 v33, v18;
	[tilespmem:s15+$0x1F0] =	vst v35  }
.LBB2_7:
0x146: {  	v33 =	vld [tilespmem:s2+$0x180];
	s17 =	sadd.s32 $0x8, s17;
	[tilespmem:s15+$0xFFFFFEF0] =	vst v32;
	v26 =	vadd.f32 v26, v18  }
0x147: {  	v32 =	vld [tilespmem:s2+$0xFFFFFE80];
	p1 =	slt.u32 s17, $0x78;
	[tilespmem:s15+$0xFFFFFF70] =	vst v31;
	v28 =	vadd.f32 v28, v18  }
0x148: {  	v31 =	vld [tilespmem:s2+$0xFFFFFF00];
	[tilespmem:s15+$0xFFFFFFF0] =	vst v26;
	v26 =	vadd.f32 v27, v18  }
0x149: {  	v27 =	vld [tilespmem:s2+$0xFFFFFF80];
	[tilespmem:s15+$0x70] =	vst v28;
	v28 =	vadd.f32 v29, v18  }
0x14a: {  	v29 =	vld [tilespmem:s2+$0x0];
	v30 =	vadd.f32 v30, v18;
	[tilespmem:s15+$0xF0] =	vst v26  }
0x14b: {  	v26 =	vld [tilespmem:s2+$0x80];
	v33 =	vadd.f32 v33, v19;
	[tilespmem:s15+$0x170] =	vst v28  }
0x14c: {  	v28 =	vadd.f32 v32, v19;
	v32 =	vld [tilespmem:s2+$0x100];
	[tilespmem:s15+$0xFFFFFE70] =	vst v30;
	s15 =	sadd.s32 $0x400, s15  }
0x14d: {  	v30 =	vld [tilespmem:s2+$0xFFFFFE00];
	v31 =	vadd.f32 v31, v19;
	[tilespmem:s15+$0x180] =	vst v33  }
0x14e: {  	[tilespmem:s15+$0xFFFFFE80] =	vst v28;
	v27 =	vadd.f32 v27, v19;
	v28 =	vld [tilespmem:s2+$0x190]  }
0x14f: {  	v33 =	vld [tilespmem:s2+$0xFFFFFE90];
	[tilespmem:s15+$0xFFFFFF00] =	vst v31;
	v29 =	vadd.f32 v29, v19  }
0x150: {  	v31 =	vld [tilespmem:s2+$0xFFFFFF10];
	[tilespmem:s15+$0xFFFFFF80] =	vst v27;
	v26 =	vadd.f32 v26, v19  }
0x151: {  	v27 =	vld [tilespmem:s2+$0xFFFFFF90];
	[tilespmem:s15+$0x0] =	vst v29;
	v29 =	vadd.f32 v32, v19  }
0x152: {  	v30 =	vadd.f32 v30, v19;
	v32 =	vld [tilespmem:s2+$0x10];
	[tilespmem:s15+$0x80] =	vst v26  }
0x153: {  	v26 =	vld [tilespmem:s2+$0x90];
	[tilespmem:s15+$0x100] =	vst v29;
	v28 =	vadd.f32 v28, v20  }
0x154: {  	[tilespmem:s15+$0xFFFFFE00] =	vst v30;
	v29 =	vadd.f32 v33, v20;
	v30 =	vld [tilespmem:s2+$0x110]  }
0x155: {  	v33 =	vld [tilespmem:s2+$0xFFFFFE10];
	v31 =	vadd.f32 v31, v20;
	[tilespmem:s15+$0x190] =	vst v28  }
0x156: {  	[tilespmem:s15+$0xFFFFFE90] =	vst v29;
	v27 =	vadd.f32 v27, v20;
	v28 =	vld [tilespmem:s2+$0x1A0]  }
0x157: {  	v29 =	vld [tilespmem:s2+$0xFFFFFEA0];
	[tilespmem:s15+$0xFFFFFF10] =	vst v31;
	v31 =	vadd.f32 v32, v20  }
0x158: {  	v32 =	vld [tilespmem:s2+$0xFFFFFF20];
	[tilespmem:s15+$0xFFFFFF90] =	vst v27;
	v26 =	vadd.f32 v26, v20  }
0x159: {  	v27 =	vld [tilespmem:s2+$0xFFFFFFA0];
	[tilespmem:s15+$0x10] =	vst v31;
	v30 =	vadd.f32 v30, v20  }
0x15a: {  	v31 =	vadd.f32 v33, v20;
	v33 =	vld [tilespmem:s2+$0x20];
	[tilespmem:s15+$0x90] =	vst v26  }
0x15b: {  	v26 =	vld [tilespmem:s2+$0xA0];
	[tilespmem:s15+$0x110] =	vst v30;
	v28 =	vadd.f32 v28, v21  }
0x15c: {  	[tilespmem:s15+$0xFFFFFE10] =	vst v31;
	v29 =	vadd.f32 v29, v21;
	v30 =	vld [tilespmem:s2+$0x120]  }
0x15d: {  	v31 =	vld [tilespmem:s2+$0xFFFFFE20];
	v32 =	vadd.f32 v32, v21;
	[tilespmem:s15+$0x1A0] =	vst v28  }
0x15e: {  	[tilespmem:s15+$0xFFFFFEA0] =	vst v29;
	v27 =	vadd.f32 v27, v21;
	v28 =	vld [tilespmem:s2+$0x1B0]  }
0x15f: {  	v29 =	vld [tilespmem:s2+$0xFFFFFEB0];
	[tilespmem:s15+$0xFFFFFF20] =	vst v32;
	v32 =	vadd.f32 v33, v21  }
0x160: {  	v33 =	vld [tilespmem:s2+$0xFFFFFF30];
	[tilespmem:s15+$0xFFFFFFA0] =	vst v27;
	v26 =	vadd.f32 v26, v21  }
0x161: {  	v27 =	vld [tilespmem:s2+$0xFFFFFFB0];
	[tilespmem:s15+$0x20] =	vst v32;
	v30 =	vadd.f32 v30, v21  }
0x162: {  	v31 =	vadd.f32 v31, v21;
	v32 =	vld [tilespmem:s2+$0x30];
	[tilespmem:s15+$0xA0] =	vst v26  }
0x163: {  	v26 =	vld [tilespmem:s2+$0xB0];
	[tilespmem:s15+$0x120] =	vst v30;
	v28 =	vadd.f32 v28, v22  }
0x164: {  	[tilespmem:s15+$0xFFFFFE20] =	vst v31;
	v29 =	vadd.f32 v29, v22;
	v30 =	vld [tilespmem:s2+$0x130]  }
0x165: {  	v31 =	vld [tilespmem:s2+$0xFFFFFE30];
	v33 =	vadd.f32 v33, v22;
	[tilespmem:s15+$0x1B0] =	vst v28  }
0x166: {  	[tilespmem:s15+$0xFFFFFEB0] =	vst v29;
	v27 =	vadd.f32 v27, v22;
	v28 =	vld [tilespmem:s2+$0x1C0]  }
0x167: {  	v29 =	vld [tilespmem:s2+$0xFFFFFEC0];
	[tilespmem:s15+$0xFFFFFF30] =	vst v33;
	v32 =	vadd.f32 v32, v22  }
0x168: {  	v33 =	vld [tilespmem:s2+$0xFFFFFF40];
	[tilespmem:s15+$0xFFFFFFB0] =	vst v27;
	v26 =	vadd.f32 v26, v22  }
0x169: {  	v27 =	vld [tilespmem:s2+$0xFFFFFFC0];
	[tilespmem:s15+$0x30] =	vst v32;
	v30 =	vadd.f32 v30, v22  }
0x16a: {  	v31 =	vadd.f32 v31, v22;
	v32 =	vld [tilespmem:s2+$0x40];
	[tilespmem:s15+$0xB0] =	vst v26  }
0x16b: {  	v26 =	vld [tilespmem:s2+$0xC0];
	[tilespmem:s15+$0x130] =	vst v30;
	v28 =	vadd.f32 v28, v23  }
0x16c: {  	[tilespmem:s15+$0xFFFFFE30] =	vst v31;
	v29 =	vadd.f32 v29, v23;
	v30 =	vld [tilespmem:s2+$0x140]  }
0x16d: {  	v31 =	vld [tilespmem:s2+$0xFFFFFE40];
	v33 =	vadd.f32 v33, v23;
	[tilespmem:s15+$0x1C0] =	vst v28  }
0x16e: {  	[tilespmem:s15+$0xFFFFFEC0] =	vst v29;
	v27 =	vadd.f32 v27, v23;
	v28 =	vld [tilespmem:s2+$0x1D0]  }
0x16f: {  	v29 =	vld [tilespmem:s2+$0xFFFFFED0];
	[tilespmem:s15+$0xFFFFFF40] =	vst v33;
	v32 =	vadd.f32 v32, v23  }
0x170: {  	v33 =	vld [tilespmem:s2+$0xFFFFFF50];
	[tilespmem:s15+$0xFFFFFFC0] =	vst v27;
	v26 =	vadd.f32 v26, v23  }
0x171: {  	v27 =	vld [tilespmem:s2+$0xFFFFFFD0];
	[tilespmem:s15+$0x40] =	vst v32;
	v30 =	vadd.f32 v30, v23  }
0x172: {  	v31 =	vadd.f32 v31, v23;
	v32 =	vld [tilespmem:s2+$0x50];
	[tilespmem:s15+$0xC0] =	vst v26  }
0x173: {  	v26 =	vld [tilespmem:s2+$0xD0];
	[tilespmem:s15+$0x140] =	vst v30;
	v28 =	vadd.f32 v28, v24  }
0x174: {  	[tilespmem:s15+$0xFFFFFE40] =	vst v31;
	v29 =	vadd.f32 v29, v24;
	v30 =	vld [tilespmem:s2+$0x150]  }
0x175: {  	v31 =	vld [tilespmem:s2+$0xFFFFFE50];
	v33 =	vadd.f32 v33, v24;
	[tilespmem:s15+$0x1D0] =	vst v28  }
0x176: {  	[tilespmem:s15+$0xFFFFFED0] =	vst v29;
	v27 =	vadd.f32 v27, v24;
	v28 =	vld [tilespmem:s2+$0x1E0]  }
0x177: {  	v29 =	vld [tilespmem:s2+$0xFFFFFEE0];
	[tilespmem:s15+$0xFFFFFF50] =	vst v33;
	v32 =	vadd.f32 v32, v24  }
0x178: {  	v33 =	vld [tilespmem:s2+$0xFFFFFF60];
	[tilespmem:s15+$0xFFFFFFD0] =	vst v27;
	v26 =	vadd.f32 v26, v24  }
0x179: {  	v27 =	vld [tilespmem:s2+$0xFFFFFFE0];
	[tilespmem:s15+$0x50] =	vst v32;
	v30 =	vadd.f32 v30, v24  }
0x17a: {  	v31 =	vadd.f32 v31, v24;
	v32 =	vld [tilespmem:s2+$0x60];
	[tilespmem:s15+$0xD0] =	vst v26  }
0x17b: {  	v26 =	vld [tilespmem:s2+$0xE0];
	[tilespmem:s15+$0x150] =	vst v30;
	v28 =	vadd.f32 v28, v25  }
0x17c: {  	[tilespmem:s15+$0xFFFFFE50] =	vst v31;
	v29 =	vadd.f32 v29, v25;
	v30 =	vld [tilespmem:s2+$0x160]  }
0x17d: {  	v31 =	vld [tilespmem:s2+$0xFFFFFE60];
	v33 =	vadd.f32 v33, v25;
	[tilespmem:s15+$0x1E0] =	vst v28  }
0x17e: {  	[tilespmem:s15+$0xFFFFFEE0] =	vst v29;
	v27 =	vadd.f32 v27, v25;
	v29 =	vld [tilespmem:s2+$0x1F0]  }
0x17f: {  	v34 =	vld [tilespmem:s2+$0xFFFFFEF0];
	[tilespmem:s15+$0xFFFFFF60] =	vst v33;
	v28 =	vadd.f32 v32, v25  }
0x180: {  	v33 =	vld [tilespmem:s2+$0xFFFFFF70];
	[tilespmem:s15+$0xFFFFFFE0] =	vst v27;
	v27 =	vadd.f32 v26, v25  }
.Ltmp2:
0x181: {  	v26 =	vld [tilespmem:s2+$0xFFFFFFF0];
	[tilespmem:s15+$0x60] =	vst v28;
	v30 =	vadd.f32 v30, v25;
	(pc) =	sbr.rel @p1 .LBB2_7-.Ltmp2, $4  }
0x182: {  	v31 =	vadd.f32 v31, v25;
	v28 =	vld [tilespmem:s2+$0x70];
	[tilespmem:s15+$0xE0] =	vst v27  }
0x183: {  	v27 =	vld [tilespmem:s2+$0xF0];
	[tilespmem:s15+$0x160] =	vst v30;
	v35 =	vadd.f32 v29, v18  }
0x184: {  	[tilespmem:s15+$0xFFFFFE60] =	vst v31;
	v32 =	vadd.f32 v34, v18;
	v29 =	vld [tilespmem:s2+$0x170]  }
0x185: {  	v30 =	vld [tilespmem:s2+$0xFFFFFE70];
	v31 =	vadd.f32 v33, v18;
	[tilespmem:s15+$0x1F0] =	vst v35;
	s2 =	sadd.s32 $0x400, s2  }
0x186: {  	[tilespmem:s15+$0xFFFFFEF0] =	vst v32;
	v19 =	vadd.f32 v26, v18  }
0x187: {  	[tilespmem:s15+$0xFFFFFF70] =	vst v31;
	v20 =	vadd.f32 v28, v18  }
0x188: {  	[tilespmem:s15+$0xFFFFFFF0] =	vst v19;
	v19 =	vadd.f32 v27, v18  }
0x189: {  	[tilespmem:s15+$0x70] =	vst v20;
	v20 =	vadd.f32 v29, v18  }
0x18a: {  	v18 =	vadd.f32 v30, v18;
	[tilespmem:s15+$0xF0] =	vst v19  }
0x18b: {  	s2 =	sadd.s32 s6, s19;
	[tilespmem:s15+$0x170] =	vst v20  }
0x18c: {  	s14 =	sadd.s32 s7, s19;
	[tilespmem:s15+$0xFFFFFE70] =	vst v18;
	v18 =	vadd.s32 s2, v0  }
0x18d: {  	s15 =	sadd.s32 s8, s19;
	[tilespmem:$0x1CF80] =	vst v18;
	v18 =	vadd.s32 s14, v0  }
0x18e: {  	s17 =	sadd.s32 s9, s19;
	[tilespmem:$0x1CF90] =	vst v18;
	v18 =	vadd.s32 s15, v0  }
0x18f: {  	s14 =	sadd.s32 s10, s19;
	[tilespmem:$0x1CFA0] =	vst v18;
	v18 =	vadd.s32 s17, v0  }
0x190: {  	s15 =	sadd.s32 s11, s19;
	[tilespmem:$0x1CFB0] =	vst v18;
	v18 =	vadd.s32 s14, v0  }
0x191: {  	s17 =	sadd.s32 s12, s19;
	[tilespmem:$0x1CFC0] =	vst v18;
	v18 =	vadd.s32 s15, v0  }
0x192: {  	s14 =	sadd.s32 s13, s19;
	[tilespmem:$0x1CFD0] =	vst v18;
	v18 =	vadd.s32 s17, v0  }
0x193: {  	s19 =	sadd.s32 $0x2, s23;
	[tilespmem:$0x1CFE0] =	vst v18;
	v18 =	vadd.s32 s14, v0  }
0x194: {  	p1 =	sne.s32 s19, $0x5;
	[tilespmem:$0x1CFF0] =	vst v18  }
0x195: {  	[hbm4b:s4+s21] =	stream.indirect.scatter [tilespmem:s31], [sflag:$0x7], $0x80, s29, s21, $0xb8;
	[tilespmem:$0x1D080] =	vst v63  }
0x196: {  	s15 =	sadd.s32 $0x1B00, s20;
	s2 =	simm.s32 @!p1 $0x2  }
0x197: {  	[tilespmem:s30], [sflag:$0x4] =	stream.indirect.gather [hbm4b:s1+s21], $0x80, s15, s21, $0xb8;
	[tilespmem:$0x1D080] =	vst v63  }
0x198: {  	_ =	swait.ge @!p1 [sflag:s2], $0x1500  }
0x199: {  	[sflag:s2] =	ssyncset.done @!p1 $0x0  }
0x19a: {  	[sflag:s2] =	ssyncadd.s32 @!p1 $0xFFFFEB00  }
0x19b: {  	_ =	swait.ge [sflag:s26], $0x4000  }
0x19c: {  	[sflag:s26] =	ssyncset.done $0x0  }
0x19d: {  	s2 =	simm.s32 @!p0 $0x8;
	[sflag:s26] =	ssyncadd.s32 $0xFFFFC000  }
0x19e: {  	_ =	swait.ge @!p0 [sflag:s2], $0x4000  }
0x19f: {  	s14 =	sshll.u32 s19, $0x9;
	[sflag:s2] =	ssyncset.done @!p0 $0x0  }
0x1a0: {  	s17 =	sshra.s32 s14, $0x2;
	[sflag:s2] =	ssyncadd.s32 @!p0 $0xFFFFC000  }
0x1a1: {  	v19 =	vld.idx.msk [tilespmem:v17+s17+$0x0 ss:$0x1], $0xffff  }
0x1a2: {  	v20 =	vld.idx.msk [tilespmem:v17+s17+$0x10 ss:$0x1], $0xffff  }
0x1a3: {  	v21 =	vld.idx.msk [tilespmem:v17+s17+$0x20 ss:$0x1], $0xffff  }
0x1a4: {  	v22 =	vld.idx.msk [tilespmem:v17+s17+$0x30 ss:$0x1], $0xffff  }
0x1a5: {  	v23 =	vld.idx.msk [tilespmem:v17+s17+$0x40 ss:$0x1], $0xffff  }
0x1a6: {  	v24 =	vld.idx.msk [tilespmem:v17+s17+$0x50 ss:$0x1], $0xffff  }
0x1a7: {  	v25 =	vld.idx.msk [tilespmem:v17+s17+$0x60 ss:$0x1], $0xffff  }
0x1a8: {  	s23 =	simm.s32 $0xD100;
	v18 =	vld.idx.msk [tilespmem:v17+s17+$0x70 ss:$0x1], $0xffff  }
0x1a9: {  	v26 =	vld [tilespmem:s23+$0x180]  }
0x1aa: {  	v27 =	vld [tilespmem:s23+$0xFFFFFE80]  }
0x1ab: {  	v28 =	vld [tilespmem:s23+$0xFFFFFF00]  }
0x1ac: {  	v29 =	vld [tilespmem:s23+$0xFFFFFF80]  }
0x1ad: {  	v30 =	vld [tilespmem:s23+$0x0]  }
0x1ae: {  	v31 =	vld [tilespmem:s23+$0x80];
	v26 =	vadd.f32 v26, v19  }
0x1af: {  	s15 =	simm.s32 $0x19100;
	v59 =	vld [tilespmem:s23+$0x100];
	v27 =	vadd.f32 v27, v19  }
0x1b0: {  	v33 =	vld [tilespmem:s23+$0xFFFFFE00];
	v28 =	vadd.f32 v28, v19;
	[tilespmem:s15+$0x180] =	vst v26  }
0x1b1: {  	[tilespmem:s15+$0xFFFFFE80] =	vst v27;
	v26 =	vadd.f32 v29, v19;
	v27 =	vld [tilespmem:s23+$0x190]  }
0x1b2: {  	[tilespmem:s15+$0xFFFFFF00] =	vst v28;
	v28 =	vadd.f32 v30, v19;
	v29 =	vld [tilespmem:s23+$0xFFFFFE90]  }
0x1b3: {  	v30 =	vld [tilespmem:s23+$0xFFFFFF10];
	[tilespmem:s15+$0xFFFFFF80] =	vst v26;
	v26 =	vadd.f32 v31, v19  }
0x1b4: {  	[tilespmem:s15+$0x0] =	vst v28;
	v28 =	vadd.f32 v59, v19;
	v31 =	vld [tilespmem:s23+$0xFFFFFF90]  }
0x1b5: {  	v60 =	vadd.f32 v33, v19;
	v61 =	vld [tilespmem:s23+$0x10];
	[tilespmem:s15+$0x80] =	vst v26  }
0x1b6: {  	[tilespmem:s15+$0x100] =	vst v28;
	v26 =	vld [tilespmem:s23+$0x90];
	v27 =	vadd.f32 v27, v20  }
0x1b7: {  	[tilespmem:s15+$0xFFFFFE00] =	vst v60;
	v28 =	vadd.f32 v29, v20;
	v29 =	vld [tilespmem:s23+$0x110]  }
0x1b8: {  	v32 =	vld [tilespmem:s23+$0xFFFFFE10];
	v30 =	vadd.f32 v30, v20;
	[tilespmem:s15+$0x190] =	vst v27  }
0x1b9: {  	[tilespmem:s15+$0xFFFFFE90] =	vst v28;
	v27 =	vadd.f32 v31, v20;
	v28 =	vld [tilespmem:s23+$0x1A0]  }
0x1ba: {  	[tilespmem:s15+$0xFFFFFF10] =	vst v30;
	v30 =	vadd.f32 v61, v20;
	v31 =	vld [tilespmem:s23+$0xFFFFFEA0]  }
0x1bb: {  	v62 =	vld [tilespmem:s23+$0xFFFFFF20];
	[tilespmem:s15+$0xFFFFFF90] =	vst v27;
	v26 =	vadd.f32 v26, v20  }
0x1bc: {  	[tilespmem:s15+$0x10] =	vst v30;
	v27 =	vld [tilespmem:s23+$0xFFFFFFA0];
	v29 =	vadd.f32 v29, v20  }
0x1bd: {  	v30 =	vadd.f32 v32, v20;
	v63 =	vld [tilespmem:s23+$0x20];
	[tilespmem:s15+$0x90] =	vst v26  }
0x1be: {  	v26 =	vld [tilespmem:s23+$0xA0];
	[tilespmem:s15+$0x110] =	vst v29;
	v28 =	vadd.f32 v28, v21  }
0x1bf: {  	[tilespmem:s15+$0xFFFFFE10] =	vst v30;
	v29 =	vadd.f32 v31, v21;
	v30 =	vld [tilespmem:s23+$0x120]  }
0x1c0: {  	v31 =	vld [tilespmem:s23+$0xFFFFFE20];
	v33 =	vadd.f32 v62, v21;
	[tilespmem:s15+$0x1A0] =	vst v28  }
0x1c1: {  	[tilespmem:s15+$0xFFFFFEA0] =	vst v29;
	v27 =	vadd.f32 v27, v21;
	v28 =	vld [tilespmem:s23+$0x1B0]  }
0x1c2: {  	[tilespmem:s15+$0xFFFFFF20] =	vst v33;
	v32 =	vadd.f32 v63, v21;
	v29 =	vld [tilespmem:s23+$0xFFFFFEB0]  }
0x1c3: {  	v33 =	vld [tilespmem:s23+$0xFFFFFF30];
	[tilespmem:s15+$0xFFFFFFA0] =	vst v27;
	v26 =	vadd.f32 v26, v21  }
0x1c4: {  	[tilespmem:s15+$0x20] =	vst v32;
	v27 =	vld [tilespmem:s23+$0xFFFFFFB0];
	v30 =	vadd.f32 v30, v21  }
0x1c5: {  	v31 =	vadd.f32 v31, v21;
	v32 =	vld [tilespmem:s23+$0x30];
	[tilespmem:s15+$0xA0] =	vst v26  }
0x1c6: {  	v26 =	vld [tilespmem:s23+$0xB0];
	[tilespmem:s15+$0x120] =	vst v30;
	v28 =	vadd.f32 v28, v22  }
0x1c7: {  	[tilespmem:s15+$0xFFFFFE20] =	vst v31;
	v29 =	vadd.f32 v29, v22;
	v30 =	vld [tilespmem:s23+$0x130]  }
0x1c8: {  	v31 =	vld [tilespmem:s23+$0xFFFFFE30];
	v33 =	vadd.f32 v33, v22;
	[tilespmem:s15+$0x1B0] =	vst v28  }
0x1c9: {  	[tilespmem:s15+$0xFFFFFEB0] =	vst v29;
	v27 =	vadd.f32 v27, v22;
	v28 =	vld [tilespmem:s23+$0x1C0]  }
0x1ca: {  	[tilespmem:s15+$0xFFFFFF30] =	vst v33;
	v32 =	vadd.f32 v32, v22;
	v29 =	vld [tilespmem:s23+$0xFFFFFEC0]  }
0x1cb: {  	v33 =	vld [tilespmem:s23+$0xFFFFFF40];
	[tilespmem:s15+$0xFFFFFFB0] =	vst v27;
	v26 =	vadd.f32 v26, v22  }
0x1cc: {  	[tilespmem:s15+$0x30] =	vst v32;
	v27 =	vld [tilespmem:s23+$0xFFFFFFC0];
	v30 =	vadd.f32 v30, v22  }
0x1cd: {  	v31 =	vadd.f32 v31, v22;
	v32 =	vld [tilespmem:s23+$0x40];
	[tilespmem:s15+$0xB0] =	vst v26  }
0x1ce: {  	v26 =	vld [tilespmem:s23+$0xC0];
	[tilespmem:s15+$0x130] =	vst v30;
	v28 =	vadd.f32 v28, v23  }
0x1cf: {  	[tilespmem:s15+$0xFFFFFE30] =	vst v31;
	v29 =	vadd.f32 v29, v23;
	v30 =	vld [tilespmem:s23+$0x140]  }
0x1d0: {  	v31 =	vld [tilespmem:s23+$0xFFFFFE40];
	v33 =	vadd.f32 v33, v23;
	[tilespmem:s15+$0x1C0] =	vst v28  }
0x1d1: {  	[tilespmem:s15+$0xFFFFFEC0] =	vst v29;
	v27 =	vadd.f32 v27, v23;
	v28 =	vld [tilespmem:s23+$0x1D0]  }
0x1d2: {  	[tilespmem:s15+$0xFFFFFF40] =	vst v33;
	v32 =	vadd.f32 v32, v23;
	v29 =	vld [tilespmem:s23+$0xFFFFFED0]  }
0x1d3: {  	v33 =	vld [tilespmem:s23+$0xFFFFFF50];
	[tilespmem:s15+$0xFFFFFFC0] =	vst v27;
	v26 =	vadd.f32 v26, v23  }
0x1d4: {  	[tilespmem:s15+$0x40] =	vst v32;
	v27 =	vld [tilespmem:s23+$0xFFFFFFD0];
	v30 =	vadd.f32 v30, v23  }
0x1d5: {  	v31 =	vadd.f32 v31, v23;
	v32 =	vld [tilespmem:s23+$0x50];
	[tilespmem:s15+$0xC0] =	vst v26  }
0x1d6: {  	v26 =	vld [tilespmem:s23+$0xD0];
	[tilespmem:s15+$0x140] =	vst v30;
	v28 =	vadd.f32 v28, v24  }
0x1d7: {  	[tilespmem:s15+$0xFFFFFE40] =	vst v31;
	v29 =	vadd.f32 v29, v24;
	v30 =	vld [tilespmem:s23+$0x150]  }
0x1d8: {  	v31 =	vld [tilespmem:s23+$0xFFFFFE50];
	v33 =	vadd.f32 v33, v24;
	[tilespmem:s15+$0x1D0] =	vst v28  }
0x1d9: {  	[tilespmem:s15+$0xFFFFFED0] =	vst v29;
	v27 =	vadd.f32 v27, v24;
	v28 =	vld [tilespmem:s23+$0x1E0]  }
0x1da: {  	[tilespmem:s15+$0xFFFFFF50] =	vst v33;
	v32 =	vadd.f32 v32, v24;
	v29 =	vld [tilespmem:s23+$0xFFFFFEE0]  }
0x1db: {  	v33 =	vld [tilespmem:s23+$0xFFFFFF60];
	[tilespmem:s15+$0xFFFFFFD0] =	vst v27;
	v26 =	vadd.f32 v26, v24  }
0x1dc: {  	[tilespmem:s15+$0x50] =	vst v32;
	v27 =	vld [tilespmem:s23+$0xFFFFFFE0];
	v30 =	vadd.f32 v30, v24  }
0x1dd: {  	v31 =	vadd.f32 v31, v24;
	v32 =	vld [tilespmem:s23+$0x60];
	[tilespmem:s15+$0xD0] =	vst v26  }
0x1de: {  	v26 =	vld [tilespmem:s23+$0xE0];
	[tilespmem:s15+$0x150] =	vst v30;
	v28 =	vadd.f32 v28, v25  }
0x1df: {  	[tilespmem:s15+$0xFFFFFE50] =	vst v31;
	v29 =	vadd.f32 v29, v25;
	v30 =	vld [tilespmem:s23+$0x160]  }
0x1e0: {  	v31 =	vld [tilespmem:s23+$0xFFFFFE60];
	v33 =	vadd.f32 v33, v25;
	[tilespmem:s15+$0x1E0] =	vst v28  }
0x1e1: {  	[tilespmem:s15+$0xFFFFFEE0] =	vst v29;
	v27 =	vadd.f32 v27, v25;
	v29 =	vld [tilespmem:s23+$0x1F0]  }
0x1e2: {  	[tilespmem:s15+$0xFFFFFF60] =	vst v33;
	v28 =	vadd.f32 v32, v25;
	v34 =	vld [tilespmem:s23+$0xFFFFFEF0]  }
0x1e3: {  	v33 =	vld [tilespmem:s23+$0xFFFFFF70];
	[tilespmem:s15+$0xFFFFFFE0] =	vst v27;
	v27 =	vadd.f32 v26, v25  }
0x1e4: {  	[tilespmem:s15+$0x60] =	vst v28;
	v26 =	vld [tilespmem:s23+$0xFFFFFFF0];
	v30 =	vadd.f32 v30, v25  }
0x1e5: {  	v31 =	vadd.f32 v31, v25;
	v28 =	vld [tilespmem:s23+$0x70];
	[tilespmem:s15+$0xE0] =	vst v27  }
0x1e6: {  	v27 =	vld [tilespmem:s23+$0xF0];
	[tilespmem:s15+$0x160] =	vst v30;
	v35 =	vadd.f32 v29, v18  }
0x1e7: {  	[tilespmem:s15+$0xFFFFFE60] =	vst v31;
	v29 =	vld [tilespmem:s23+$0x170];
	v32 =	vadd.f32 v34, v18  }
0x1e8: {  	s2 =	simm.s32 $0xD500;
	s17 =	simm.s32 $0x0;
	v30 =	vld [tilespmem:s23+$0xFFFFFE70];
	v31 =	vadd.f32 v33, v18;
	[tilespmem:s15+$0x1F0] =	vst v35  }
.LBB2_9:
0x1e9: {  	v33 =	vld [tilespmem:s2+$0x180];
	s17 =	sadd.s32 $0x8, s17;
	[tilespmem:s15+$0xFFFFFEF0] =	vst v32;
	v26 =	vadd.f32 v26, v18  }
0x1ea: {  	v32 =	vld [tilespmem:s2+$0xFFFFFE80];
	p0 =	slt.u32 s17, $0x78;
	[tilespmem:s15+$0xFFFFFF70] =	vst v31;
	v28 =	vadd.f32 v28, v18  }
0x1eb: {  	v31 =	vld [tilespmem:s2+$0xFFFFFF00];
	[tilespmem:s15+$0xFFFFFFF0] =	vst v26;
	v26 =	vadd.f32 v27, v18  }
0x1ec: {  	v27 =	vld [tilespmem:s2+$0xFFFFFF80];
	[tilespmem:s15+$0x70] =	vst v28;
	v28 =	vadd.f32 v29, v18  }
0x1ed: {  	v29 =	vld [tilespmem:s2+$0x0];
	v30 =	vadd.f32 v30, v18;
	[tilespmem:s15+$0xF0] =	vst v26  }
0x1ee: {  	v26 =	vld [tilespmem:s2+$0x80];
	v33 =	vadd.f32 v33, v19;
	[tilespmem:s15+$0x170] =	vst v28  }
0x1ef: {  	v28 =	vadd.f32 v32, v19;
	v32 =	vld [tilespmem:s2+$0x100];
	[tilespmem:s15+$0xFFFFFE70] =	vst v30;
	s15 =	sadd.s32 $0x400, s15  }
0x1f0: {  	v30 =	vld [tilespmem:s2+$0xFFFFFE00];
	v31 =	vadd.f32 v31, v19;
	[tilespmem:s15+$0x180] =	vst v33  }
0x1f1: {  	[tilespmem:s15+$0xFFFFFE80] =	vst v28;
	v27 =	vadd.f32 v27, v19;
	v28 =	vld [tilespmem:s2+$0x190]  }
0x1f2: {  	v33 =	vld [tilespmem:s2+$0xFFFFFE90];
	[tilespmem:s15+$0xFFFFFF00] =	vst v31;
	v29 =	vadd.f32 v29, v19  }
0x1f3: {  	v31 =	vld [tilespmem:s2+$0xFFFFFF10];
	[tilespmem:s15+$0xFFFFFF80] =	vst v27;
	v26 =	vadd.f32 v26, v19  }
0x1f4: {  	v27 =	vld [tilespmem:s2+$0xFFFFFF90];
	[tilespmem:s15+$0x0] =	vst v29;
	v29 =	vadd.f32 v32, v19  }
0x1f5: {  	v30 =	vadd.f32 v30, v19;
	v32 =	vld [tilespmem:s2+$0x10];
	[tilespmem:s15+$0x80] =	vst v26  }
0x1f6: {  	v26 =	vld [tilespmem:s2+$0x90];
	[tilespmem:s15+$0x100] =	vst v29;
	v28 =	vadd.f32 v28, v20  }
0x1f7: {  	[tilespmem:s15+$0xFFFFFE00] =	vst v30;
	v29 =	vadd.f32 v33, v20;
	v30 =	vld [tilespmem:s2+$0x110]  }
0x1f8: {  	v33 =	vld [tilespmem:s2+$0xFFFFFE10];
	v31 =	vadd.f32 v31, v20;
	[tilespmem:s15+$0x190] =	vst v28  }
0x1f9: {  	[tilespmem:s15+$0xFFFFFE90] =	vst v29;
	v27 =	vadd.f32 v27, v20;
	v28 =	vld [tilespmem:s2+$0x1A0]  }
0x1fa: {  	v29 =	vld [tilespmem:s2+$0xFFFFFEA0];
	[tilespmem:s15+$0xFFFFFF10] =	vst v31;
	v31 =	vadd.f32 v32, v20  }
0x1fb: {  	v32 =	vld [tilespmem:s2+$0xFFFFFF20];
	[tilespmem:s15+$0xFFFFFF90] =	vst v27;
	v26 =	vadd.f32 v26, v20  }
0x1fc: {  	v27 =	vld [tilespmem:s2+$0xFFFFFFA0];
	[tilespmem:s15+$0x10] =	vst v31;
	v30 =	vadd.f32 v30, v20  }
0x1fd: {  	v31 =	vadd.f32 v33, v20;
	v33 =	vld [tilespmem:s2+$0x20];
	[tilespmem:s15+$0x90] =	vst v26  }
0x1fe: {  	v26 =	vld [tilespmem:s2+$0xA0];
	[tilespmem:s15+$0x110] =	vst v30;
	v28 =	vadd.f32 v28, v21  }
0x1ff: {  	[tilespmem:s15+$0xFFFFFE10] =	vst v31;
	v29 =	vadd.f32 v29, v21;
	v30 =	vld [tilespmem:s2+$0x120]  }
0x200: {  	v31 =	vld [tilespmem:s2+$0xFFFFFE20];
	v32 =	vadd.f32 v32, v21;
	[tilespmem:s15+$0x1A0] =	vst v28  }
0x201: {  	[tilespmem:s15+$0xFFFFFEA0] =	vst v29;
	v27 =	vadd.f32 v27, v21;
	v28 =	vld [tilespmem:s2+$0x1B0]  }
0x202: {  	v29 =	vld [tilespmem:s2+$0xFFFFFEB0];
	[tilespmem:s15+$0xFFFFFF20] =	vst v32;
	v32 =	vadd.f32 v33, v21  }
0x203: {  	v33 =	vld [tilespmem:s2+$0xFFFFFF30];
	[tilespmem:s15+$0xFFFFFFA0] =	vst v27;
	v26 =	vadd.f32 v26, v21  }
0x204: {  	v27 =	vld [tilespmem:s2+$0xFFFFFFB0];
	[tilespmem:s15+$0x20] =	vst v32;
	v30 =	vadd.f32 v30, v21  }
0x205: {  	v31 =	vadd.f32 v31, v21;
	v32 =	vld [tilespmem:s2+$0x30];
	[tilespmem:s15+$0xA0] =	vst v26  }
0x206: {  	v26 =	vld [tilespmem:s2+$0xB0];
	[tilespmem:s15+$0x120] =	vst v30;
	v28 =	vadd.f32 v28, v22  }
0x207: {  	[tilespmem:s15+$0xFFFFFE20] =	vst v31;
	v29 =	vadd.f32 v29, v22;
	v30 =	vld [tilespmem:s2+$0x130]  }
0x208: {  	v31 =	vld [tilespmem:s2+$0xFFFFFE30];
	v33 =	vadd.f32 v33, v22;
	[tilespmem:s15+$0x1B0] =	vst v28  }
0x209: {  	[tilespmem:s15+$0xFFFFFEB0] =	vst v29;
	v27 =	vadd.f32 v27, v22;
	v28 =	vld [tilespmem:s2+$0x1C0]  }
0x20a: {  	v29 =	vld [tilespmem:s2+$0xFFFFFEC0];
	[tilespmem:s15+$0xFFFFFF30] =	vst v33;
	v32 =	vadd.f32 v32, v22  }
0x20b: {  	v33 =	vld [tilespmem:s2+$0xFFFFFF40];
	[tilespmem:s15+$0xFFFFFFB0] =	vst v27;
	v26 =	vadd.f32 v26, v22  }
0x20c: {  	v27 =	vld [tilespmem:s2+$0xFFFFFFC0];
	[tilespmem:s15+$0x30] =	vst v32;
	v30 =	vadd.f32 v30, v22  }
0x20d: {  	v31 =	vadd.f32 v31, v22;
	v32 =	vld [tilespmem:s2+$0x40];
	[tilespmem:s15+$0xB0] =	vst v26  }
0x20e: {  	v26 =	vld [tilespmem:s2+$0xC0];
	[tilespmem:s15+$0x130] =	vst v30;
	v28 =	vadd.f32 v28, v23  }
0x20f: {  	[tilespmem:s15+$0xFFFFFE30] =	vst v31;
	v29 =	vadd.f32 v29, v23;
	v30 =	vld [tilespmem:s2+$0x140]  }
0x210: {  	v31 =	vld [tilespmem:s2+$0xFFFFFE40];
	v33 =	vadd.f32 v33, v23;
	[tilespmem:s15+$0x1C0] =	vst v28  }
0x211: {  	[tilespmem:s15+$0xFFFFFEC0] =	vst v29;
	v27 =	vadd.f32 v27, v23;
	v28 =	vld [tilespmem:s2+$0x1D0]  }
0x212: {  	v29 =	vld [tilespmem:s2+$0xFFFFFED0];
	[tilespmem:s15+$0xFFFFFF40] =	vst v33;
	v32 =	vadd.f32 v32, v23  }
0x213: {  	v33 =	vld [tilespmem:s2+$0xFFFFFF50];
	[tilespmem:s15+$0xFFFFFFC0] =	vst v27;
	v26 =	vadd.f32 v26, v23  }
0x214: {  	v27 =	vld [tilespmem:s2+$0xFFFFFFD0];
	[tilespmem:s15+$0x40] =	vst v32;
	v30 =	vadd.f32 v30, v23  }
0x215: {  	v31 =	vadd.f32 v31, v23;
	v32 =	vld [tilespmem:s2+$0x50];
	[tilespmem:s15+$0xC0] =	vst v26  }
0x216: {  	v26 =	vld [tilespmem:s2+$0xD0];
	[tilespmem:s15+$0x140] =	vst v30;
	v28 =	vadd.f32 v28, v24  }
0x217: {  	[tilespmem:s15+$0xFFFFFE40] =	vst v31;
	v29 =	vadd.f32 v29, v24;
	v30 =	vld [tilespmem:s2+$0x150]  }
0x218: {  	v31 =	vld [tilespmem:s2+$0xFFFFFE50];
	v33 =	vadd.f32 v33, v24;
	[tilespmem:s15+$0x1D0] =	vst v28  }
0x219: {  	[tilespmem:s15+$0xFFFFFED0] =	vst v29;
	v27 =	vadd.f32 v27, v24;
	v28 =	vld [tilespmem:s2+$0x1E0]  }
0x21a: {  	v29 =	vld [tilespmem:s2+$0xFFFFFEE0];
	[tilespmem:s15+$0xFFFFFF50] =	vst v33;
	v32 =	vadd.f32 v32, v24  }
0x21b: {  	v33 =	vld [tilespmem:s2+$0xFFFFFF60];
	[tilespmem:s15+$0xFFFFFFD0] =	vst v27;
	v26 =	vadd.f32 v26, v24  }
0x21c: {  	v27 =	vld [tilespmem:s2+$0xFFFFFFE0];
	[tilespmem:s15+$0x50] =	vst v32;
	v30 =	vadd.f32 v30, v24  }
0x21d: {  	v31 =	vadd.f32 v31, v24;
	v32 =	vld [tilespmem:s2+$0x60];
	[tilespmem:s15+$0xD0] =	vst v26  }
0x21e: {  	v26 =	vld [tilespmem:s2+$0xE0];
	[tilespmem:s15+$0x150] =	vst v30;
	v28 =	vadd.f32 v28, v25  }
0x21f: {  	[tilespmem:s15+$0xFFFFFE50] =	vst v31;
	v29 =	vadd.f32 v29, v25;
	v30 =	vld [tilespmem:s2+$0x160]  }
0x220: {  	v31 =	vld [tilespmem:s2+$0xFFFFFE60];
	v33 =	vadd.f32 v33, v25;
	[tilespmem:s15+$0x1E0] =	vst v28  }
0x221: {  	[tilespmem:s15+$0xFFFFFEE0] =	vst v29;
	v27 =	vadd.f32 v27, v25;
	v29 =	vld [tilespmem:s2+$0x1F0]  }
0x222: {  	v34 =	vld [tilespmem:s2+$0xFFFFFEF0];
	[tilespmem:s15+$0xFFFFFF60] =	vst v33;
	v28 =	vadd.f32 v32, v25  }
0x223: {  	v33 =	vld [tilespmem:s2+$0xFFFFFF70];
	[tilespmem:s15+$0xFFFFFFE0] =	vst v27;
	v27 =	vadd.f32 v26, v25  }
.Ltmp3:
0x224: {  	v26 =	vld [tilespmem:s2+$0xFFFFFFF0];
	[tilespmem:s15+$0x60] =	vst v28;
	v30 =	vadd.f32 v30, v25;
	(pc) =	sbr.rel @p0 .LBB2_9-.Ltmp3, $4  }
0x225: {  	v31 =	vadd.f32 v31, v25;
	v28 =	vld [tilespmem:s2+$0x70];
	[tilespmem:s15+$0xE0] =	vst v27  }
0x226: {  	v27 =	vld [tilespmem:s2+$0xF0];
	[tilespmem:s15+$0x160] =	vst v30;
	v35 =	vadd.f32 v29, v18  }
0x227: {  	[tilespmem:s15+$0xFFFFFE60] =	vst v31;
	v32 =	vadd.f32 v34, v18;
	v29 =	vld [tilespmem:s2+$0x170]  }
0x228: {  	v30 =	vld [tilespmem:s2+$0xFFFFFE70];
	v31 =	vadd.f32 v33, v18;
	[tilespmem:s15+$0x1F0] =	vst v35;
	s2 =	sadd.s32 $0x400, s2  }
0x229: {  	[tilespmem:s15+$0xFFFFFEF0] =	vst v32;
	v19 =	vadd.f32 v26, v18  }
0x22a: {  	[tilespmem:s15+$0xFFFFFF70] =	vst v31;
	v20 =	vadd.f32 v28, v18  }
0x22b: {  	[tilespmem:s15+$0xFFFFFFF0] =	vst v19;
	v19 =	vadd.f32 v27, v18  }
0x22c: {  	[tilespmem:s15+$0x70] =	vst v20;
	v63 =	vadd.f32 v29, v18  }
0x22d: {  	v18 =	vadd.f32 v30, v18;
	[tilespmem:s15+$0xF0] =	vst v19  }
0x22e: {  	s2 =	sadd.s32 s6, s19;
	[tilespmem:s15+$0x170] =	vst v63  }
0x22f: {  	[tilespmem:s15+$0xFFFFFE70] =	vst v18;
	v18 =	vadd.s32 s2, v0;
	s15 =	sadd.s32 s7, s19  }
0x230: {  	s17 =	sadd.s32 s8, s19;
	[tilespmem:$0x1D000] =	vst v18;
	v18 =	vadd.s32 s15, v0  }
0x231: {  	s23 =	sadd.s32 s9, s19;
	[tilespmem:$0x1D010] =	vst v18;
	v18 =	vadd.s32 s17, v0  }
0x232: {  	s14 =	sadd.s32 s10, s19;
	[tilespmem:$0x1D020] =	vst v18;
	v18 =	vadd.s32 s23, v0  }
0x233: {  	p0 =	seq.s32 s0, $0xF;
	s15 =	sadd.s32 s11, s19;
	[tilespmem:$0x1D030] =	vst v18;
	v18 =	vadd.s32 s14, v0  }
.Ltmp4:
0x234: {  	s17 =	sadd.s32 s12, s19;
	[tilespmem:$0x1D040] =	vst v18;
	v18 =	vadd.s32 s15, v0;
	(pc) =	sbr.rel @p0 .LBB2_12-.Ltmp4, $4  }
0x235: {  	s19 =	sadd.s32 s13, s19;
	[tilespmem:$0x1D050] =	vst v18;
	v18 =	vadd.s32 s17, v0  }
0x236: {  	[tilespmem:$0x1D060] =	vst v18;
	v18 =	vadd.s32 s19, v0  }
0x237: {  	s23 =	simm.s32 $0x1D000;
	s14 =	simm.s32 $0x18F00;
	[tilespmem:$0x1D070] =	vst v18  }
0x238: {  	[hbm4b:s4+s21] =	stream.indirect.scatter [tilespmem:s14], [sflag:$0x8], $0x80, s23, s21, $0xb8;
	[tilespmem:$0x1D080] =	vst v63  }
.Ltmp5:
0x239: {  	(pc) =	sbr.rel .LBB2_4-.Ltmp5, $3  }
0x23a: {  	_ =	sdelay $0x1  }
0x23b: {  	s2 =	sadd.s32 $0x1B80, s20;
	s0 =	sadd.s32 $0x1, s0  }
0x23c: {  	[tilespmem:s18], [sflag:$0x5] =	stream.indirect.gather [hbm4b:s1+s21], $0x80, s2, s21, $0xb8;
	[tilespmem:$0x1D080] =	vst v63  }
.LBB2_12:
0x23d: {  	_ =	swait.ge [sflag:s3], $0x4000  }
0x23e: {  	[sflag:s3] =	ssyncset.done $0x0  }
0x23f: {  	s14 =	simm.s32 $0x6;
	[sflag:s3] =	ssyncadd.s32 $0xFFFFC000  }
0x240: {  	_ =	swait.ge [sflag:s14], $0x4000  }
0x241: {  	[sflag:s14] =	ssyncset.done $0x0  }
0x242: {  	s0 =	rddreg [dreg:$0x6];
	[sflag:s14] =	ssyncadd.s32 $0xFFFFC000  }
0x243: {  	v19 =	vld [tilespmem:s0+$0x3300]  }
0x244: {  	v20 =	vld [tilespmem:s0+$0x3310]  }
0x245: {  	v21 =	vld [tilespmem:s0+$0x3320]  }
0x246: {  	v22 =	vld [tilespmem:s0+$0x3330]  }
0x247: {  	v23 =	vld [tilespmem:s0+$0x3340]  }
0x248: {  	v24 =	vld [tilespmem:s0+$0x3350]  }
0x249: {  	v25 =	vld [tilespmem:s0+$0x3360]  }
0x24a: {  	s2 =	simm.s32 $0x5100;
	v18 =	vld [tilespmem:s0+$0x3370]  }
0x24b: {  	v26 =	vld [tilespmem:s2+$0x180]  }
0x24c: {  	v27 =	vld [tilespmem:s2+$0xFFFFFE80]  }
0x24d: {  	v28 =	vld [tilespmem:s2+$0xFFFFFF00]  }
0x24e: {  	v29 =	vld [tilespmem:s2+$0xFFFFFF80]  }
0x24f: {  	v30 =	vld [tilespmem:s2+$0x0]  }
0x250: {  	v31 =	vld [tilespmem:s2+$0x80];
	v26 =	vadd.f32 v26, v19  }
0x251: {  	s0 =	simm.s32 $0x11100;
	v32 =	vld [tilespmem:s2+$0x100];
	v27 =	vadd.f32 v27, v19  }
0x252: {  	v33 =	vld [tilespmem:s2+$0xFFFFFE00];
	v28 =	vadd.f32 v28, v19;
	[tilespmem:s0+$0x180] =	vst v26  }
0x253: {  	[tilespmem:s0+$0xFFFFFE80] =	vst v27;
	v26 =	vadd.f32 v29, v19;
	v27 =	vld [tilespmem:s2+$0x190]  }
0x254: {  	[tilespmem:s0+$0xFFFFFF00] =	vst v28;
	v28 =	vadd.f32 v30, v19;
	v29 =	vld [tilespmem:s2+$0xFFFFFE90]  }
0x255: {  	v30 =	vld [tilespmem:s2+$0xFFFFFF10];
	[tilespmem:s0+$0xFFFFFF80] =	vst v26;
	v26 =	vadd.f32 v31, v19  }
0x256: {  	[tilespmem:s0+$0x0] =	vst v28;
	v28 =	vadd.f32 v32, v19;
	v31 =	vld [tilespmem:s2+$0xFFFFFF90]  }
0x257: {  	v60 =	vadd.f32 v33, v19;
	v61 =	vld [tilespmem:s2+$0x10];
	[tilespmem:s0+$0x80] =	vst v26  }
0x258: {  	[tilespmem:s0+$0x100] =	vst v28;
	v26 =	vld [tilespmem:s2+$0x90];
	v27 =	vadd.f32 v27, v20  }
0x259: {  	[tilespmem:s0+$0xFFFFFE00] =	vst v60;
	v28 =	vadd.f32 v29, v20;
	v29 =	vld [tilespmem:s2+$0x110]  }
0x25a: {  	v32 =	vld [tilespmem:s2+$0xFFFFFE10];
	v30 =	vadd.f32 v30, v20;
	[tilespmem:s0+$0x190] =	vst v27  }
0x25b: {  	[tilespmem:s0+$0xFFFFFE90] =	vst v28;
	v27 =	vadd.f32 v31, v20;
	v28 =	vld [tilespmem:s2+$0x1A0]  }
0x25c: {  	[tilespmem:s0+$0xFFFFFF10] =	vst v30;
	v30 =	vadd.f32 v61, v20;
	v31 =	vld [tilespmem:s2+$0xFFFFFEA0]  }
0x25d: {  	v62 =	vld [tilespmem:s2+$0xFFFFFF20];
	[tilespmem:s0+$0xFFFFFF90] =	vst v27;
	v26 =	vadd.f32 v26, v20  }
0x25e: {  	[tilespmem:s0+$0x10] =	vst v30;
	v27 =	vld [tilespmem:s2+$0xFFFFFFA0];
	v29 =	vadd.f32 v29, v20  }
0x25f: {  	v30 =	vadd.f32 v32, v20;
	v63 =	vld [tilespmem:s2+$0x20];
	[tilespmem:s0+$0x90] =	vst v26  }
0x260: {  	v26 =	vld [tilespmem:s2+$0xA0];
	[tilespmem:s0+$0x110] =	vst v29;
	v28 =	vadd.f32 v28, v21  }
0x261: {  	[tilespmem:s0+$0xFFFFFE10] =	vst v30;
	v29 =	vadd.f32 v31, v21;
	v30 =	vld [tilespmem:s2+$0x120]  }
0x262: {  	v31 =	vld [tilespmem:s2+$0xFFFFFE20];
	v33 =	vadd.f32 v62, v21;
	[tilespmem:s0+$0x1A0] =	vst v28  }
0x263: {  	[tilespmem:s0+$0xFFFFFEA0] =	vst v29;
	v27 =	vadd.f32 v27, v21;
	v28 =	vld [tilespmem:s2+$0x1B0]  }
0x264: {  	[tilespmem:s0+$0xFFFFFF20] =	vst v33;
	v32 =	vadd.f32 v63, v21;
	v29 =	vld [tilespmem:s2+$0xFFFFFEB0]  }
0x265: {  	v33 =	vld [tilespmem:s2+$0xFFFFFF30];
	[tilespmem:s0+$0xFFFFFFA0] =	vst v27;
	v26 =	vadd.f32 v26, v21  }
0x266: {  	[tilespmem:s0+$0x20] =	vst v32;
	v27 =	vld [tilespmem:s2+$0xFFFFFFB0];
	v30 =	vadd.f32 v30, v21  }
0x267: {  	v31 =	vadd.f32 v31, v21;
	v32 =	vld [tilespmem:s2+$0x30];
	[tilespmem:s0+$0xA0] =	vst v26  }
0x268: {  	v26 =	vld [tilespmem:s2+$0xB0];
	[tilespmem:s0+$0x120] =	vst v30;
	v28 =	vadd.f32 v28, v22  }
0x269: {  	[tilespmem:s0+$0xFFFFFE20] =	vst v31;
	v29 =	vadd.f32 v29, v22;
	v30 =	vld [tilespmem:s2+$0x130]  }
0x26a: {  	v31 =	vld [tilespmem:s2+$0xFFFFFE30];
	v33 =	vadd.f32 v33, v22;
	[tilespmem:s0+$0x1B0] =	vst v28  }
0x26b: {  	[tilespmem:s0+$0xFFFFFEB0] =	vst v29;
	v27 =	vadd.f32 v27, v22;
	v28 =	vld [tilespmem:s2+$0x1C0]  }
0x26c: {  	[tilespmem:s0+$0xFFFFFF30] =	vst v33;
	v32 =	vadd.f32 v32, v22;
	v29 =	vld [tilespmem:s2+$0xFFFFFEC0]  }
0x26d: {  	v33 =	vld [tilespmem:s2+$0xFFFFFF40];
	[tilespmem:s0+$0xFFFFFFB0] =	vst v27;
	v26 =	vadd.f32 v26, v22  }
0x26e: {  	[tilespmem:s0+$0x30] =	vst v32;
	v27 =	vld [tilespmem:s2+$0xFFFFFFC0];
	v30 =	vadd.f32 v30, v22  }
0x26f: {  	v31 =	vadd.f32 v31, v22;
	v32 =	vld [tilespmem:s2+$0x40];
	[tilespmem:s0+$0xB0] =	vst v26  }
0x270: {  	v26 =	vld [tilespmem:s2+$0xC0];
	[tilespmem:s0+$0x130] =	vst v30;
	v28 =	vadd.f32 v28, v23  }
0x271: {  	[tilespmem:s0+$0xFFFFFE30] =	vst v31;
	v29 =	vadd.f32 v29, v23;
	v30 =	vld [tilespmem:s2+$0x140]  }
0x272: {  	v31 =	vld [tilespmem:s2+$0xFFFFFE40];
	v33 =	vadd.f32 v33, v23;
	[tilespmem:s0+$0x1C0] =	vst v28  }
0x273: {  	[tilespmem:s0+$0xFFFFFEC0] =	vst v29;
	v27 =	vadd.f32 v27, v23;
	v28 =	vld [tilespmem:s2+$0x1D0]  }
0x274: {  	[tilespmem:s0+$0xFFFFFF40] =	vst v33;
	v32 =	vadd.f32 v32, v23;
	v29 =	vld [tilespmem:s2+$0xFFFFFED0]  }
0x275: {  	v33 =	vld [tilespmem:s2+$0xFFFFFF50];
	[tilespmem:s0+$0xFFFFFFC0] =	vst v27;
	v26 =	vadd.f32 v26, v23  }
0x276: {  	[tilespmem:s0+$0x40] =	vst v32;
	v27 =	vld [tilespmem:s2+$0xFFFFFFD0];
	v30 =	vadd.f32 v30, v23  }
0x277: {  	v31 =	vadd.f32 v31, v23;
	v32 =	vld [tilespmem:s2+$0x50];
	[tilespmem:s0+$0xC0] =	vst v26  }
0x278: {  	v26 =	vld [tilespmem:s2+$0xD0];
	[tilespmem:s0+$0x140] =	vst v30;
	v28 =	vadd.f32 v28, v24  }
0x279: {  	[tilespmem:s0+$0xFFFFFE40] =	vst v31;
	v29 =	vadd.f32 v29, v24;
	v30 =	vld [tilespmem:s2+$0x150]  }
0x27a: {  	v31 =	vld [tilespmem:s2+$0xFFFFFE50];
	v33 =	vadd.f32 v33, v24;
	[tilespmem:s0+$0x1D0] =	vst v28  }
0x27b: {  	[tilespmem:s0+$0xFFFFFED0] =	vst v29;
	v27 =	vadd.f32 v27, v24;
	v28 =	vld [tilespmem:s2+$0x1E0]  }
0x27c: {  	[tilespmem:s0+$0xFFFFFF50] =	vst v33;
	v32 =	vadd.f32 v32, v24;
	v29 =	vld [tilespmem:s2+$0xFFFFFEE0]  }
0x27d: {  	v33 =	vld [tilespmem:s2+$0xFFFFFF60];
	[tilespmem:s0+$0xFFFFFFD0] =	vst v27;
	v26 =	vadd.f32 v26, v24  }
0x27e: {  	[tilespmem:s0+$0x50] =	vst v32;
	v27 =	vld [tilespmem:s2+$0xFFFFFFE0];
	v30 =	vadd.f32 v30, v24  }
0x27f: {  	v31 =	vadd.f32 v31, v24;
	v32 =	vld [tilespmem:s2+$0x60];
	[tilespmem:s0+$0xD0] =	vst v26  }
0x280: {  	v26 =	vld [tilespmem:s2+$0xE0];
	[tilespmem:s0+$0x150] =	vst v30;
	v28 =	vadd.f32 v28, v25  }
0x281: {  	[tilespmem:s0+$0xFFFFFE50] =	vst v31;
	v29 =	vadd.f32 v29, v25;
	v30 =	vld [tilespmem:s2+$0x160]  }
0x282: {  	v31 =	vld [tilespmem:s2+$0xFFFFFE60];
	v33 =	vadd.f32 v33, v25;
	[tilespmem:s0+$0x1E0] =	vst v28  }
0x283: {  	[tilespmem:s0+$0xFFFFFEE0] =	vst v29;
	v27 =	vadd.f32 v27, v25;
	v29 =	vld [tilespmem:s2+$0x1F0]  }
0x284: {  	[tilespmem:s0+$0xFFFFFF60] =	vst v33;
	v28 =	vadd.f32 v32, v25;
	v34 =	vld [tilespmem:s2+$0xFFFFFEF0]  }
0x285: {  	v33 =	vld [tilespmem:s2+$0xFFFFFF70];
	[tilespmem:s0+$0xFFFFFFE0] =	vst v27;
	v27 =	vadd.f32 v26, v25  }
0x286: {  	[tilespmem:s0+$0x60] =	vst v28;
	v26 =	vld [tilespmem:s2+$0xFFFFFFF0];
	v30 =	vadd.f32 v30, v25  }
0x287: {  	v31 =	vadd.f32 v31, v25;
	v28 =	vld [tilespmem:s2+$0x70];
	[tilespmem:s0+$0xE0] =	vst v27  }
0x288: {  	v27 =	vld [tilespmem:s2+$0xF0];
	[tilespmem:s0+$0x160] =	vst v30;
	v35 =	vadd.f32 v29, v18  }
0x289: {  	[tilespmem:s0+$0xFFFFFE60] =	vst v31;
	v29 =	vld [tilespmem:s2+$0x170];
	v32 =	vadd.f32 v34, v18  }
0x28a: {  	s15 =	simm.s32 $0x0;
	s17 =	simm.s32 $0x7;
	v30 =	vld [tilespmem:s2+$0xFFFFFE70];
	v31 =	vadd.f32 v33, v18;
	s2 =	simm.s32 $0x5500;
	[tilespmem:s0+$0x1F0] =	vst v35  }
.LBB2_13:
0x28b: {  	v33 =	vld [tilespmem:s2+$0x180];
	s15 =	sadd.s32 $0x8, s15;
	[tilespmem:s0+$0xFFFFFEF0] =	vst v32;
	v26 =	vadd.f32 v26, v18  }
0x28c: {  	v32 =	vld [tilespmem:s2+$0xFFFFFE80];
	p0 =	slt.u32 s15, $0x78;
	[tilespmem:s0+$0xFFFFFF70] =	vst v31;
	v28 =	vadd.f32 v28, v18  }
0x28d: {  	v31 =	vld [tilespmem:s2+$0xFFFFFF00];
	[tilespmem:s0+$0xFFFFFFF0] =	vst v26;
	v26 =	vadd.f32 v27, v18  }
0x28e: {  	v27 =	vld [tilespmem:s2+$0xFFFFFF80];
	[tilespmem:s0+$0x70] =	vst v28;
	v28 =	vadd.f32 v29, v18  }
0x28f: {  	v29 =	vld [tilespmem:s2+$0x0];
	v30 =	vadd.f32 v30, v18;
	[tilespmem:s0+$0xF0] =	vst v26  }
0x290: {  	v26 =	vld [tilespmem:s2+$0x80];
	v33 =	vadd.f32 v33, v19;
	[tilespmem:s0+$0x170] =	vst v28  }
0x291: {  	v28 =	vadd.f32 v32, v19;
	v32 =	vld [tilespmem:s2+$0x100];
	[tilespmem:s0+$0xFFFFFE70] =	vst v30;
	s0 =	sadd.s32 $0x400, s0  }
0x292: {  	v30 =	vld [tilespmem:s2+$0xFFFFFE00];
	v31 =	vadd.f32 v31, v19;
	[tilespmem:s0+$0x180] =	vst v33  }
0x293: {  	[tilespmem:s0+$0xFFFFFE80] =	vst v28;
	v27 =	vadd.f32 v27, v19;
	v28 =	vld [tilespmem:s2+$0x190]  }
0x294: {  	v33 =	vld [tilespmem:s2+$0xFFFFFE90];
	[tilespmem:s0+$0xFFFFFF00] =	vst v31;
	v29 =	vadd.f32 v29, v19  }
0x295: {  	v31 =	vld [tilespmem:s2+$0xFFFFFF10];
	[tilespmem:s0+$0xFFFFFF80] =	vst v27;
	v26 =	vadd.f32 v26, v19  }
0x296: {  	v27 =	vld [tilespmem:s2+$0xFFFFFF90];
	[tilespmem:s0+$0x0] =	vst v29;
	v29 =	vadd.f32 v32, v19  }
0x297: {  	v30 =	vadd.f32 v30, v19;
	v32 =	vld [tilespmem:s2+$0x10];
	[tilespmem:s0+$0x80] =	vst v26  }
0x298: {  	v26 =	vld [tilespmem:s2+$0x90];
	[tilespmem:s0+$0x100] =	vst v29;
	v28 =	vadd.f32 v28, v20  }
0x299: {  	[tilespmem:s0+$0xFFFFFE00] =	vst v30;
	v29 =	vadd.f32 v33, v20;
	v30 =	vld [tilespmem:s2+$0x110]  }
0x29a: {  	v33 =	vld [tilespmem:s2+$0xFFFFFE10];
	v31 =	vadd.f32 v31, v20;
	[tilespmem:s0+$0x190] =	vst v28  }
0x29b: {  	[tilespmem:s0+$0xFFFFFE90] =	vst v29;
	v27 =	vadd.f32 v27, v20;
	v28 =	vld [tilespmem:s2+$0x1A0]  }
0x29c: {  	v29 =	vld [tilespmem:s2+$0xFFFFFEA0];
	[tilespmem:s0+$0xFFFFFF10] =	vst v31;
	v31 =	vadd.f32 v32, v20  }
0x29d: {  	v32 =	vld [tilespmem:s2+$0xFFFFFF20];
	[tilespmem:s0+$0xFFFFFF90] =	vst v27;
	v26 =	vadd.f32 v26, v20  }
0x29e: {  	v27 =	vld [tilespmem:s2+$0xFFFFFFA0];
	[tilespmem:s0+$0x10] =	vst v31;
	v30 =	vadd.f32 v30, v20  }
0x29f: {  	v31 =	vadd.f32 v33, v20;
	v33 =	vld [tilespmem:s2+$0x20];
	[tilespmem:s0+$0x90] =	vst v26  }
0x2a0: {  	v26 =	vld [tilespmem:s2+$0xA0];
	[tilespmem:s0+$0x110] =	vst v30;
	v28 =	vadd.f32 v28, v21  }
0x2a1: {  	[tilespmem:s0+$0xFFFFFE10] =	vst v31;
	v29 =	vadd.f32 v29, v21;
	v30 =	vld [tilespmem:s2+$0x120]  }
0x2a2: {  	v31 =	vld [tilespmem:s2+$0xFFFFFE20];
	v32 =	vadd.f32 v32, v21;
	[tilespmem:s0+$0x1A0] =	vst v28  }
0x2a3: {  	[tilespmem:s0+$0xFFFFFEA0] =	vst v29;
	v27 =	vadd.f32 v27, v21;
	v28 =	vld [tilespmem:s2+$0x1B0]  }
0x2a4: {  	v29 =	vld [tilespmem:s2+$0xFFFFFEB0];
	[tilespmem:s0+$0xFFFFFF20] =	vst v32;
	v32 =	vadd.f32 v33, v21  }
0x2a5: {  	v33 =	vld [tilespmem:s2+$0xFFFFFF30];
	[tilespmem:s0+$0xFFFFFFA0] =	vst v27;
	v26 =	vadd.f32 v26, v21  }
0x2a6: {  	v27 =	vld [tilespmem:s2+$0xFFFFFFB0];
	[tilespmem:s0+$0x20] =	vst v32;
	v30 =	vadd.f32 v30, v21  }
0x2a7: {  	v31 =	vadd.f32 v31, v21;
	v32 =	vld [tilespmem:s2+$0x30];
	[tilespmem:s0+$0xA0] =	vst v26  }
0x2a8: {  	v26 =	vld [tilespmem:s2+$0xB0];
	[tilespmem:s0+$0x120] =	vst v30;
	v28 =	vadd.f32 v28, v22  }
0x2a9: {  	[tilespmem:s0+$0xFFFFFE20] =	vst v31;
	v29 =	vadd.f32 v29, v22;
	v30 =	vld [tilespmem:s2+$0x130]  }
0x2aa: {  	v31 =	vld [tilespmem:s2+$0xFFFFFE30];
	v33 =	vadd.f32 v33, v22;
	[tilespmem:s0+$0x1B0] =	vst v28  }
0x2ab: {  	[tilespmem:s0+$0xFFFFFEB0] =	vst v29;
	v27 =	vadd.f32 v27, v22;
	v28 =	vld [tilespmem:s2+$0x1C0]  }
0x2ac: {  	v29 =	vld [tilespmem:s2+$0xFFFFFEC0];
	[tilespmem:s0+$0xFFFFFF30] =	vst v33;
	v32 =	vadd.f32 v32, v22  }
0x2ad: {  	v33 =	vld [tilespmem:s2+$0xFFFFFF40];
	[tilespmem:s0+$0xFFFFFFB0] =	vst v27;
	v26 =	vadd.f32 v26, v22  }
0x2ae: {  	v27 =	vld [tilespmem:s2+$0xFFFFFFC0];
	[tilespmem:s0+$0x30] =	vst v32;
	v30 =	vadd.f32 v30, v22  }
0x2af: {  	v31 =	vadd.f32 v31, v22;
	v32 =	vld [tilespmem:s2+$0x40];
	[tilespmem:s0+$0xB0] =	vst v26  }
0x2b0: {  	v26 =	vld [tilespmem:s2+$0xC0];
	[tilespmem:s0+$0x130] =	vst v30;
	v28 =	vadd.f32 v28, v23  }
0x2b1: {  	[tilespmem:s0+$0xFFFFFE30] =	vst v31;
	v29 =	vadd.f32 v29, v23;
	v30 =	vld [tilespmem:s2+$0x140]  }
0x2b2: {  	v31 =	vld [tilespmem:s2+$0xFFFFFE40];
	v33 =	vadd.f32 v33, v23;
	[tilespmem:s0+$0x1C0] =	vst v28  }
0x2b3: {  	[tilespmem:s0+$0xFFFFFEC0] =	vst v29;
	v27 =	vadd.f32 v27, v23;
	v28 =	vld [tilespmem:s2+$0x1D0]  }
0x2b4: {  	v29 =	vld [tilespmem:s2+$0xFFFFFED0];
	[tilespmem:s0+$0xFFFFFF40] =	vst v33;
	v32 =	vadd.f32 v32, v23  }
0x2b5: {  	v33 =	vld [tilespmem:s2+$0xFFFFFF50];
	[tilespmem:s0+$0xFFFFFFC0] =	vst v27;
	v26 =	vadd.f32 v26, v23  }
0x2b6: {  	v27 =	vld [tilespmem:s2+$0xFFFFFFD0];
	[tilespmem:s0+$0x40] =	vst v32;
	v30 =	vadd.f32 v30, v23  }
0x2b7: {  	v31 =	vadd.f32 v31, v23;
	v32 =	vld [tilespmem:s2+$0x50];
	[tilespmem:s0+$0xC0] =	vst v26  }
0x2b8: {  	v26 =	vld [tilespmem:s2+$0xD0];
	[tilespmem:s0+$0x140] =	vst v30;
	v28 =	vadd.f32 v28, v24  }
0x2b9: {  	[tilespmem:s0+$0xFFFFFE40] =	vst v31;
	v29 =	vadd.f32 v29, v24;
	v30 =	vld [tilespmem:s2+$0x150]  }
0x2ba: {  	v31 =	vld [tilespmem:s2+$0xFFFFFE50];
	v33 =	vadd.f32 v33, v24;
	[tilespmem:s0+$0x1D0] =	vst v28  }
0x2bb: {  	[tilespmem:s0+$0xFFFFFED0] =	vst v29;
	v27 =	vadd.f32 v27, v24;
	v28 =	vld [tilespmem:s2+$0x1E0]  }
0x2bc: {  	v29 =	vld [tilespmem:s2+$0xFFFFFEE0];
	[tilespmem:s0+$0xFFFFFF50] =	vst v33;
	v32 =	vadd.f32 v32, v24  }
0x2bd: {  	v33 =	vld [tilespmem:s2+$0xFFFFFF60];
	[tilespmem:s0+$0xFFFFFFD0] =	vst v27;
	v26 =	vadd.f32 v26, v24  }
0x2be: {  	v27 =	vld [tilespmem:s2+$0xFFFFFFE0];
	[tilespmem:s0+$0x50] =	vst v32;
	v30 =	vadd.f32 v30, v24  }
0x2bf: {  	v31 =	vadd.f32 v31, v24;
	v32 =	vld [tilespmem:s2+$0x60];
	[tilespmem:s0+$0xD0] =	vst v26  }
0x2c0: {  	v26 =	vld [tilespmem:s2+$0xE0];
	[tilespmem:s0+$0x150] =	vst v30;
	v28 =	vadd.f32 v28, v25  }
0x2c1: {  	[tilespmem:s0+$0xFFFFFE50] =	vst v31;
	v29 =	vadd.f32 v29, v25;
	v30 =	vld [tilespmem:s2+$0x160]  }
0x2c2: {  	v31 =	vld [tilespmem:s2+$0xFFFFFE60];
	v33 =	vadd.f32 v33, v25;
	[tilespmem:s0+$0x1E0] =	vst v28  }
0x2c3: {  	[tilespmem:s0+$0xFFFFFEE0] =	vst v29;
	v27 =	vadd.f32 v27, v25;
	v29 =	vld [tilespmem:s2+$0x1F0]  }
0x2c4: {  	v34 =	vld [tilespmem:s2+$0xFFFFFEF0];
	[tilespmem:s0+$0xFFFFFF60] =	vst v33;
	v28 =	vadd.f32 v32, v25  }
0x2c5: {  	v33 =	vld [tilespmem:s2+$0xFFFFFF70];
	[tilespmem:s0+$0xFFFFFFE0] =	vst v27;
	v27 =	vadd.f32 v26, v25  }
.Ltmp6:
0x2c6: {  	v26 =	vld [tilespmem:s2+$0xFFFFFFF0];
	[tilespmem:s0+$0x60] =	vst v28;
	v30 =	vadd.f32 v30, v25;
	(pc) =	sbr.rel @p0 .LBB2_13-.Ltmp6, $4  }
0x2c7: {  	v31 =	vadd.f32 v31, v25;
	v28 =	vld [tilespmem:s2+$0x70];
	[tilespmem:s0+$0xE0] =	vst v27  }
0x2c8: {  	v27 =	vld [tilespmem:s2+$0xF0];
	[tilespmem:s0+$0x160] =	vst v30;
	v35 =	vadd.f32 v29, v18  }
0x2c9: {  	[tilespmem:s0+$0xFFFFFE60] =	vst v31;
	v32 =	vadd.f32 v34, v18;
	v29 =	vld [tilespmem:s2+$0x170]  }
0x2ca: {  	v30 =	vld [tilespmem:s2+$0xFFFFFE70];
	v31 =	vadd.f32 v33, v18;
	[tilespmem:s0+$0x1F0] =	vst v35;
	s2 =	sadd.s32 $0x400, s2  }
0x2cb: {  	[tilespmem:s0+$0xFFFFFEF0] =	vst v32;
	v19 =	vadd.f32 v26, v18  }
0x2cc: {  	[tilespmem:s0+$0xFFFFFF70] =	vst v31;
	v20 =	vadd.f32 v28, v18  }
0x2cd: {  	[tilespmem:s0+$0xFFFFFFF0] =	vst v19;
	v19 =	vadd.f32 v27, v18  }
0x2ce: {  	[tilespmem:s0+$0x70] =	vst v20;
	v20 =	vadd.f32 v29, v18  }
0x2cf: {  	v18 =	vadd.f32 v30, v18;
	[tilespmem:s0+$0xF0] =	vst v19  }
0x2d0: {  	[tilespmem:s0+$0x170] =	vst v20  }
0x2d1: {  	[tilespmem:s0+$0xFFFFFE70] =	vst v18  }
0x2d2: {  	[tilespmem:$0x1CF00] =	vst v1  }
0x2d3: {  	[tilespmem:$0x1CF10] =	vst v2  }
0x2d4: {  	[tilespmem:$0x1CF20] =	vst v3  }
0x2d5: {  	[tilespmem:$0x1CF30] =	vst v4  }
0x2d6: {  	[tilespmem:$0x1CF40] =	vst v5  }
0x2d7: {  	[tilespmem:$0x1CF50] =	vst v6  }
0x2d8: {  	[tilespmem:$0x1CF60] =	vst v7  }
0x2d9: {  	[tilespmem:$0x1CF70] =	vst v8  }
0x2da: {  	[hbm4b:s4+s21] =	stream.indirect.scatter [tilespmem:s24], [sflag:$0x6], $0x80, s22, s21, $0xb8;
	[tilespmem:$0x1D080] =	vst v63  }
0x2db: {  	_ =	swait.ge [sflag:s25], $0x4000  }
0x2dc: {  	[sflag:s25] =	ssyncset.done $0x0  }
0x2dd: {  	[sflag:s25] =	ssyncadd.s32 $0xFFFFC000  }
0x2de: {  	_ =	swait.ge [sflag:s17], $0x4000  }
0x2df: {  	[sflag:s17] =	ssyncset.done $0x0  }
0x2e0: {  	s23 =	rddreg [dreg:$0x7];
	[sflag:s17] =	ssyncadd.s32 $0xFFFFC000  }
0x2e1: {  	v19 =	vld [tilespmem:s23+$0x3300]  }
0x2e2: {  	v20 =	vld [tilespmem:s23+$0x3310]  }
0x2e3: {  	v21 =	vld [tilespmem:s23+$0x3320]  }
0x2e4: {  	v22 =	vld [tilespmem:s23+$0x3330]  }
0x2e5: {  	v23 =	vld [tilespmem:s23+$0x3340]  }
0x2e6: {  	v24 =	vld [tilespmem:s23+$0x3350]  }
0x2e7: {  	v25 =	vld [tilespmem:s23+$0x3360]  }
0x2e8: {  	s2 =	simm.s32 $0x9100;
	v18 =	vld [tilespmem:s23+$0x3370]  }
0x2e9: {  	v26 =	vld [tilespmem:s2+$0x180]  }
0x2ea: {  	v27 =	vld [tilespmem:s2+$0xFFFFFE80]  }
0x2eb: {  	v28 =	vld [tilespmem:s2+$0xFFFFFF00]  }
0x2ec: {  	v29 =	vld [tilespmem:s2+$0xFFFFFF80]  }
0x2ed: {  	v30 =	vld [tilespmem:s2+$0x0]  }
0x2ee: {  	v31 =	vld [tilespmem:s2+$0x80];
	v26 =	vadd.f32 v26, v19  }
0x2ef: {  	s0 =	simm.s32 $0x15100;
	v59 =	vld [tilespmem:s2+$0x100];
	v27 =	vadd.f32 v27, v19  }
0x2f0: {  	v33 =	vld [tilespmem:s2+$0xFFFFFE00];
	v28 =	vadd.f32 v28, v19;
	[tilespmem:s0+$0x180] =	vst v26  }
0x2f1: {  	[tilespmem:s0+$0xFFFFFE80] =	vst v27;
	v26 =	vadd.f32 v29, v19;
	v27 =	vld [tilespmem:s2+$0x190]  }
0x2f2: {  	[tilespmem:s0+$0xFFFFFF00] =	vst v28;
	v28 =	vadd.f32 v30, v19;
	v29 =	vld [tilespmem:s2+$0xFFFFFE90]  }
0x2f3: {  	v30 =	vld [tilespmem:s2+$0xFFFFFF10];
	[tilespmem:s0+$0xFFFFFF80] =	vst v26;
	v26 =	vadd.f32 v31, v19  }
0x2f4: {  	[tilespmem:s0+$0x0] =	vst v28;
	v28 =	vadd.f32 v59, v19;
	v31 =	vld [tilespmem:s2+$0xFFFFFF90]  }
0x2f5: {  	v60 =	vadd.f32 v33, v19;
	v61 =	vld [tilespmem:s2+$0x10];
	[tilespmem:s0+$0x80] =	vst v26  }
0x2f6: {  	[tilespmem:s0+$0x100] =	vst v28;
	v26 =	vld [tilespmem:s2+$0x90];
	v27 =	vadd.f32 v27, v20  }
0x2f7: {  	[tilespmem:s0+$0xFFFFFE00] =	vst v60;
	v28 =	vadd.f32 v29, v20;
	v29 =	vld [tilespmem:s2+$0x110]  }
0x2f8: {  	v32 =	vld [tilespmem:s2+$0xFFFFFE10];
	v30 =	vadd.f32 v30, v20;
	[tilespmem:s0+$0x190] =	vst v27  }
0x2f9: {  	[tilespmem:s0+$0xFFFFFE90] =	vst v28;
	v27 =	vadd.f32 v31, v20;
	v28 =	vld [tilespmem:s2+$0x1A0]  }
0x2fa: {  	[tilespmem:s0+$0xFFFFFF10] =	vst v30;
	v30 =	vadd.f32 v61, v20;
	v31 =	vld [tilespmem:s2+$0xFFFFFEA0]  }
0x2fb: {  	v62 =	vld [tilespmem:s2+$0xFFFFFF20];
	[tilespmem:s0+$0xFFFFFF90] =	vst v27;
	v26 =	vadd.f32 v26, v20  }
0x2fc: {  	[tilespmem:s0+$0x10] =	vst v30;
	v27 =	vld [tilespmem:s2+$0xFFFFFFA0];
	v29 =	vadd.f32 v29, v20  }
0x2fd: {  	v30 =	vadd.f32 v32, v20;
	v63 =	vld [tilespmem:s2+$0x20];
	[tilespmem:s0+$0x90] =	vst v26  }
0x2fe: {  	v26 =	vld [tilespmem:s2+$0xA0];
	[tilespmem:s0+$0x110] =	vst v29;
	v28 =	vadd.f32 v28, v21  }
0x2ff: {  	[tilespmem:s0+$0xFFFFFE10] =	vst v30;
	v29 =	vadd.f32 v31, v21;
	v30 =	vld [tilespmem:s2+$0x120]  }
0x300: {  	v31 =	vld [tilespmem:s2+$0xFFFFFE20];
	v33 =	vadd.f32 v62, v21;
	[tilespmem:s0+$0x1A0] =	vst v28  }
0x301: {  	[tilespmem:s0+$0xFFFFFEA0] =	vst v29;
	v27 =	vadd.f32 v27, v21;
	v28 =	vld [tilespmem:s2+$0x1B0]  }
0x302: {  	[tilespmem:s0+$0xFFFFFF20] =	vst v33;
	v32 =	vadd.f32 v63, v21;
	v29 =	vld [tilespmem:s2+$0xFFFFFEB0]  }
0x303: {  	v33 =	vld [tilespmem:s2+$0xFFFFFF30];
	[tilespmem:s0+$0xFFFFFFA0] =	vst v27;
	v26 =	vadd.f32 v26, v21  }
0x304: {  	[tilespmem:s0+$0x20] =	vst v32;
	v27 =	vld [tilespmem:s2+$0xFFFFFFB0];
	v30 =	vadd.f32 v30, v21  }
0x305: {  	v31 =	vadd.f32 v31, v21;
	v32 =	vld [tilespmem:s2+$0x30];
	[tilespmem:s0+$0xA0] =	vst v26  }
0x306: {  	v26 =	vld [tilespmem:s2+$0xB0];
	[tilespmem:s0+$0x120] =	vst v30;
	v28 =	vadd.f32 v28, v22  }
0x307: {  	[tilespmem:s0+$0xFFFFFE20] =	vst v31;
	v29 =	vadd.f32 v29, v22;
	v30 =	vld [tilespmem:s2+$0x130]  }
0x308: {  	v31 =	vld [tilespmem:s2+$0xFFFFFE30];
	v33 =	vadd.f32 v33, v22;
	[tilespmem:s0+$0x1B0] =	vst v28  }
0x309: {  	[tilespmem:s0+$0xFFFFFEB0] =	vst v29;
	v27 =	vadd.f32 v27, v22;
	v28 =	vld [tilespmem:s2+$0x1C0]  }
0x30a: {  	[tilespmem:s0+$0xFFFFFF30] =	vst v33;
	v32 =	vadd.f32 v32, v22;
	v29 =	vld [tilespmem:s2+$0xFFFFFEC0]  }
0x30b: {  	v33 =	vld [tilespmem:s2+$0xFFFFFF40];
	[tilespmem:s0+$0xFFFFFFB0] =	vst v27;
	v26 =	vadd.f32 v26, v22  }
0x30c: {  	[tilespmem:s0+$0x30] =	vst v32;
	v27 =	vld [tilespmem:s2+$0xFFFFFFC0];
	v30 =	vadd.f32 v30, v22  }
0x30d: {  	v31 =	vadd.f32 v31, v22;
	v32 =	vld [tilespmem:s2+$0x40];
	[tilespmem:s0+$0xB0] =	vst v26  }
0x30e: {  	v26 =	vld [tilespmem:s2+$0xC0];
	[tilespmem:s0+$0x130] =	vst v30;
	v28 =	vadd.f32 v28, v23  }
0x30f: {  	[tilespmem:s0+$0xFFFFFE30] =	vst v31;
	v29 =	vadd.f32 v29, v23;
	v30 =	vld [tilespmem:s2+$0x140]  }
0x310: {  	v31 =	vld [tilespmem:s2+$0xFFFFFE40];
	v33 =	vadd.f32 v33, v23;
	[tilespmem:s0+$0x1C0] =	vst v28  }
0x311: {  	[tilespmem:s0+$0xFFFFFEC0] =	vst v29;
	v27 =	vadd.f32 v27, v23;
	v28 =	vld [tilespmem:s2+$0x1D0]  }
0x312: {  	[tilespmem:s0+$0xFFFFFF40] =	vst v33;
	v32 =	vadd.f32 v32, v23;
	v29 =	vld [tilespmem:s2+$0xFFFFFED0]  }
0x313: {  	v33 =	vld [tilespmem:s2+$0xFFFFFF50];
	[tilespmem:s0+$0xFFFFFFC0] =	vst v27;
	v26 =	vadd.f32 v26, v23  }
0x314: {  	[tilespmem:s0+$0x40] =	vst v32;
	v27 =	vld [tilespmem:s2+$0xFFFFFFD0];
	v30 =	vadd.f32 v30, v23  }
0x315: {  	v31 =	vadd.f32 v31, v23;
	v32 =	vld [tilespmem:s2+$0x50];
	[tilespmem:s0+$0xC0] =	vst v26  }
0x316: {  	v26 =	vld [tilespmem:s2+$0xD0];
	[tilespmem:s0+$0x140] =	vst v30;
	v28 =	vadd.f32 v28, v24  }
0x317: {  	[tilespmem:s0+$0xFFFFFE40] =	vst v31;
	v29 =	vadd.f32 v29, v24;
	v30 =	vld [tilespmem:s2+$0x150]  }
0x318: {  	v31 =	vld [tilespmem:s2+$0xFFFFFE50];
	v33 =	vadd.f32 v33, v24;
	[tilespmem:s0+$0x1D0] =	vst v28  }
0x319: {  	[tilespmem:s0+$0xFFFFFED0] =	vst v29;
	v27 =	vadd.f32 v27, v24;
	v28 =	vld [tilespmem:s2+$0x1E0]  }
0x31a: {  	[tilespmem:s0+$0xFFFFFF50] =	vst v33;
	v32 =	vadd.f32 v32, v24;
	v29 =	vld [tilespmem:s2+$0xFFFFFEE0]  }
0x31b: {  	v33 =	vld [tilespmem:s2+$0xFFFFFF60];
	[tilespmem:s0+$0xFFFFFFD0] =	vst v27;
	v26 =	vadd.f32 v26, v24  }
0x31c: {  	[tilespmem:s0+$0x50] =	vst v32;
	v27 =	vld [tilespmem:s2+$0xFFFFFFE0];
	v30 =	vadd.f32 v30, v24  }
0x31d: {  	v31 =	vadd.f32 v31, v24;
	v32 =	vld [tilespmem:s2+$0x60];
	[tilespmem:s0+$0xD0] =	vst v26  }
0x31e: {  	v26 =	vld [tilespmem:s2+$0xE0];
	[tilespmem:s0+$0x150] =	vst v30;
	v28 =	vadd.f32 v28, v25  }
0x31f: {  	[tilespmem:s0+$0xFFFFFE50] =	vst v31;
	v29 =	vadd.f32 v29, v25;
	v30 =	vld [tilespmem:s2+$0x160]  }
0x320: {  	v31 =	vld [tilespmem:s2+$0xFFFFFE60];
	v33 =	vadd.f32 v33, v25;
	[tilespmem:s0+$0x1E0] =	vst v28  }
0x321: {  	[tilespmem:s0+$0xFFFFFEE0] =	vst v29;
	v27 =	vadd.f32 v27, v25;
	v29 =	vld [tilespmem:s2+$0x1F0]  }
0x322: {  	[tilespmem:s0+$0xFFFFFF60] =	vst v33;
	v28 =	vadd.f32 v32, v25;
	v34 =	vld [tilespmem:s2+$0xFFFFFEF0]  }
0x323: {  	v33 =	vld [tilespmem:s2+$0xFFFFFF70];
	[tilespmem:s0+$0xFFFFFFE0] =	vst v27;
	v27 =	vadd.f32 v26, v25  }
0x324: {  	[tilespmem:s0+$0x60] =	vst v28;
	v26 =	vld [tilespmem:s2+$0xFFFFFFF0];
	v30 =	vadd.f32 v30, v25  }
0x325: {  	v31 =	vadd.f32 v31, v25;
	v28 =	vld [tilespmem:s2+$0x70];
	[tilespmem:s0+$0xE0] =	vst v27  }
0x326: {  	v27 =	vld [tilespmem:s2+$0xF0];
	[tilespmem:s0+$0x160] =	vst v30;
	v35 =	vadd.f32 v29, v18  }
0x327: {  	[tilespmem:s0+$0xFFFFFE60] =	vst v31;
	v29 =	vld [tilespmem:s2+$0x170];
	v32 =	vadd.f32 v34, v18  }
0x328: {  	s15 =	simm.s32 $0x0;
	v30 =	vld [tilespmem:s2+$0xFFFFFE70];
	v31 =	vadd.f32 v33, v18;
	s2 =	simm.s32 $0x9500;
	[tilespmem:s0+$0x1F0] =	vst v35  }
.LBB2_15:
0x329: {  	v33 =	vld [tilespmem:s2+$0x180];
	s15 =	sadd.s32 $0x8, s15;
	[tilespmem:s0+$0xFFFFFEF0] =	vst v32;
	v26 =	vadd.f32 v26, v18  }
0x32a: {  	v32 =	vld [tilespmem:s2+$0xFFFFFE80];
	p0 =	slt.u32 s15, $0x78;
	[tilespmem:s0+$0xFFFFFF70] =	vst v31;
	v28 =	vadd.f32 v28, v18  }
0x32b: {  	v31 =	vld [tilespmem:s2+$0xFFFFFF00];
	[tilespmem:s0+$0xFFFFFFF0] =	vst v26;
	v26 =	vadd.f32 v27, v18  }
0x32c: {  	v27 =	vld [tilespmem:s2+$0xFFFFFF80];
	[tilespmem:s0+$0x70] =	vst v28;
	v28 =	vadd.f32 v29, v18  }
0x32d: {  	v29 =	vld [tilespmem:s2+$0x0];
	v30 =	vadd.f32 v30, v18;
	[tilespmem:s0+$0xF0] =	vst v26  }
0x32e: {  	v26 =	vld [tilespmem:s2+$0x80];
	v33 =	vadd.f32 v33, v19;
	[tilespmem:s0+$0x170] =	vst v28  }
0x32f: {  	v28 =	vadd.f32 v32, v19;
	v32 =	vld [tilespmem:s2+$0x100];
	[tilespmem:s0+$0xFFFFFE70] =	vst v30;
	s0 =	sadd.s32 $0x400, s0  }
0x330: {  	v30 =	vld [tilespmem:s2+$0xFFFFFE00];
	v31 =	vadd.f32 v31, v19;
	[tilespmem:s0+$0x180] =	vst v33  }
0x331: {  	[tilespmem:s0+$0xFFFFFE80] =	vst v28;
	v27 =	vadd.f32 v27, v19;
	v28 =	vld [tilespmem:s2+$0x190]  }
0x332: {  	v33 =	vld [tilespmem:s2+$0xFFFFFE90];
	[tilespmem:s0+$0xFFFFFF00] =	vst v31;
	v29 =	vadd.f32 v29, v19  }
0x333: {  	v31 =	vld [tilespmem:s2+$0xFFFFFF10];
	[tilespmem:s0+$0xFFFFFF80] =	vst v27;
	v26 =	vadd.f32 v26, v19  }
0x334: {  	v27 =	vld [tilespmem:s2+$0xFFFFFF90];
	[tilespmem:s0+$0x0] =	vst v29;
	v29 =	vadd.f32 v32, v19  }
0x335: {  	v30 =	vadd.f32 v30, v19;
	v32 =	vld [tilespmem:s2+$0x10];
	[tilespmem:s0+$0x80] =	vst v26  }
0x336: {  	v26 =	vld [tilespmem:s2+$0x90];
	[tilespmem:s0+$0x100] =	vst v29;
	v28 =	vadd.f32 v28, v20  }
0x337: {  	[tilespmem:s0+$0xFFFFFE00] =	vst v30;
	v29 =	vadd.f32 v33, v20;
	v30 =	vld [tilespmem:s2+$0x110]  }
0x338: {  	v33 =	vld [tilespmem:s2+$0xFFFFFE10];
	v31 =	vadd.f32 v31, v20;
	[tilespmem:s0+$0x190] =	vst v28  }
0x339: {  	[tilespmem:s0+$0xFFFFFE90] =	vst v29;
	v27 =	vadd.f32 v27, v20;
	v28 =	vld [tilespmem:s2+$0x1A0]  }
0x33a: {  	v29 =	vld [tilespmem:s2+$0xFFFFFEA0];
	[tilespmem:s0+$0xFFFFFF10] =	vst v31;
	v31 =	vadd.f32 v32, v20  }
0x33b: {  	v32 =	vld [tilespmem:s2+$0xFFFFFF20];
	[tilespmem:s0+$0xFFFFFF90] =	vst v27;
	v26 =	vadd.f32 v26, v20  }
0x33c: {  	v27 =	vld [tilespmem:s2+$0xFFFFFFA0];
	[tilespmem:s0+$0x10] =	vst v31;
	v30 =	vadd.f32 v30, v20  }
0x33d: {  	v31 =	vadd.f32 v33, v20;
	v33 =	vld [tilespmem:s2+$0x20];
	[tilespmem:s0+$0x90] =	vst v26  }
0x33e: {  	v26 =	vld [tilespmem:s2+$0xA0];
	[tilespmem:s0+$0x110] =	vst v30;
	v28 =	vadd.f32 v28, v21  }
0x33f: {  	[tilespmem:s0+$0xFFFFFE10] =	vst v31;
	v29 =	vadd.f32 v29, v21;
	v30 =	vld [tilespmem:s2+$0x120]  }
0x340: {  	v31 =	vld [tilespmem:s2+$0xFFFFFE20];
	v32 =	vadd.f32 v32, v21;
	[tilespmem:s0+$0x1A0] =	vst v28  }
0x341: {  	[tilespmem:s0+$0xFFFFFEA0] =	vst v29;
	v27 =	vadd.f32 v27, v21;
	v28 =	vld [tilespmem:s2+$0x1B0]  }
0x342: {  	v29 =	vld [tilespmem:s2+$0xFFFFFEB0];
	[tilespmem:s0+$0xFFFFFF20] =	vst v32;
	v32 =	vadd.f32 v33, v21  }
0x343: {  	v33 =	vld [tilespmem:s2+$0xFFFFFF30];
	[tilespmem:s0+$0xFFFFFFA0] =	vst v27;
	v26 =	vadd.f32 v26, v21  }
0x344: {  	v27 =	vld [tilespmem:s2+$0xFFFFFFB0];
	[tilespmem:s0+$0x20] =	vst v32;
	v30 =	vadd.f32 v30, v21  }
0x345: {  	v31 =	vadd.f32 v31, v21;
	v32 =	vld [tilespmem:s2+$0x30];
	[tilespmem:s0+$0xA0] =	vst v26  }
0x346: {  	v26 =	vld [tilespmem:s2+$0xB0];
	[tilespmem:s0+$0x120] =	vst v30;
	v28 =	vadd.f32 v28, v22  }
0x347: {  	[tilespmem:s0+$0xFFFFFE20] =	vst v31;
	v29 =	vadd.f32 v29, v22;
	v30 =	vld [tilespmem:s2+$0x130]  }
0x348: {  	v31 =	vld [tilespmem:s2+$0xFFFFFE30];
	v33 =	vadd.f32 v33, v22;
	[tilespmem:s0+$0x1B0] =	vst v28  }
0x349: {  	[tilespmem:s0+$0xFFFFFEB0] =	vst v29;
	v27 =	vadd.f32 v27, v22;
	v28 =	vld [tilespmem:s2+$0x1C0]  }
0x34a: {  	v29 =	vld [tilespmem:s2+$0xFFFFFEC0];
	[tilespmem:s0+$0xFFFFFF30] =	vst v33;
	v32 =	vadd.f32 v32, v22  }
0x34b: {  	v33 =	vld [tilespmem:s2+$0xFFFFFF40];
	[tilespmem:s0+$0xFFFFFFB0] =	vst v27;
	v26 =	vadd.f32 v26, v22  }
0x34c: {  	v27 =	vld [tilespmem:s2+$0xFFFFFFC0];
	[tilespmem:s0+$0x30] =	vst v32;
	v30 =	vadd.f32 v30, v22  }
0x34d: {  	v31 =	vadd.f32 v31, v22;
	v32 =	vld [tilespmem:s2+$0x40];
	[tilespmem:s0+$0xB0] =	vst v26  }
0x34e: {  	v26 =	vld [tilespmem:s2+$0xC0];
	[tilespmem:s0+$0x130] =	vst v30;
	v28 =	vadd.f32 v28, v23  }
0x34f: {  	[tilespmem:s0+$0xFFFFFE30] =	vst v31;
	v29 =	vadd.f32 v29, v23;
	v30 =	vld [tilespmem:s2+$0x140]  }
0x350: {  	v31 =	vld [tilespmem:s2+$0xFFFFFE40];
	v33 =	vadd.f32 v33, v23;
	[tilespmem:s0+$0x1C0] =	vst v28  }
0x351: {  	[tilespmem:s0+$0xFFFFFEC0] =	vst v29;
	v27 =	vadd.f32 v27, v23;
	v28 =	vld [tilespmem:s2+$0x1D0]  }
0x352: {  	v29 =	vld [tilespmem:s2+$0xFFFFFED0];
	[tilespmem:s0+$0xFFFFFF40] =	vst v33;
	v32 =	vadd.f32 v32, v23  }
0x353: {  	v33 =	vld [tilespmem:s2+$0xFFFFFF50];
	[tilespmem:s0+$0xFFFFFFC0] =	vst v27;
	v26 =	vadd.f32 v26, v23  }
0x354: {  	v27 =	vld [tilespmem:s2+$0xFFFFFFD0];
	[tilespmem:s0+$0x40] =	vst v32;
	v30 =	vadd.f32 v30, v23  }
0x355: {  	v31 =	vadd.f32 v31, v23;
	v32 =	vld [tilespmem:s2+$0x50];
	[tilespmem:s0+$0xC0] =	vst v26  }
0x356: {  	v26 =	vld [tilespmem:s2+$0xD0];
	[tilespmem:s0+$0x140] =	vst v30;
	v28 =	vadd.f32 v28, v24  }
0x357: {  	[tilespmem:s0+$0xFFFFFE40] =	vst v31;
	v29 =	vadd.f32 v29, v24;
	v30 =	vld [tilespmem:s2+$0x150]  }
0x358: {  	v31 =	vld [tilespmem:s2+$0xFFFFFE50];
	v33 =	vadd.f32 v33, v24;
	[tilespmem:s0+$0x1D0] =	vst v28  }
0x359: {  	[tilespmem:s0+$0xFFFFFED0] =	vst v29;
	v27 =	vadd.f32 v27, v24;
	v28 =	vld [tilespmem:s2+$0x1E0]  }
0x35a: {  	v29 =	vld [tilespmem:s2+$0xFFFFFEE0];
	[tilespmem:s0+$0xFFFFFF50] =	vst v33;
	v32 =	vadd.f32 v32, v24  }
0x35b: {  	v33 =	vld [tilespmem:s2+$0xFFFFFF60];
	[tilespmem:s0+$0xFFFFFFD0] =	vst v27;
	v26 =	vadd.f32 v26, v24  }
0x35c: {  	v27 =	vld [tilespmem:s2+$0xFFFFFFE0];
	[tilespmem:s0+$0x50] =	vst v32;
	v30 =	vadd.f32 v30, v24  }
0x35d: {  	v31 =	vadd.f32 v31, v24;
	v32 =	vld [tilespmem:s2+$0x60];
	[tilespmem:s0+$0xD0] =	vst v26  }
0x35e: {  	v26 =	vld [tilespmem:s2+$0xE0];
	[tilespmem:s0+$0x150] =	vst v30;
	v28 =	vadd.f32 v28, v25  }
0x35f: {  	[tilespmem:s0+$0xFFFFFE50] =	vst v31;
	v29 =	vadd.f32 v29, v25;
	v30 =	vld [tilespmem:s2+$0x160]  }
0x360: {  	v31 =	vld [tilespmem:s2+$0xFFFFFE60];
	v33 =	vadd.f32 v33, v25;
	[tilespmem:s0+$0x1E0] =	vst v28  }
0x361: {  	[tilespmem:s0+$0xFFFFFEE0] =	vst v29;
	v27 =	vadd.f32 v27, v25;
	v29 =	vld [tilespmem:s2+$0x1F0]  }
0x362: {  	v34 =	vld [tilespmem:s2+$0xFFFFFEF0];
	[tilespmem:s0+$0xFFFFFF60] =	vst v33;
	v28 =	vadd.f32 v32, v25  }
0x363: {  	v33 =	vld [tilespmem:s2+$0xFFFFFF70];
	[tilespmem:s0+$0xFFFFFFE0] =	vst v27;
	v27 =	vadd.f32 v26, v25  }
.Ltmp7:
0x364: {  	v26 =	vld [tilespmem:s2+$0xFFFFFFF0];
	[tilespmem:s0+$0x60] =	vst v28;
	v30 =	vadd.f32 v30, v25;
	(pc) =	sbr.rel @p0 .LBB2_15-.Ltmp7, $4  }
0x365: {  	v31 =	vadd.f32 v31, v25;
	v28 =	vld [tilespmem:s2+$0x70];
	[tilespmem:s0+$0xE0] =	vst v27  }
0x366: {  	v27 =	vld [tilespmem:s2+$0xF0];
	[tilespmem:s0+$0x160] =	vst v30;
	v35 =	vadd.f32 v29, v18  }
0x367: {  	[tilespmem:s0+$0xFFFFFE60] =	vst v31;
	v32 =	vadd.f32 v34, v18;
	v29 =	vld [tilespmem:s2+$0x170]  }
0x368: {  	v30 =	vld [tilespmem:s2+$0xFFFFFE70];
	v31 =	vadd.f32 v33, v18;
	[tilespmem:s0+$0x1F0] =	vst v35;
	s2 =	sadd.s32 $0x400, s2  }
0x369: {  	[tilespmem:s0+$0xFFFFFEF0] =	vst v32;
	v19 =	vadd.f32 v26, v18  }
0x36a: {  	[tilespmem:s0+$0xFFFFFF70] =	vst v31;
	v20 =	vadd.f32 v28, v18  }
0x36b: {  	[tilespmem:s0+$0xFFFFFFF0] =	vst v19;
	v19 =	vadd.f32 v27, v18  }
0x36c: {  	[tilespmem:s0+$0x70] =	vst v20;
	v63 =	vadd.f32 v29, v18  }
0x36d: {  	v18 =	vadd.f32 v30, v18;
	[tilespmem:s0+$0xF0] =	vst v19  }
0x36e: {  	[tilespmem:s0+$0x170] =	vst v63  }
0x36f: {  	[tilespmem:s0+$0xFFFFFE70] =	vst v18  }
0x370: {  	[tilespmem:$0x1CF80] =	vst v9  }
0x371: {  	[tilespmem:$0x1CF90] =	vst v10  }
0x372: {  	[tilespmem:$0x1CFA0] =	vst v11  }
0x373: {  	[tilespmem:$0x1CFB0] =	vst v12  }
0x374: {  	[tilespmem:$0x1CFC0] =	vst v13  }
0x375: {  	[tilespmem:$0x1CFD0] =	vst v14  }
0x376: {  	[tilespmem:$0x1CFE0] =	vst v15  }
0x377: {  	[tilespmem:$0x1CFF0] =	vst v16  }
0x378: {  	[hbm4b:s4+s21] =	stream.indirect.scatter [tilespmem:s31], [sflag:$0x7], $0x80, s29, s21, $0xb8;
	[tilespmem:$0x1D080] =	vst v63  }
0x379: {  	_ =	swait.ge [sflag:s14], $0x4000  }
0x37a: {  	[sflag:s14] =	ssyncset.done $0x0  }
0x37b: {  	[sflag:s14] =	ssyncadd.s32 $0xFFFFC000  }
0x37c: {  	_ =	swait.ge [sflag:s17], $0x4000  }
0x37d: {  	[sflag:s17] =	ssyncset.done $0x0  }
0x37e: {  	s20 =	simm.s32 $0x8;
	[sflag:s17] =	ssyncadd.s32 $0xFFFFC000  }
0x37f: {  	_ =	swait.ge [sflag:s20], $0x4000  }
0x380: {  	s2 =	rddreg [dreg:$0x9]  }
0x381: {  	s23 =	rddreg [dreg:$0x8];
	s2 =	sadd.s32 $0x1, s2  }
0x382: {  	p0 =	sne.s32 s2, s23  }
.Ltmp8:
0x383: {  	_ = 	snop;
	(pc) =	sbr.rel @p0 .LBB2_1-.Ltmp8, $3  }
0x384: {  	_ =	sdelay $0x1  }
0x385: {  	[sflag:s20] =	ssyncset.done $0x0  }
0x386: {  	[sflag:s20] =	ssyncadd.s32 $0xFFFFC000;
	[dreg:$0x9] =	wrdreg s2  }
0x387: {  	_ =	sfence.sel $0x180000  }
0x388: {  	[bflag:$0x0] =	sbarrier.arrive $0xFFFF  }
0x389: {  	_ =	strace $0x90000047  }
0x38a: {  	s0 =	stileid.u32;
	[bflag:$0x2] =	sbarrier.arrive $0xFFFF  }
0x38b: {  	p0 =	sne.s32 s0, $0x0;
	s0 =	rddreg [dreg:$0x4]  }
0x38c: {  	s0 =	sadd.s32 @!p0 $0x100000, s0  }
0x38d: {  	[sflag:s0] =	ssyncadd.tile.s32 @!p0 $0x1;
	_ =	shalt  }
.Lfunc_end2:
_tile_overlayer_lowered:
.L_overlay_start_2:
0x38e: {  	(tag) =	ssettag $0x2  }
0x38f: {  	s0 =	rddreg [dreg:$0x0];
	s2 =	stileid.u32  }
0x390: {  	s1 =	rddreg [dreg:$0x1];
	p0 =	sne.s32 s2, $0x0  }
0x391: {  	s3 =	rddreg [dreg:$0x2];
	[bflag:$0x3] =	sbarrier.arrive $0xFFFF;
	s2 =	simm.s32 @!p0 $0x1C0A  }
0x392: {  	[timem:s3], [sflag:s2] =	dma.local @!p0 [hbm:s0], s1  }
0x393: {  	s0 =	simm.s32 @!p0 $0xA  }
0x394: {  	_ =	swait.ge @!p0 [sflag:s0], s1  }
0x395: {  	s1 =	ssub.s32 @!p0 $0x0, s1;
	[sflag:s0] =	ssyncset.done @!p0 $0x0  }
0x396: {  	[sflag:s0] =	ssyncadd.s32 @!p0 s1  }
0x397: {  	[bflag:$0x3] =	sbarrier.arrive $0xFFFF  }
0x398: {  	_ =	shalt  }

</sc_bundles>
